<compile_context>
chip_gen: v7x
topology: tpu7x:2x2x1
jax: 0.10.2.dev20260603
libtpu: 0.0.44.dev20260713+nightly
codegen_flags: <defaults>
</compile_context>

<pallas_src>
import jax
import jax.numpy as jnp
from jax import lax
from jax.experimental import pallas as pl
from jax.experimental.pallas import tpu as pltpu
from jax.experimental.pallas import tpu_sc as plsc

_B = 4
_T = 2048
_C = 64
_NC = 2
_NS = 16
_NW = _NC * _NS
_TOKS = (_B * _T) // _NW
_WPB = _NW // _B
_R = 8


def _emb_body(x_hbm, tok_hbm, pos_hbm, out_hbm,
              idx_v, cols_v, pos_v, *slabs_and_sems):
    slabs = slabs_and_sems[:_R]
    sems = slabs_and_sems[_R:_R + _R]
    pos_sem = slabs_and_sems[2 * _R]

    wid = lax.axis_index("s") * _NC + lax.axis_index("c")
    b = lax.div(wid, _WPB)
    t0 = pl.multiple_of(lax.rem(wid, _WPB) * _TOKS, 128)

    pltpu.sync_copy(x_hbm.at[b, pl.ds(t0, _TOKS)], idx_v)
    pos_cp = pltpu.async_copy(pos_hbm.at[:, pl.ds(t0, _TOKS)], pos_v, pos_sem)

    def fire(j, idx, slot):
        start = pl.multiple_of((idx >> 7) * 128, 128)
        pltpu.async_copy(
            tok_hbm.at[:, pl.ds(start, 128)], slabs[slot], sems[slot]
        )

    def extract(j, idx, slot):
        pltpu.make_async_copy(
            tok_hbm.at[:, pl.ds(0, 128)], slabs[slot], sems[slot]
        ).wait()
        cl = jnp.full((16,), idx & 127, dtype=jnp.int32)
        cj = jnp.full((16,), j, dtype=jnp.int32)
        for jj in range(_C // 16):
            rows = lax.iota(jnp.int32, 16) + (16 * jj)
            vals = plsc.load_gather(slabs[slot], [rows, cl])
            pvals = plsc.load_gather(pos_v, [rows, cj])
            plsc.store_scatter(cols_v, [rows, cj], vals + pvals)

    n_groups = _TOKS // 16
    pos_cp.wait()

    def group(g, prev_chunk):
        chunk = idx_v[pl.ds(g * 16, 16)]
        for l in range(16):
            if l < _R:
                @pl.when(g >= 1)
                def _(l=l):
                    extract(g * 16 + l - _R, prev_chunk[16 - _R + l], l % _R)
            else:
                extract(g * 16 + l - _R, chunk[l - _R], l % _R)
            fire(g * 16 + l, chunk[l], l % _R)
        return chunk

    last_chunk = lax.fori_loop(0, n_groups, group, jnp.zeros(16, jnp.int32))

    for l in range(16 - _R, 16):
        extract((n_groups - 1) * 16 + l, last_chunk[l], l % _R)

    pltpu.sync_copy(cols_v, out_hbm.at[b, :, pl.ds(t0, _TOKS)])


@jax.jit
def _emb(x2d, tok_t, pos_t):
    mesh = plsc.VectorSubcoreMesh(core_axis_name="c", subcore_axis_name="s")
    f = pl.kernel(
        _emb_body,
        out_type=jax.ShapeDtypeStruct((_B, _C, _T), jnp.float32),
        mesh=mesh,
        scratch_types=[
            pltpu.VMEM((_TOKS,), jnp.int32),
            pltpu.VMEM((_C, _TOKS), jnp.float32),
            pltpu.VMEM((_C, _TOKS), jnp.float32),
        ] + [pltpu.VMEM((_C, 128), jnp.float32)] * _R
          + [pltpu.SemaphoreType.DMA] * (_R + 1),
        compiler_params=pltpu.CompilerParams(
            use_tc_tiling_on_sc=True, needs_layout_passes=False
        ),
    )
    return f(x2d, tok_t, pos_t)


def kernel(x, tok_table, pos_table):
    out_t = _emb(x.astype(jnp.int32), tok_table.T, pos_table.T)
    return out_t.transpose(0, 2, 1)

# --- scband reference (transcript-rebuilt; emitter-appended) ---
"""Pipeline reference for scband-embedding-layer-9844065042561 (READ-ONLY COPY).

The authoritative reference and input builder live on the scoring server;
editing this copy changes nothing except your own understanding.
"""

import jax, jax.numpy as jnp
import numpy as np

VOCAB = 1000000
N_EMBD = 64
SEQ_LEN = 2048
BATCH = 4

def setup_inputs(seed: int = 0) -> dict:
    key = jax.random.key(seed)
    k1, k2, k3 = jax.random.split(key, 3)
    x = jax.random.randint(k1, (BATCH, SEQ_LEN), 0, VOCAB, dtype=jnp.int64 if jax.config.jax_enable_x64 else jnp.int32)
    tok_table = jax.random.normal(k2, (VOCAB, N_EMBD), dtype=jnp.float32) * 0.02
    pos_table = jax.random.normal(k3, (SEQ_LEN, N_EMBD), dtype=jnp.float32) * 0.02
    return {"x": x, "tok_table": tok_table, "pos_table": pos_table}

def reference(x, tok_table, pos_table):
    # token embedding: gather rows of tok_table by token index
    tok_embed_mat = jnp.take(tok_table, x, axis=0)  # (B, T, C)
    # positional embedding: gather rows 0..T-1
    pos = jnp.arange(0, x.shape[1])
    pos_embed_mat = jnp.take(pos_table, pos, axis=0)  # (T, C)
    embed_mat = tok_embed_mat + pos_embed_mat[None, :, :]
    return embed_mat

if __name__ == "__main__":
    import jax
    _d = setup_inputs()
    print(jax.jit(kernel)(*tuple(_d.values())))

</pallas_src>

<mosaic_0001>
#map = affine_map<(d0, d1) -> (0, 0)>
#map1 = affine_map<(d0, d1) -> (0, 0, 0)>
module attributes {stable_mosaic.version = 14 : i64} {
  func.func @_emb_body(%arg0: i32, %arg1: i32, %arg2: memref<4x2048xi32, #tpu.memory_space<hbm>>, %arg3: memref<64x1000000xf32, #tpu.memory_space<hbm>>, %arg4: memref<64x2048xf32, #tpu.memory_space<hbm>>, %arg5: memref<4x64x2048xf32, #tpu.memory_space<hbm>>, %arg6: memref<256xi32, #tpu.memory_space<vmem>>, %arg7: memref<64x256xf32, #tpu.memory_space<vmem>>, %arg8: memref<64x256xf32, #tpu.memory_space<vmem>>, %arg9: memref<64x128xf32, #tpu.memory_space<vmem>>, %arg10: memref<64x128xf32, #tpu.memory_space<vmem>>, %arg11: memref<64x128xf32, #tpu.memory_space<vmem>>, %arg12: memref<64x128xf32, #tpu.memory_space<vmem>>, %arg13: memref<64x128xf32, #tpu.memory_space<vmem>>, %arg14: memref<64x128xf32, #tpu.memory_space<vmem>>, %arg15: memref<64x128xf32, #tpu.memory_space<vmem>>, %arg16: memref<64x128xf32, #tpu.memory_space<vmem>>, %arg17: memref<!tpu.dma_semaphore, #tpu.memory_space<semaphore_mem>>, %arg18: memref<!tpu.dma_semaphore, #tpu.memory_space<semaphore_mem>>, %arg19: memref<!tpu.dma_semaphore, #tpu.memory_space<semaphore_mem>>, %arg20: memref<!tpu.dma_semaphore, #tpu.memory_space<semaphore_mem>>, %arg21: memref<!tpu.dma_semaphore, #tpu.memory_space<semaphore_mem>>, %arg22: memref<!tpu.dma_semaphore, #tpu.memory_space<semaphore_mem>>, %arg23: memref<!tpu.dma_semaphore, #tpu.memory_space<semaphore_mem>>, %arg24: memref<!tpu.dma_semaphore, #tpu.memory_space<semaphore_mem>>, %arg25: memref<!tpu.dma_semaphore, #tpu.memory_space<semaphore_mem>>) attributes {dimension_semantics = [#tpu.dimension_semantics<core_parallel>, #tpu.dimension_semantics<subcore_parallel>], iteration_bounds = array<i64: 2, 16>, scalar_prefetch = 0 : i64, scratch_operands = 20 : i64, tpu.core_type = #tpu.core_type<sc_vector_subcore>, window_params = [{transform_indices = #map}, {transform_indices = #map}, {transform_indices = #map}, {transform_indices = #map1}]} {
    %mul3A = arith.constant 2 : i32
    %mul3A_0 = arith.muli %arg1, %mul3A : i32
    %add3A = arith.addi %mul3A_0, %arg0 : i32
    %div3A = arith.constant 8 : i32
    %div3A_1 = arith.divsi %add3A, %div3A : i32
    %rem3A = arith.constant 8 : i32
    %rem3A_2 = arith.remsi %add3A, %rem3A : i32
    %mul3A_3 = arith.constant 256 : i32
    %mul3A_4 = arith.muli %rem3A_2, %mul3A_3 : i32
    %multiple_of3A = tpu.assume_multiple %mul3A_4, 128 : i32
    "tpu.region"() ({
      %run_scoped3A = tpu.sem_alloc : memref<!tpu.dma_semaphore, #tpu.memory_space<semaphore_mem>>
      %dma_start3A_340 = tpu.memref_slice %arg2[%div3A_1, %multiple_of3A] : memref<4x2048xi32, #tpu.memory_space<hbm>> -> memref<1x256xi32, #tpu.memory_space<hbm>>
      %dma_start3A_341 = tpu.memref_squeeze %dma_start3A_340 : memref<1x256xi32, #tpu.memory_space<hbm>> -> memref<256xi32, #tpu.memory_space<hbm>>
      %dma_start3A_342 = tpu.memref_slice %arg2[%div3A_1, %multiple_of3A] : memref<4x2048xi32, #tpu.memory_space<hbm>> -> memref<1x256xi32, #tpu.memory_space<hbm>>
      %dma_start3A_343 = tpu.memref_squeeze %dma_start3A_342 : memref<1x256xi32, #tpu.memory_space<hbm>> -> memref<256xi32, #tpu.memory_space<hbm>>
      tpu.enqueue_dma source(%dma_start3A_343 : memref<256xi32, #tpu.memory_space<hbm>>) target(%arg6 : memref<256xi32, #tpu.memory_space<vmem>>) target_semaphore(%run_scoped3A : memref<!tpu.dma_semaphore, #tpu.memory_space<semaphore_mem>>)
      %dma_wait3A_344 = tpu.memref_slice %arg2[%div3A_1, %multiple_of3A] : memref<4x2048xi32, #tpu.memory_space<hbm>> -> memref<1x256xi32, #tpu.memory_space<hbm>>
      %dma_wait3A_345 = tpu.memref_squeeze %dma_wait3A_344 : memref<1x256xi32, #tpu.memory_space<hbm>> -> memref<256xi32, #tpu.memory_space<hbm>>
      %dma_wait3A_346 = tpu.memref_slice %arg2[%div3A_1, %multiple_of3A] : memref<4x2048xi32, #tpu.memory_space<hbm>> -> memref<1x256xi32, #tpu.memory_space<hbm>>
      %dma_wait3A_347 = tpu.memref_squeeze %dma_wait3A_346 : memref<1x256xi32, #tpu.memory_space<hbm>> -> memref<256xi32, #tpu.memory_space<hbm>>
      tpu.wait_dma2 semaphore(%run_scoped3A : memref<!tpu.dma_semaphore, #tpu.memory_space<semaphore_mem>>) src(%dma_wait3A_347 : memref<256xi32, #tpu.memory_space<hbm>>) dst(%arg6 : memref<256xi32, #tpu.memory_space<vmem>>)
      tpu.yield
    }) : () -> ()
    %dma_start3A = arith.constant 0 : i32
    %dma_start3A_5 = tpu.memref_slice %arg4[%dma_start3A, %multiple_of3A] : memref<64x2048xf32, #tpu.memory_space<hbm>> -> memref<64x256xf32, #tpu.memory_space<hbm>>
    %dma_start3A_6 = arith.constant 0 : i32
    %dma_start3A_7 = tpu.memref_slice %arg4[%dma_start3A_6, %multiple_of3A] : memref<64x2048xf32, #tpu.memory_space<hbm>> -> memref<64x256xf32, #tpu.memory_space<hbm>>
    tpu.enqueue_dma source(%dma_start3A_7 : memref<64x256xf32, #tpu.memory_space<hbm>>) target(%arg8 : memref<64x256xf32, #tpu.memory_space<vmem>>) target_semaphore(%arg25 : memref<!tpu.dma_semaphore, #tpu.memory_space<semaphore_mem>>)
    %dma_wait3A = arith.constant 0 : i32
    %dma_wait3A_8 = tpu.memref_slice %arg4[%dma_wait3A, %multiple_of3A] : memref<64x2048xf32, #tpu.memory_space<hbm>> -> memref<64x256xf32, #tpu.memory_space<hbm>>
    %dma_wait3A_9 = arith.constant 0 : i32
    %dma_wait3A_10 = tpu.memref_slice %arg4[%dma_wait3A_9, %multiple_of3A] : memref<64x2048xf32, #tpu.memory_space<hbm>> -> memref<64x256xf32, #tpu.memory_space<hbm>>
    tpu.wait_dma2 semaphore(%arg25 : memref<!tpu.dma_semaphore, #tpu.memory_space<semaphore_mem>>) src(%dma_wait3A_10 : memref<64x256xf32, #tpu.memory_space<hbm>>) dst(%arg8 : memref<64x256xf32, #tpu.memory_space<vmem>>)
    %broadcast_in_dim3A = arith.constant 0 : i32
    %broadcast_in_dim3A_11 = vector.broadcast %broadcast_in_dim3A : i32 to vector<16xi32>
    %scan3A = arith.constant 0 : i32
    %scan3A_12 = arith.constant 16 : i32
    %scan3A_13 = arith.addi %scan3A, %scan3A_12 : i32
    %scan3A_14 = arith.constant 1 : i32
    %scan3A_15 = scf.for %scan3A_340 = %scan3A to %scan3A_13 step %scan3A_14 iter_args(%scan3A_341 = %broadcast_in_dim3A_11) -> (vector<16xi32>)  : i32 {
      %mul3A_342 = arith.constant 16 : i32
      %mul3A_343 = arith.muli %scan3A_340, %mul3A_342 : i32
      %get3A = arith.index_cast %mul3A_343 : i32 to index
      %get3A_344 = tpu.vector_load %arg6[%get3A] {strides = array<i32>} : memref<256xi32, #tpu.memory_space<vmem>>, vector<16xi32>,
      %ge3A = arith.constant 1 : i32
      %ge3A_345 = arith.cmpi sge, %scan3A_340, %ge3A : i32
      %convert_element_type3A = arith.extui %ge3A_345 : i1 to i32
      %cond3A = arith.constant 0 : i32
      %cond3A_346 = arith.cmpi ne, %convert_element_type3A, %cond3A : i32
      scf.if %cond3A_346 {
        %mul3A_988 = arith.constant 16 : i32
        %mul3A_989 = arith.muli %scan3A_340, %mul3A_988 : i32
        %add3A_990 = arith.constant 0 : i32
        %add3A_991 = arith.addi %mul3A_989, %add3A_990 : i32
        %sub3A_992 = arith.constant 8 : i32
        %sub3A_993 = arith.subi %add3A_991, %sub3A_992 : i32
        %slice3A_994 = vector.extract_strided_slice %scan3A_341 {offsets = [8], sizes = [1], strides = [1]} : vector<16xi32> to vector<1xi32>
        %squeeze3A_995 = vector.extract %slice3A_994[0] : i32 from vector<1xi32>
        %dma_wait3A_996 = arith.constant 0 : i32
        %dma_wait3A_997 = arith.constant 0 : i32
        %dma_wait3A_998 = tpu.memref_slice %arg3[%dma_wait3A_996, %dma_wait3A_997] : memref<64x1000000xf32, #tpu.memory_space<hbm>> -> memref<64x128xf32, #tpu.memory_space<hbm>>
        %dma_wait3A_999 = arith.constant 0 : i32
        %dma_wait3A_1000 = arith.constant 0 : i32
        %dma_wait3A_1001 = tpu.memref_slice %arg3[%dma_wait3A_999, %dma_wait3A_1000] : memref<64x1000000xf32, #tpu.memory_space<hbm>> -> memref<64x128xf32, #tpu.memory_space<hbm>>
        tpu.wait_dma2 semaphore(%arg17 : memref<!tpu.dma_semaphore, #tpu.memory_space<semaphore_mem>>) src(%dma_wait3A_1001 : memref<64x128xf32, #tpu.memory_space<hbm>>) dst(%arg9 : memref<64x128xf32, #tpu.memory_space<vmem>>)
        %and3A_1002 = arith.constant 127 : i32
        %and3A_1003 = arith.andi %squeeze3A_995, %and3A_1002 : i32
        %broadcast_in_dim3A_1004 = vector.broadcast %and3A_1003 : i32 to vector<16xi32>
        %broadcast_in_dim3A_1005 = vector.broadcast %sub3A_993 : i32 to vector<16xi32>
        %iota3A_1006 = tpu.iota {dimensions = array<i32: 0>} : vector<16xi32>
        %add3A_1007 = arith.constant 0 : i32
        %add3A_1008 = vector.broadcast %add3A_1007 : i32 to vector<16xi32>
        %add3A_1009 = arith.addi %iota3A_1006, %add3A_1008 : vector<16xi32>
        %gather3A_1010 = tpu.vector_load_idx %arg9[%add3A_1009, %broadcast_in_dim3A_1004] : memref<64x128xf32, #tpu.memory_space<vmem>>[vector<16xi32>, vector<16xi32>], vector<16xf32>,
        %gather3A_1011 = tpu.vector_load_idx %arg8[%add3A_1009, %broadcast_in_dim3A_1005] : memref<64x256xf32, #tpu.memory_space<vmem>>[vector<16xi32>, vector<16xi32>], vector<16xf32>,
        %add3A_1012 = arith.addf %gather3A_1010, %gather3A_1011 : vector<16xf32>
        tpu.vector_store_idx %arg7[%add3A_1009, %broadcast_in_dim3A_1005], %add3A_1012 : memref<64x256xf32, #tpu.memory_space<vmem>>[vector<16xi32>, vector<16xi32>], vector<16xf32>,
        %iota3A_1013 = tpu.iota {dimensions = array<i32: 0>} : vector<16xi32>
        %add3A_1014 = arith.constant 16 : i32
        %add3A_1015 = vector.broadcast %add3A_1014 : i32 to vector<16xi32>
        %add3A_1016 = arith.addi %iota3A_1013, %add3A_1015 : vector<16xi32>
        %gather3A_1017 = tpu.vector_load_idx %arg9[%add3A_1016, %broadcast_in_dim3A_1004] : memref<64x128xf32, #tpu.memory_space<vmem>>[vector<16xi32>, vector<16xi32>], vector<16xf32>,
        %gather3A_1018 = tpu.vector_load_idx %arg8[%add3A_1016, %broadcast_in_dim3A_1005] : memref<64x256xf32, #tpu.memory_space<vmem>>[vector<16xi32>, vector<16xi32>], vector<16xf32>,
        %add3A_1019 = arith.addf %gather3A_1017, %gather3A_1018 : vector<16xf32>
        tpu.vector_store_idx %arg7[%add3A_1016, %broadcast_in_dim3A_1005], %add3A_1019 : memref<64x256xf32, #tpu.memory_space<vmem>>[vector<16xi32>, vector<16xi32>], vector<16xf32>,
        %iota3A_1020 = tpu.iota {dimensions = array<i32: 0>} : vector<16xi32>
        %add3A_1021 = arith.constant 32 : i32
        %add3A_1022 = vector.broadcast %add3A_1021 : i32 to vector<16xi32>
        %add3A_1023 = arith.addi %iota3A_1020, %add3A_1022 : vector<16xi32>
        %gather3A_1024 = tpu.vector_load_idx %arg9[%add3A_1023, %broadcast_in_dim3A_1004] : memref<64x128xf32, #tpu.memory_space<vmem>>[vector<16xi32>, vector<16xi32>], vector<16xf32>,
        %gather3A_1025 = tpu.vector_load_idx %arg8[%add3A_1023, %broadcast_in_dim3A_1005] : memref<64x256xf32, #tpu.memory_space<vmem>>[vector<16xi32>, vector<16xi32>], vector<16xf32>,
        %add3A_1026 = arith.addf %gather3A_1024, %gather3A_1025 : vector<16xf32>
        tpu.vector_store_idx %arg7[%add3A_1023, %broadcast_in_dim3A_1005], %add3A_1026 : memref<64x256xf32, #tpu.memory_space<vmem>>[vector<16xi32>, vector<16xi32>], vector<16xf32>,
        %iota3A_1027 = tpu.iota {dimensions = array<i32: 0>} : vector<16xi32>
        %add3A_1028 = arith.constant 48 : i32
        %add3A_1029 = vector.broadcast %add3A_1028 : i32 to vector<16xi32>
        %add3A_1030 = arith.addi %iota3A_1027, %add3A_1029 : vector<16xi32>
        %gather3A_1031 = tpu.vector_load_idx %arg9[%add3A_1030, %broadcast_in_dim3A_1004] : memref<64x128xf32, #tpu.memory_space<vmem>>[vector<16xi32>, vector<16xi32>], vector<16xf32>,
        %gather3A_1032 = tpu.vector_load_idx %arg8[%add3A_1030, %broadcast_in_dim3A_1005] : memref<64x256xf32, #tpu.memory_space<vmem>>[vector<16xi32>, vector<16xi32>], vector<16xf32>,
        %add3A_1033 = arith.addf %gather3A_1031, %gather3A_1032 : vector<16xf32>
        tpu.vector_store_idx %arg7[%add3A_1030, %broadcast_in_dim3A_1005], %add3A_1033 : memref<64x256xf32, #tpu.memory_space<vmem>>[vector<16xi32>, vector<16xi32>], vector<16xf32>,
      } else {
      }
      %mul3A_347 = arith.constant 16 : i32
      %mul3A_348 = arith.muli %scan3A_340, %mul3A_347 : i32
      %add3A_349 = arith.constant 0 : i32
      %add3A_350 = arith.addi %mul3A_348, %add3A_349 : i32
      %slice3A_351 = vector.extract_strided_slice %get3A_344 {offsets = [0], sizes = [1], strides = [1]} : vector<16xi32> to vector<1xi32>
      %squeeze3A_352 = vector.extract %slice3A_351[0] : i32 from vector<1xi32>
      %shift_right_arithmetic3A = arith.constant 7 : i32
      %shift_right_arithmetic3A_353 = arith.shrsi %squeeze3A_352, %shift_right_arithmetic3A : i32
      %mul3A_354 = arith.constant 128 : i32
      %mul3A_355 = arith.muli %shift_right_arithmetic3A_353, %mul3A_354 : i32
      %multiple_of3A_356 = tpu.assume_multiple %mul3A_355, 128 : i32
      %dma_start3A_357 = arith.constant 0 : i32
      %dma_start3A_358 = tpu.memref_slice %arg3[%dma_start3A_357, %multiple_of3A_356] : memref<64x1000000xf32, #tpu.memory_space<hbm>> -> memref<64x128xf32, #tpu.memory_space<hbm>>
      %dma_start3A_359 = arith.constant 0 : i32
      %dma_start3A_360 = tpu.memref_slice %arg3[%dma_start3A_359, %multiple_of3A_356] : memref<64x1000000xf32, #tpu.memory_space<hbm>> -> memref<64x128xf32, #tpu.memory_space<hbm>>
      tpu.enqueue_dma source(%dma_start3A_360 : memref<64x128xf32, #tpu.memory_space<hbm>>) target(%arg9 : memref<64x128xf32, #tpu.memory_space<vmem>>) target_semaphore(%arg17 : memref<!tpu.dma_semaphore, #tpu.memory_space<semaphore_mem>>)
      %ge3A_361 = arith.constant 1 : i32
      %ge3A_362 = arith.cmpi sge, %scan3A_340, %ge3A_361 : i32
      %convert_element_type3A_363 = arith.extui %ge3A_362 : i1 to i32
      %cond3A_364 = arith.constant 0 : i32
      %cond3A_365 = arith.cmpi ne, %convert_element_type3A_363, %cond3A_364 : i32
      scf.if %cond3A_365 {
        %mul3A_988 = arith.constant 16 : i32
        %mul3A_989 = arith.muli %scan3A_340, %mul3A_988 : i32
        %add3A_990 = arith.constant 1 : i32
        %add3A_991 = arith.addi %mul3A_989, %add3A_990 : i32
        %sub3A_992 = arith.constant 8 : i32
        %sub3A_993 = arith.subi %add3A_991, %sub3A_992 : i32
        %slice3A_994 = vector.extract_strided_slice %scan3A_341 {offsets = [9], sizes = [1], strides = [1]} : vector<16xi32> to vector<1xi32>
        %squeeze3A_995 = vector.extract %slice3A_994[0] : i32 from vector<1xi32>
        %dma_wait3A_996 = arith.constant 0 : i32
        %dma_wait3A_997 = arith.constant 0 : i32
        %dma_wait3A_998 = tpu.memref_slice %arg3[%dma_wait3A_996, %dma_wait3A_997] : memref<64x1000000xf32, #tpu.memory_space<hbm>> -> memref<64x128xf32, #tpu.memory_space<hbm>>
        %dma_wait3A_999 = arith.constant 0 : i32
        %dma_wait3A_1000 = arith.constant 0 : i32
        %dma_wait3A_1001 = tpu.memref_slice %arg3[%dma_wait3A_999, %dma_wait3A_1000] : memref<64x1000000xf32, #tpu.memory_space<hbm>> -> memref<64x128xf32, #tpu.memory_space<hbm>>
        tpu.wait_dma2 semaphore(%arg18 : memref<!tpu.dma_semaphore, #tpu.memory_space<semaphore_mem>>) src(%dma_wait3A_1001 : memref<64x128xf32, #tpu.memory_space<hbm>>) dst(%arg10 : memref<64x128xf32, #tpu.memory_space<vmem>>)
        %and3A_1002 = arith.constant 127 : i32
        %and3A_1003 = arith.andi %squeeze3A_995, %and3A_1002 : i32
        %broadcast_in_dim3A_1004 = vector.broadcast %and3A_1003 : i32 to vector<16xi32>
        %broadcast_in_dim3A_1005 = vector.broadcast %sub3A_993 : i32 to vector<16xi32>
        %iota3A_1006 = tpu.iota {dimensions = array<i32: 0>} : vector<16xi32>
        %add3A_1007 = arith.constant 0 : i32
        %add3A_1008 = vector.broadcast %add3A_1007 : i32 to vector<16xi32>
        %add3A_1009 = arith.addi %iota3A_1006, %add3A_1008 : vector<16xi32>
        %gather3A_1010 = tpu.vector_load_idx %arg10[%add3A_1009, %broadcast_in_dim3A_1004] : memref<64x128xf32, #tpu.memory_space<vmem>>[vector<16xi32>, vector<16xi32>], vector<16xf32>,
        %gather3A_1011 = tpu.vector_load_idx %arg8[%add3A_1009, %broadcast_in_dim3A_1005] : memref<64x256xf32, #tpu.memory_space<vmem>>[vector<16xi32>, vector<16xi32>], vector<16xf32>,
        %add3A_1012 = arith.addf %gather3A_1010, %gather3A_1011 : vector<16xf32>
        tpu.vector_store_idx %arg7[%add3A_1009, %broadcast_in_dim3A_1005], %add3A_1012 : memref<64x256xf32, #tpu.memory_space<vmem>>[vector<16xi32>, vector<16xi32>], vector<16xf32>,
        %iota3A_1013 = tpu.iota {dimensions = array<i32: 0>} : vector<16xi32>
        %add3A_1014 = arith.constant 16 : i32
        %add3A_1015 = vector.broadcast %add3A_1014 : i32 to vector<16xi32>
        %add3A_1016 = arith.addi %iota3A_1013, %add3A_1015 : vector<16xi32>
        %gather3A_1017 = tpu.vector_load_idx %arg10[%add3A_1016, %broadcast_in_dim3A_1004] : memref<64x128xf32, #tpu.memory_space<vmem>>[vector<16xi32>, vector<16xi32>], vector<16xf32>,
        %gather3A_1018 = tpu.vector_load_idx %arg8[%add3A_1016, %broadcast_in_dim3A_1005] : memref<64x256xf32, #tpu.memory_space<vmem>>[vector<16xi32>, vector<16xi32>], vector<16xf32>,
        %add3A_1019 = arith.addf %gather3A_1017, %gather3A_1018 : vector<16xf32>
        tpu.vector_store_idx %arg7[%add3A_1016, %broadcast_in_dim3A_1005], %add3A_1019 : memref<64x256xf32, #tpu.memory_space<vmem>>[vector<16xi32>, vector<16xi32>], vector<16xf32>,
        %iota3A_1020 = tpu.iota {dimensions = array<i32: 0>} : vector<16xi32>
        %add3A_1021 = arith.constant 32 : i32
        %add3A_1022 = vector.broadcast %add3A_1021 : i32 to vector<16xi32>
        %add3A_1023 = arith.addi %iota3A_1020, %add3A_1022 : vector<16xi32>
        %gather3A_1024 = tpu.vector_load_idx %arg10[%add3A_1023, %broadcast_in_dim3A_1004] : memref<64x128xf32, #tpu.memory_space<vmem>>[vector<16xi32>, vector<16xi32>], vector<16xf32>,
        %gather3A_1025 = tpu.vector_load_idx %arg8[%add3A_1023, %broadcast_in_dim3A_1005] : memref<64x256xf32, #tpu.memory_space<vmem>>[vector<16xi32>, vector<16xi32>], vector<16xf32>,
        %add3A_1026 = arith.addf %gather3A_1024, %gather3A_1025 : vector<16xf32>
        tpu.vector_store_idx %arg7[%add3A_1023, %broadcast_in_dim3A_1005], %add3A_1026 : memref<64x256xf32, #tpu.memory_space<vmem>>[vector<16xi32>, vector<16xi32>], vector<16xf32>,
        %iota3A_1027 = tpu.iota {dimensions = array<i32: 0>} : vector<16xi32>
        %add3A_1028 = arith.constant 48 : i32
        %add3A_1029 = vector.broadcast %add3A_1028 : i32 to vector<16xi32>
        %add3A_1030 = arith.addi %iota3A_1027, %add3A_1029 : vector<16xi32>
        %gather3A_1031 = tpu.vector_load_idx %arg10[%add3A_1030, %broadcast_in_dim3A_1004] : memref<64x128xf32, #tpu.memory_space<vmem>>[vector<16xi32>, vector<16xi32>], vector<16xf32>,
        %gather3A_1032 = tpu.vector_load_idx %arg8[%add3A_1030, %broadcast_in_dim3A_1005] : memref<64x256xf32, #tpu.memory_space<vmem>>[vector<16xi32>, vector<16xi32>], vector<16xf32>,
        %add3A_1033 = arith.addf %gather3A_1031, %gather3A_1032 : vector<16xf32>
        tpu.vector_store_idx %arg7[%add3A_1030, %broadcast_in_dim3A_1005], %add3A_1033 : memref<64x256xf32, #tpu.memory_space<vmem>>[vector<16xi32>, vector<16xi32>], vector<16xf32>,
      } else {
      }
      %mul3A_366 = arith.constant 16 : i32
      %mul3A_367 = arith.muli %scan3A_340, %mul3A_366 : i32
      %add3A_368 = arith.constant 1 : i32
      %add3A_369 = arith.addi %mul3A_367, %add3A_368 : i32
      %slice3A_370 = vector.extract_strided_slice %get3A_344 {offsets = [1], sizes = [1], strides = [1]} : vector<16xi32> to vector<1xi32>
      %squeeze3A_371 = vector.extract %slice3A_370[0] : i32 from vector<1xi32>
      %shift_right_arithmetic3A_372 = arith.constant 7 : i32
      %shift_right_arithmetic3A_373 = arith.shrsi %squeeze3A_371, %shift_right_arithmetic3A_372 : i32
      %mul3A_374 = arith.constant 128 : i32
      %mul3A_375 = arith.muli %shift_right_arithmetic3A_373, %mul3A_374 : i32
      %multiple_of3A_376 = tpu.assume_multiple %mul3A_375, 128 : i32
      %dma_start3A_377 = arith.constant 0 : i32
      %dma_start3A_378 = tpu.memref_slice %arg3[%dma_start3A_377, %multiple_of3A_376] : memref<64x1000000xf32, #tpu.memory_space<hbm>> -> memref<64x128xf32, #tpu.memory_space<hbm>>
      %dma_start3A_379 = arith.constant 0 : i32
      %dma_start3A_380 = tpu.memref_slice %arg3[%dma_start3A_379, %multiple_of3A_376] : memref<64x1000000xf32, #tpu.memory_space<hbm>> -> memref<64x128xf32, #tpu.memory_space<hbm>>
      tpu.enqueue_dma source(%dma_start3A_380 : memref<64x128xf32, #tpu.memory_space<hbm>>) target(%arg10 : memref<64x128xf32, #tpu.memory_space<vmem>>) target_semaphore(%arg18 : memref<!tpu.dma_semaphore, #tpu.memory_space<semaphore_mem>>)
      %ge3A_381 = arith.constant 1 : i32
      %ge3A_382 = arith.cmpi sge, %scan3A_340, %ge3A_381 : i32
      %convert_element_type3A_383 = arith.extui %ge3A_382 : i1 to i32
      %cond3A_384 = arith.constant 0 : i32
      %cond3A_385 = arith.cmpi ne, %convert_element_type3A_383, %cond3A_384 : i32
      scf.if %cond3A_385 {
        %mul3A_988 = arith.constant 16 : i32
        %mul3A_989 = arith.muli %scan3A_340, %mul3A_988 : i32
        %add3A_990 = arith.constant 2 : i32
        %add3A_991 = arith.addi %mul3A_989, %add3A_990 : i32
        %sub3A_992 = arith.constant 8 : i32
        %sub3A_993 = arith.subi %add3A_991, %sub3A_992 : i32
        %slice3A_994 = vector.extract_strided_slice %scan3A_341 {offsets = [10], sizes = [1], strides = [1]} : vector<16xi32> to vector<1xi32>
        %squeeze3A_995 = vector.extract %slice3A_994[0] : i32 from vector<1xi32>
        %dma_wait3A_996 = arith.constant 0 : i32
        %dma_wait3A_997 = arith.constant 0 : i32
        %dma_wait3A_998 = tpu.memref_slice %arg3[%dma_wait3A_996, %dma_wait3A_997] : memref<64x1000000xf32, #tpu.memory_space<hbm>> -> memref<64x128xf32, #tpu.memory_space<hbm>>
        %dma_wait3A_999 = arith.constant 0 : i32
        %dma_wait3A_1000 = arith.constant 0 : i32
        %dma_wait3A_1001 = tpu.memref_slice %arg3[%dma_wait3A_999, %dma_wait3A_1000] : memref<64x1000000xf32, #tpu.memory_space<hbm>> -> memref<64x128xf32, #tpu.memory_space<hbm>>
        tpu.wait_dma2 semaphore(%arg19 : memref<!tpu.dma_semaphore, #tpu.memory_space<semaphore_mem>>) src(%dma_wait3A_1001 : memref<64x128xf32, #tpu.memory_space<hbm>>) dst(%arg11 : memref<64x128xf32, #tpu.memory_space<vmem>>)
        %and3A_1002 = arith.constant 127 : i32
        %and3A_1003 = arith.andi %squeeze3A_995, %and3A_1002 : i32
        %broadcast_in_dim3A_1004 = vector.broadcast %and3A_1003 : i32 to vector<16xi32>
        %broadcast_in_dim3A_1005 = vector.broadcast %sub3A_993 : i32 to vector<16xi32>
        %iota3A_1006 = tpu.iota {dimensions = array<i32: 0>} : vector<16xi32>
        %add3A_1007 = arith.constant 0 : i32
        %add3A_1008 = vector.broadcast %add3A_1007 : i32 to vector<16xi32>
        %add3A_1009 = arith.addi %iota3A_1006, %add3A_1008 : vector<16xi32>
        %gather3A_1010 = tpu.vector_load_idx %arg11[%add3A_1009, %broadcast_in_dim3A_1004] : memref<64x128xf32, #tpu.memory_space<vmem>>[vector<16xi32>, vector<16xi32>], vector<16xf32>,
        %gather3A_1011 = tpu.vector_load_idx %arg8[%add3A_1009, %broadcast_in_dim3A_1005] : memref<64x256xf32, #tpu.memory_space<vmem>>[vector<16xi32>, vector<16xi32>], vector<16xf32>,
        %add3A_1012 = arith.addf %gather3A_1010, %gather3A_1011 : vector<16xf32>
        tpu.vector_store_idx %arg7[%add3A_1009, %broadcast_in_dim3A_1005], %add3A_1012 : memref<64x256xf32, #tpu.memory_space<vmem>>[vector<16xi32>, vector<16xi32>], vector<16xf32>,
        %iota3A_1013 = tpu.iota {dimensions = array<i32: 0>} : vector<16xi32>
        %add3A_1014 = arith.constant 16 : i32
        %add3A_1015 = vector.broadcast %add3A_1014 : i32 to vector<16xi32>
        %add3A_1016 = arith.addi %iota3A_1013, %add3A_1015 : vector<16xi32>
        %gather3A_1017 = tpu.vector_load_idx %arg11[%add3A_1016, %broadcast_in_dim3A_1004] : memref<64x128xf32, #tpu.memory_space<vmem>>[vector<16xi32>, vector<16xi32>], vector<16xf32>,
        %gather3A_1018 = tpu.vector_load_idx %arg8[%add3A_1016, %broadcast_in_dim3A_1005] : memref<64x256xf32, #tpu.memory_space<vmem>>[vector<16xi32>, vector<16xi32>], vector<16xf32>,
        %add3A_1019 = arith.addf %gather3A_1017, %gather3A_1018 : vector<16xf32>
        tpu.vector_store_idx %arg7[%add3A_1016, %broadcast_in_dim3A_1005], %add3A_1019 : memref<64x256xf32, #tpu.memory_space<vmem>>[vector<16xi32>, vector<16xi32>], vector<16xf32>,
        %iota3A_1020 = tpu.iota {dimensions = array<i32: 0>} : vector<16xi32>
        %add3A_1021 = arith.constant 32 : i32
        %add3A_1022 = vector.broadcast %add3A_1021 : i32 to vector<16xi32>
        %add3A_1023 = arith.addi %iota3A_1020, %add3A_1022 : vector<16xi32>
        %gather3A_1024 = tpu.vector_load_idx %arg11[%add3A_1023, %broadcast_in_dim3A_1004] : memref<64x128xf32, #tpu.memory_space<vmem>>[vector<16xi32>, vector<16xi32>], vector<16xf32>,
        %gather3A_1025 = tpu.vector_load_idx %arg8[%add3A_1023, %broadcast_in_dim3A_1005] : memref<64x256xf32, #tpu.memory_space<vmem>>[vector<16xi32>, vector<16xi32>], vector<16xf32>,
        %add3A_1026 = arith.addf %gather3A_1024, %gather3A_1025 : vector<16xf32>
        tpu.vector_store_idx %arg7[%add3A_1023, %broadcast_in_dim3A_1005], %add3A_1026 : memref<64x256xf32, #tpu.memory_space<vmem>>[vector<16xi32>, vector<16xi32>], vector<16xf32>,
        %iota3A_1027 = tpu.iota {dimensions = array<i32: 0>} : vector<16xi32>
        %add3A_1028 = arith.constant 48 : i32
        %add3A_1029 = vector.broadcast %add3A_1028 : i32 to vector<16xi32>
        %add3A_1030 = arith.addi %iota3A_1027, %add3A_1029 : vector<16xi32>
        %gather3A_1031 = tpu.vector_load_idx %arg11[%add3A_1030, %broadcast_in_dim3A_1004] : memref<64x128xf32, #tpu.memory_space<vmem>>[vector<16xi32>, vector<16xi32>], vector<16xf32>,
        %gather3A_1032 = tpu.vector_load_idx %arg8[%add3A_1030, %broadcast_in_dim3A_1005] : memref<64x256xf32, #tpu.memory_space<vmem>>[vector<16xi32>, vector<16xi32>], vector<16xf32>,
        %add3A_1033 = arith.addf %gather3A_1031, %gather3A_1032 : vector<16xf32>
        tpu.vector_store_idx %arg7[%add3A_1030, %broadcast_in_dim3A_1005], %add3A_1033 : memref<64x256xf32, #tpu.memory_space<vmem>>[vector<16xi32>, vector<16xi32>], vector<16xf32>,
      } else {
      }
      %mul3A_386 = arith.constant 16 : i32
      %mul3A_387 = arith.muli %scan3A_340, %mul3A_386 : i32
      %add3A_388 = arith.constant 2 : i32
      %add3A_389 = arith.addi %mul3A_387, %add3A_388 : i32
      %slice3A_390 = vector.extract_strided_slice %get3A_344 {offsets = [2], sizes = [1], strides = [1]} : vector<16xi32> to vector<1xi32>
      %squeeze3A_391 = vector.extract %slice3A_390[0] : i32 from vector<1xi32>
      %shift_right_arithmetic3A_392 = arith.constant 7 : i32
      %shift_right_arithmetic3A_393 = arith.shrsi %squeeze3A_391, %shift_right_arithmetic3A_392 : i32
      %mul3A_394 = arith.constant 128 : i32
      %mul3A_395 = arith.muli %shift_right_arithmetic3A_393, %mul3A_394 : i32
      %multiple_of3A_396 = tpu.assume_multiple %mul3A_395, 128 : i32
      %dma_start3A_397 = arith.constant 0 : i32
      %dma_start3A_398 = tpu.memref_slice %arg3[%dma_start3A_397, %multiple_of3A_396] : memref<64x1000000xf32, #tpu.memory_space<hbm>> -> memref<64x128xf32, #tpu.memory_space<hbm>>
      %dma_start3A_399 = arith.constant 0 : i32
      %dma_start3A_400 = tpu.memref_slice %arg3[%dma_start3A_399, %multiple_of3A_396] : memref<64x1000000xf32, #tpu.memory_space<hbm>> -> memref<64x128xf32, #tpu.memory_space<hbm>>
      tpu.enqueue_dma source(%dma_start3A_400 : memref<64x128xf32, #tpu.memory_space<hbm>>) target(%arg11 : memref<64x128xf32, #tpu.memory_space<vmem>>) target_semaphore(%arg19 : memref<!tpu.dma_semaphore, #tpu.memory_space<semaphore_mem>>)
      %ge3A_401 = arith.constant 1 : i32
      %ge3A_402 = arith.cmpi sge, %scan3A_340, %ge3A_401 : i32
      %convert_element_type3A_403 = arith.extui %ge3A_402 : i1 to i32
      %cond3A_404 = arith.constant 0 : i32
      %cond3A_405 = arith.cmpi ne, %convert_element_type3A_403, %cond3A_404 : i32
      scf.if %cond3A_405 {
        %mul3A_988 = arith.constant 16 : i32
        %mul3A_989 = arith.muli %scan3A_340, %mul3A_988 : i32
        %add3A_990 = arith.constant 3 : i32
        %add3A_991 = arith.addi %mul3A_989, %add3A_990 : i32
        %sub3A_992 = arith.constant 8 : i32
        %sub3A_993 = arith.subi %add3A_991, %sub3A_992 : i32
        %slice3A_994 = vector.extract_strided_slice %scan3A_341 {offsets = [11], sizes = [1], strides = [1]} : vector<16xi32> to vector<1xi32>
        %squeeze3A_995 = vector.extract %slice3A_994[0] : i32 from vector<1xi32>
        %dma_wait3A_996 = arith.constant 0 : i32
        %dma_wait3A_997 = arith.constant 0 : i32
        %dma_wait3A_998 = tpu.memref_slice %arg3[%dma_wait3A_996, %dma_wait3A_997] : memref<64x1000000xf32, #tpu.memory_space<hbm>> -> memref<64x128xf32, #tpu.memory_space<hbm>>
        %dma_wait3A_999 = arith.constant 0 : i32
        %dma_wait3A_1000 = arith.constant 0 : i32
        %dma_wait3A_1001 = tpu.memref_slice %arg3[%dma_wait3A_999, %dma_wait3A_1000] : memref<64x1000000xf32, #tpu.memory_space<hbm>> -> memref<64x128xf32, #tpu.memory_space<hbm>>
        tpu.wait_dma2 semaphore(%arg20 : memref<!tpu.dma_semaphore, #tpu.memory_space<semaphore_mem>>) src(%dma_wait3A_1001 : memref<64x128xf32, #tpu.memory_space<hbm>>) dst(%arg12 : memref<64x128xf32, #tpu.memory_space<vmem>>)
        %and3A_1002 = arith.constant 127 : i32
        %and3A_1003 = arith.andi %squeeze3A_995, %and3A_1002 : i32
        %broadcast_in_dim3A_1004 = vector.broadcast %and3A_1003 : i32 to vector<16xi32>
        %broadcast_in_dim3A_1005 = vector.broadcast %sub3A_993 : i32 to vector<16xi32>
        %iota3A_1006 = tpu.iota {dimensions = array<i32: 0>} : vector<16xi32>
        %add3A_1007 = arith.constant 0 : i32
        %add3A_1008 = vector.broadcast %add3A_1007 : i32 to vector<16xi32>
        %add3A_1009 = arith.addi %iota3A_1006, %add3A_1008 : vector<16xi32>
        %gather3A_1010 = tpu.vector_load_idx %arg12[%add3A_1009, %broadcast_in_dim3A_1004] : memref<64x128xf32, #tpu.memory_space<vmem>>[vector<16xi32>, vector<16xi32>], vector<16xf32>,
        %gather3A_1011 = tpu.vector_load_idx %arg8[%add3A_1009, %broadcast_in_dim3A_1005] : memref<64x256xf32, #tpu.memory_space<vmem>>[vector<16xi32>, vector<16xi32>], vector<16xf32>,
        %add3A_1012 = arith.addf %gather3A_1010, %gather3A_1011 : vector<16xf32>
        tpu.vector_store_idx %arg7[%add3A_1009, %broadcast_in_dim3A_1005], %add3A_1012 : memref<64x256xf32, #tpu.memory_space<vmem>>[vector<16xi32>, vector<16xi32>], vector<16xf32>,
        %iota3A_1013 = tpu.iota {dimensions = array<i32: 0>} : vector<16xi32>
        %add3A_1014 = arith.constant 16 : i32
        %add3A_1015 = vector.broadcast %add3A_1014 : i32 to vector<16xi32>
        %add3A_1016 = arith.addi %iota3A_1013, %add3A_1015 : vector<16xi32>
        %gather3A_1017 = tpu.vector_load_idx %arg12[%add3A_1016, %broadcast_in_dim3A_1004] : memref<64x128xf32, #tpu.memory_space<vmem>>[vector<16xi32>, vector<16xi32>], vector<16xf32>,
        %gather3A_1018 = tpu.vector_load_idx %arg8[%add3A_1016, %broadcast_in_dim3A_1005] : memref<64x256xf32, #tpu.memory_space<vmem>>[vector<16xi32>, vector<16xi32>], vector<16xf32>,
        %add3A_1019 = arith.addf %gather3A_1017, %gather3A_1018 : vector<16xf32>
        tpu.vector_store_idx %arg7[%add3A_1016, %broadcast_in_dim3A_1005], %add3A_1019 : memref<64x256xf32, #tpu.memory_space<vmem>>[vector<16xi32>, vector<16xi32>], vector<16xf32>,
        %iota3A_1020 = tpu.iota {dimensions = array<i32: 0>} : vector<16xi32>
        %add3A_1021 = arith.constant 32 : i32
        %add3A_1022 = vector.broadcast %add3A_1021 : i32 to vector<16xi32>
        %add3A_1023 = arith.addi %iota3A_1020, %add3A_1022 : vector<16xi32>
        %gather3A_1024 = tpu.vector_load_idx %arg12[%add3A_1023, %broadcast_in_dim3A_1004] : memref<64x128xf32, #tpu.memory_space<vmem>>[vector<16xi32>, vector<16xi32>], vector<16xf32>,
        %gather3A_1025 = tpu.vector_load_idx %arg8[%add3A_1023, %broadcast_in_dim3A_1005] : memref<64x256xf32, #tpu.memory_space<vmem>>[vector<16xi32>, vector<16xi32>], vector<16xf32>,
        %add3A_1026 = arith.addf %gather3A_1024, %gather3A_1025 : vector<16xf32>
        tpu.vector_store_idx %arg7[%add3A_1023, %broadcast_in_dim3A_1005], %add3A_1026 : memref<64x256xf32, #tpu.memory_space<vmem>>[vector<16xi32>, vector<16xi32>], vector<16xf32>,
        %iota3A_1027 = tpu.iota {dimensions = array<i32: 0>} : vector<16xi32>
        %add3A_1028 = arith.constant 48 : i32
        %add3A_1029 = vector.broadcast %add3A_1028 : i32 to vector<16xi32>
        %add3A_1030 = arith.addi %iota3A_1027, %add3A_1029 : vector<16xi32>
        %gather3A_1031 = tpu.vector_load_idx %arg12[%add3A_1030, %broadcast_in_dim3A_1004] : memref<64x128xf32, #tpu.memory_space<vmem>>[vector<16xi32>, vector<16xi32>], vector<16xf32>,
        %gather3A_1032 = tpu.vector_load_idx %arg8[%add3A_1030, %broadcast_in_dim3A_1005] : memref<64x256xf32, #tpu.memory_space<vmem>>[vector<16xi32>, vector<16xi32>], vector<16xf32>,
        %add3A_1033 = arith.addf %gather3A_1031, %gather3A_1032 : vector<16xf32>
        tpu.vector_store_idx %arg7[%add3A_1030, %broadcast_in_dim3A_1005], %add3A_1033 : memref<64x256xf32, #tpu.memory_space<vmem>>[vector<16xi32>, vector<16xi32>], vector<16xf32>,
      } else {
      }
      %mul3A_406 = arith.constant 16 : i32
      %mul3A_407 = arith.muli %scan3A_340, %mul3A_406 : i32
      %add3A_408 = arith.constant 3 : i32
      %add3A_409 = arith.addi %mul3A_407, %add3A_408 : i32
      %slice3A_410 = vector.extract_strided_slice %get3A_344 {offsets = [3], sizes = [1], strides = [1]} : vector<16xi32> to vector<1xi32>
      %squeeze3A_411 = vector.extract %slice3A_410[0] : i32 from vector<1xi32>
      %shift_right_arithmetic3A_412 = arith.constant 7 : i32
      %shift_right_arithmetic3A_413 = arith.shrsi %squeeze3A_411, %shift_right_arithmetic3A_412 : i32
      %mul3A_414 = arith.constant 128 : i32
      %mul3A_415 = arith.muli %shift_right_arithmetic3A_413, %mul3A_414 : i32
      %multiple_of3A_416 = tpu.assume_multiple %mul3A_415, 128 : i32
      %dma_start3A_417 = arith.constant 0 : i32
      %dma_start3A_418 = tpu.memref_slice %arg3[%dma_start3A_417, %multiple_of3A_416] : memref<64x1000000xf32, #tpu.memory_space<hbm>> -> memref<64x128xf32, #tpu.memory_space<hbm>>
      %dma_start3A_419 = arith.constant 0 : i32
      %dma_start3A_420 = tpu.memref_slice %arg3[%dma_start3A_419, %multiple_of3A_416] : memref<64x1000000xf32, #tpu.memory_space<hbm>> -> memref<64x128xf32, #tpu.memory_space<hbm>>
      tpu.enqueue_dma source(%dma_start3A_420 : memref<64x128xf32, #tpu.memory_space<hbm>>) target(%arg12 : memref<64x128xf32, #tpu.memory_space<vmem>>) target_semaphore(%arg20 : memref<!tpu.dma_semaphore, #tpu.memory_space<semaphore_mem>>)
      %ge3A_421 = arith.constant 1 : i32
      %ge3A_422 = arith.cmpi sge, %scan3A_340, %ge3A_421 : i32
      %convert_element_type3A_423 = arith.extui %ge3A_422 : i1 to i32
      %cond3A_424 = arith.constant 0 : i32
      %cond3A_425 = arith.cmpi ne, %convert_element_type3A_423, %cond3A_424 : i32
      scf.if %cond3A_425 {
        %mul3A_988 = arith.constant 16 : i32
        %mul3A_989 = arith.muli %scan3A_340, %mul3A_988 : i32
        %add3A_990 = arith.constant 4 : i32
        %add3A_991 = arith.addi %mul3A_989, %add3A_990 : i32
        %sub3A_992 = arith.constant 8 : i32
        %sub3A_993 = arith.subi %add3A_991, %sub3A_992 : i32
        %slice3A_994 = vector.extract_strided_slice %scan3A_341 {offsets = [12], sizes = [1], strides = [1]} : vector<16xi32> to vector<1xi32>
        %squeeze3A_995 = vector.extract %slice3A_994[0] : i32 from vector<1xi32>
        %dma_wait3A_996 = arith.constant 0 : i32
        %dma_wait3A_997 = arith.constant 0 : i32
        %dma_wait3A_998 = tpu.memref_slice %arg3[%dma_wait3A_996, %dma_wait3A_997] : memref<64x1000000xf32, #tpu.memory_space<hbm>> -> memref<64x128xf32, #tpu.memory_space<hbm>>
        %dma_wait3A_999 = arith.constant 0 : i32
        %dma_wait3A_1000 = arith.constant 0 : i32
        %dma_wait3A_1001 = tpu.memref_slice %arg3[%dma_wait3A_999, %dma_wait3A_1000] : memref<64x1000000xf32, #tpu.memory_space<hbm>> -> memref<64x128xf32, #tpu.memory_space<hbm>>
        tpu.wait_dma2 semaphore(%arg21 : memref<!tpu.dma_semaphore, #tpu.memory_space<semaphore_mem>>) src(%dma_wait3A_1001 : memref<64x128xf32, #tpu.memory_space<hbm>>) dst(%arg13 : memref<64x128xf32, #tpu.memory_space<vmem>>)
        %and3A_1002 = arith.constant 127 : i32
        %and3A_1003 = arith.andi %squeeze3A_995, %and3A_1002 : i32
        %broadcast_in_dim3A_1004 = vector.broadcast %and3A_1003 : i32 to vector<16xi32>
        %broadcast_in_dim3A_1005 = vector.broadcast %sub3A_993 : i32 to vector<16xi32>
        %iota3A_1006 = tpu.iota {dimensions = array<i32: 0>} : vector<16xi32>
        %add3A_1007 = arith.constant 0 : i32
        %add3A_1008 = vector.broadcast %add3A_1007 : i32 to vector<16xi32>
        %add3A_1009 = arith.addi %iota3A_1006, %add3A_1008 : vector<16xi32>
        %gather3A_1010 = tpu.vector_load_idx %arg13[%add3A_1009, %broadcast_in_dim3A_1004] : memref<64x128xf32, #tpu.memory_space<vmem>>[vector<16xi32>, vector<16xi32>], vector<16xf32>,
        %gather3A_1011 = tpu.vector_load_idx %arg8[%add3A_1009, %broadcast_in_dim3A_1005] : memref<64x256xf32, #tpu.memory_space<vmem>>[vector<16xi32>, vector<16xi32>], vector<16xf32>,
        %add3A_1012 = arith.addf %gather3A_1010, %gather3A_1011 : vector<16xf32>
        tpu.vector_store_idx %arg7[%add3A_1009, %broadcast_in_dim3A_1005], %add3A_1012 : memref<64x256xf32, #tpu.memory_space<vmem>>[vector<16xi32>, vector<16xi32>], vector<16xf32>,
        %iota3A_1013 = tpu.iota {dimensions = array<i32: 0>} : vector<16xi32>
        %add3A_1014 = arith.constant 16 : i32
        %add3A_1015 = vector.broadcast %add3A_1014 : i32 to vector<16xi32>
        %add3A_1016 = arith.addi %iota3A_1013, %add3A_1015 : vector<16xi32>
        %gather3A_1017 = tpu.vector_load_idx %arg13[%add3A_1016, %broadcast_in_dim3A_1004] : memref<64x128xf32, #tpu.memory_space<vmem>>[vector<16xi32>, vector<16xi32>], vector<16xf32>,
        %gather3A_1018 = tpu.vector_load_idx %arg8[%add3A_1016, %broadcast_in_dim3A_1005] : memref<64x256xf32, #tpu.memory_space<vmem>>[vector<16xi32>, vector<16xi32>], vector<16xf32>,
        %add3A_1019 = arith.addf %gather3A_1017, %gather3A_1018 : vector<16xf32>
        tpu.vector_store_idx %arg7[%add3A_1016, %broadcast_in_dim3A_1005], %add3A_1019 : memref<64x256xf32, #tpu.memory_space<vmem>>[vector<16xi32>, vector<16xi32>], vector<16xf32>,
        %iota3A_1020 = tpu.iota {dimensions = array<i32: 0>} : vector<16xi32>
        %add3A_1021 = arith.constant 32 : i32
        %add3A_1022 = vector.broadcast %add3A_1021 : i32 to vector<16xi32>
        %add3A_1023 = arith.addi %iota3A_1020, %add3A_1022 : vector<16xi32>
        %gather3A_1024 = tpu.vector_load_idx %arg13[%add3A_1023, %broadcast_in_dim3A_1004] : memref<64x128xf32, #tpu.memory_space<vmem>>[vector<16xi32>, vector<16xi32>], vector<16xf32>,
        %gather3A_1025 = tpu.vector_load_idx %arg8[%add3A_1023, %broadcast_in_dim3A_1005] : memref<64x256xf32, #tpu.memory_space<vmem>>[vector<16xi32>, vector<16xi32>], vector<16xf32>,
        %add3A_1026 = arith.addf %gather3A_1024, %gather3A_1025 : vector<16xf32>
        tpu.vector_store_idx %arg7[%add3A_1023, %broadcast_in_dim3A_1005], %add3A_1026 : memref<64x256xf32, #tpu.memory_space<vmem>>[vector<16xi32>, vector<16xi32>], vector<16xf32>,
        %iota3A_1027 = tpu.iota {dimensions = array<i32: 0>} : vector<16xi32>
        %add3A_1028 = arith.constant 48 : i32
        %add3A_1029 = vector.broadcast %add3A_1028 : i32 to vector<16xi32>
        %add3A_1030 = arith.addi %iota3A_1027, %add3A_1029 : vector<16xi32>
        %gather3A_1031 = tpu.vector_load_idx %arg13[%add3A_1030, %broadcast_in_dim3A_1004] : memref<64x128xf32, #tpu.memory_space<vmem>>[vector<16xi32>, vector<16xi32>], vector<16xf32>,
        %gather3A_1032 = tpu.vector_load_idx %arg8[%add3A_1030, %broadcast_in_dim3A_1005] : memref<64x256xf32, #tpu.memory_space<vmem>>[vector<16xi32>, vector<16xi32>], vector<16xf32>,
        %add3A_1033 = arith.addf %gather3A_1031, %gather3A_1032 : vector<16xf32>
        tpu.vector_store_idx %arg7[%add3A_1030, %broadcast_in_dim3A_1005], %add3A_1033 : memref<64x256xf32, #tpu.memory_space<vmem>>[vector<16xi32>, vector<16xi32>], vector<16xf32>,
      } else {
      }
      %mul3A_426 = arith.constant 16 : i32
      %mul3A_427 = arith.muli %scan3A_340, %mul3A_426 : i32
      %add3A_428 = arith.constant 4 : i32
      %add3A_429 = arith.addi %mul3A_427, %add3A_428 : i32
      %slice3A_430 = vector.extract_strided_slice %get3A_344 {offsets = [4], sizes = [1], strides = [1]} : vector<16xi32> to vector<1xi32>
      %squeeze3A_431 = vector.extract %slice3A_430[0] : i32 from vector<1xi32>
      %shift_right_arithmetic3A_432 = arith.constant 7 : i32
      %shift_right_arithmetic3A_433 = arith.shrsi %squeeze3A_431, %shift_right_arithmetic3A_432 : i32
      %mul3A_434 = arith.constant 128 : i32
      %mul3A_435 = arith.muli %shift_right_arithmetic3A_433, %mul3A_434 : i32
      %multiple_of3A_436 = tpu.assume_multiple %mul3A_435, 128 : i32
      %dma_start3A_437 = arith.constant 0 : i32
      %dma_start3A_438 = tpu.memref_slice %arg3[%dma_start3A_437, %multiple_of3A_436] : memref<64x1000000xf32, #tpu.memory_space<hbm>> -> memref<64x128xf32, #tpu.memory_space<hbm>>
      %dma_start3A_439 = arith.constant 0 : i32
      %dma_start3A_440 = tpu.memref_slice %arg3[%dma_start3A_439, %multiple_of3A_436] : memref<64x1000000xf32, #tpu.memory_space<hbm>> -> memref<64x128xf32, #tpu.memory_space<hbm>>
      tpu.enqueue_dma source(%dma_start3A_440 : memref<64x128xf32, #tpu.memory_space<hbm>>) target(%arg13 : memref<64x128xf32, #tpu.memory_space<vmem>>) target_semaphore(%arg21 : memref<!tpu.dma_semaphore, #tpu.memory_space<semaphore_mem>>)
      %ge3A_441 = arith.constant 1 : i32
      %ge3A_442 = arith.cmpi sge, %scan3A_340, %ge3A_441 : i32
      %convert_element_type3A_443 = arith.extui %ge3A_442 : i1 to i32
      %cond3A_444 = arith.constant 0 : i32
      %cond3A_445 = arith.cmpi ne, %convert_element_type3A_443, %cond3A_444 : i32
      scf.if %cond3A_445 {
        %mul3A_988 = arith.constant 16 : i32
        %mul3A_989 = arith.muli %scan3A_340, %mul3A_988 : i32
        %add3A_990 = arith.constant 5 : i32
        %add3A_991 = arith.addi %mul3A_989, %add3A_990 : i32
        %sub3A_992 = arith.constant 8 : i32
        %sub3A_993 = arith.subi %add3A_991, %sub3A_992 : i32
        %slice3A_994 = vector.extract_strided_slice %scan3A_341 {offsets = [13], sizes = [1], strides = [1]} : vector<16xi32> to vector<1xi32>
        %squeeze3A_995 = vector.extract %slice3A_994[0] : i32 from vector<1xi32>
        %dma_wait3A_996 = arith.constant 0 : i32
        %dma_wait3A_997 = arith.constant 0 : i32
        %dma_wait3A_998 = tpu.memref_slice %arg3[%dma_wait3A_996, %dma_wait3A_997] : memref<64x1000000xf32, #tpu.memory_space<hbm>> -> memref<64x128xf32, #tpu.memory_space<hbm>>
        %dma_wait3A_999 = arith.constant 0 : i32
        %dma_wait3A_1000 = arith.constant 0 : i32
        %dma_wait3A_1001 = tpu.memref_slice %arg3[%dma_wait3A_999, %dma_wait3A_1000] : memref<64x1000000xf32, #tpu.memory_space<hbm>> -> memref<64x128xf32, #tpu.memory_space<hbm>>
        tpu.wait_dma2 semaphore(%arg22 : memref<!tpu.dma_semaphore, #tpu.memory_space<semaphore_mem>>) src(%dma_wait3A_1001 : memref<64x128xf32, #tpu.memory_space<hbm>>) dst(%arg14 : memref<64x128xf32, #tpu.memory_space<vmem>>)
        %and3A_1002 = arith.constant 127 : i32
        %and3A_1003 = arith.andi %squeeze3A_995, %and3A_1002 : i32
        %broadcast_in_dim3A_1004 = vector.broadcast %and3A_1003 : i32 to vector<16xi32>
        %broadcast_in_dim3A_1005 = vector.broadcast %sub3A_993 : i32 to vector<16xi32>
        %iota3A_1006 = tpu.iota {dimensions = array<i32: 0>} : vector<16xi32>
        %add3A_1007 = arith.constant 0 : i32
        %add3A_1008 = vector.broadcast %add3A_1007 : i32 to vector<16xi32>
        %add3A_1009 = arith.addi %iota3A_1006, %add3A_1008 : vector<16xi32>
        %gather3A_1010 = tpu.vector_load_idx %arg14[%add3A_1009, %broadcast_in_dim3A_1004] : memref<64x128xf32, #tpu.memory_space<vmem>>[vector<16xi32>, vector<16xi32>], vector<16xf32>,
        %gather3A_1011 = tpu.vector_load_idx %arg8[%add3A_1009, %broadcast_in_dim3A_1005] : memref<64x256xf32, #tpu.memory_space<vmem>>[vector<16xi32>, vector<16xi32>], vector<16xf32>,
        %add3A_1012 = arith.addf %gather3A_1010, %gather3A_1011 : vector<16xf32>
        tpu.vector_store_idx %arg7[%add3A_1009, %broadcast_in_dim3A_1005], %add3A_1012 : memref<64x256xf32, #tpu.memory_space<vmem>>[vector<16xi32>, vector<16xi32>], vector<16xf32>,
        %iota3A_1013 = tpu.iota {dimensions = array<i32: 0>} : vector<16xi32>
        %add3A_1014 = arith.constant 16 : i32
        %add3A_1015 = vector.broadcast %add3A_1014 : i32 to vector<16xi32>
        %add3A_1016 = arith.addi %iota3A_1013, %add3A_1015 : vector<16xi32>
        %gather3A_1017 = tpu.vector_load_idx %arg14[%add3A_1016, %broadcast_in_dim3A_1004] : memref<64x128xf32, #tpu.memory_space<vmem>>[vector<16xi32>, vector<16xi32>], vector<16xf32>,
        %gather3A_1018 = tpu.vector_load_idx %arg8[%add3A_1016, %broadcast_in_dim3A_1005] : memref<64x256xf32, #tpu.memory_space<vmem>>[vector<16xi32>, vector<16xi32>], vector<16xf32>,
        %add3A_1019 = arith.addf %gather3A_1017, %gather3A_1018 : vector<16xf32>
        tpu.vector_store_idx %arg7[%add3A_1016, %broadcast_in_dim3A_1005], %add3A_1019 : memref<64x256xf32, #tpu.memory_space<vmem>>[vector<16xi32>, vector<16xi32>], vector<16xf32>,
        %iota3A_1020 = tpu.iota {dimensions = array<i32: 0>} : vector<16xi32>
        %add3A_1021 = arith.constant 32 : i32
        %add3A_1022 = vector.broadcast %add3A_1021 : i32 to vector<16xi32>
        %add3A_1023 = arith.addi %iota3A_1020, %add3A_1022 : vector<16xi32>
        %gather3A_1024 = tpu.vector_load_idx %arg14[%add3A_1023, %broadcast_in_dim3A_1004] : memref<64x128xf32, #tpu.memory_space<vmem>>[vector<16xi32>, vector<16xi32>], vector<16xf32>,
        %gather3A_1025 = tpu.vector_load_idx %arg8[%add3A_1023, %broadcast_in_dim3A_1005] : memref<64x256xf32, #tpu.memory_space<vmem>>[vector<16xi32>, vector<16xi32>], vector<16xf32>,
        %add3A_1026 = arith.addf %gather3A_1024, %gather3A_1025 : vector<16xf32>
        tpu.vector_store_idx %arg7[%add3A_1023, %broadcast_in_dim3A_1005], %add3A_1026 : memref<64x256xf32, #tpu.memory_space<vmem>>[vector<16xi32>, vector<16xi32>], vector<16xf32>,
        %iota3A_1027 = tpu.iota {dimensions = array<i32: 0>} : vector<16xi32>
        %add3A_1028 = arith.constant 48 : i32
        %add3A_1029 = vector.broadcast %add3A_1028 : i32 to vector<16xi32>
        %add3A_1030 = arith.addi %iota3A_1027, %add3A_1029 : vector<16xi32>
        %gather3A_1031 = tpu.vector_load_idx %arg14[%add3A_1030, %broadcast_in_dim3A_1004] : memref<64x128xf32, #tpu.memory_space<vmem>>[vector<16xi32>, vector<16xi32>], vector<16xf32>,
        %gather3A_1032 = tpu.vector_load_idx %arg8[%add3A_1030, %broadcast_in_dim3A_1005] : memref<64x256xf32, #tpu.memory_space<vmem>>[vector<16xi32>, vector<16xi32>], vector<16xf32>,
        %add3A_1033 = arith.addf %gather3A_1031, %gather3A_1032 : vector<16xf32>
        tpu.vector_store_idx %arg7[%add3A_1030, %broadcast_in_dim3A_1005], %add3A_1033 : memref<64x256xf32, #tpu.memory_space<vmem>>[vector<16xi32>, vector<16xi32>], vector<16xf32>,
      } else {
      }
      %mul3A_446 = arith.constant 16 : i32
      %mul3A_447 = arith.muli %scan3A_340, %mul3A_446 : i32
      %add3A_448 = arith.constant 5 : i32
      %add3A_449 = arith.addi %mul3A_447, %add3A_448 : i32
      %slice3A_450 = vector.extract_strided_slice %get3A_344 {offsets = [5], sizes = [1], strides = [1]} : vector<16xi32> to vector<1xi32>
      %squeeze3A_451 = vector.extract %slice3A_450[0] : i32 from vector<1xi32>
      %shift_right_arithmetic3A_452 = arith.constant 7 : i32
      %shift_right_arithmetic3A_453 = arith.shrsi %squeeze3A_451, %shift_right_arithmetic3A_452 : i32
      %mul3A_454 = arith.constant 128 : i32
      %mul3A_455 = arith.muli %shift_right_arithmetic3A_453, %mul3A_454 : i32
      %multiple_of3A_456 = tpu.assume_multiple %mul3A_455, 128 : i32
      %dma_start3A_457 = arith.constant 0 : i32
      %dma_start3A_458 = tpu.memref_slice %arg3[%dma_start3A_457, %multiple_of3A_456] : memref<64x1000000xf32, #tpu.memory_space<hbm>> -> memref<64x128xf32, #tpu.memory_space<hbm>>
      %dma_start3A_459 = arith.constant 0 : i32
      %dma_start3A_460 = tpu.memref_slice %arg3[%dma_start3A_459, %multiple_of3A_456] : memref<64x1000000xf32, #tpu.memory_space<hbm>> -> memref<64x128xf32, #tpu.memory_space<hbm>>
      tpu.enqueue_dma source(%dma_start3A_460 : memref<64x128xf32, #tpu.memory_space<hbm>>) target(%arg14 : memref<64x128xf32, #tpu.memory_space<vmem>>) target_semaphore(%arg22 : memref<!tpu.dma_semaphore, #tpu.memory_space<semaphore_mem>>)
      %ge3A_461 = arith.constant 1 : i32
      %ge3A_462 = arith.cmpi sge, %scan3A_340, %ge3A_461 : i32
      %convert_element_type3A_463 = arith.extui %ge3A_462 : i1 to i32
      %cond3A_464 = arith.constant 0 : i32
      %cond3A_465 = arith.cmpi ne, %convert_element_type3A_463, %cond3A_464 : i32
      scf.if %cond3A_465 {
        %mul3A_988 = arith.constant 16 : i32
        %mul3A_989 = arith.muli %scan3A_340, %mul3A_988 : i32
        %add3A_990 = arith.constant 6 : i32
        %add3A_991 = arith.addi %mul3A_989, %add3A_990 : i32
        %sub3A_992 = arith.constant 8 : i32
        %sub3A_993 = arith.subi %add3A_991, %sub3A_992 : i32
        %slice3A_994 = vector.extract_strided_slice %scan3A_341 {offsets = [14], sizes = [1], strides = [1]} : vector<16xi32> to vector<1xi32>
        %squeeze3A_995 = vector.extract %slice3A_994[0] : i32 from vector<1xi32>
        %dma_wait3A_996 = arith.constant 0 : i32
        %dma_wait3A_997 = arith.constant 0 : i32
        %dma_wait3A_998 = tpu.memref_slice %arg3[%dma_wait3A_996, %dma_wait3A_997] : memref<64x1000000xf32, #tpu.memory_space<hbm>> -> memref<64x128xf32, #tpu.memory_space<hbm>>
        %dma_wait3A_999 = arith.constant 0 : i32
        %dma_wait3A_1000 = arith.constant 0 : i32
        %dma_wait3A_1001 = tpu.memref_slice %arg3[%dma_wait3A_999, %dma_wait3A_1000] : memref<64x1000000xf32, #tpu.memory_space<hbm>> -> memref<64x128xf32, #tpu.memory_space<hbm>>
        tpu.wait_dma2 semaphore(%arg23 : memref<!tpu.dma_semaphore, #tpu.memory_space<semaphore_mem>>) src(%dma_wait3A_1001 : memref<64x128xf32, #tpu.memory_space<hbm>>) dst(%arg15 : memref<64x128xf32, #tpu.memory_space<vmem>>)
        %and3A_1002 = arith.constant 127 : i32
        %and3A_1003 = arith.andi %squeeze3A_995, %and3A_1002 : i32
        %broadcast_in_dim3A_1004 = vector.broadcast %and3A_1003 : i32 to vector<16xi32>
        %broadcast_in_dim3A_1005 = vector.broadcast %sub3A_993 : i32 to vector<16xi32>
        %iota3A_1006 = tpu.iota {dimensions = array<i32: 0>} : vector<16xi32>
        %add3A_1007 = arith.constant 0 : i32
        %add3A_1008 = vector.broadcast %add3A_1007 : i32 to vector<16xi32>
        %add3A_1009 = arith.addi %iota3A_1006, %add3A_1008 : vector<16xi32>
        %gather3A_1010 = tpu.vector_load_idx %arg15[%add3A_1009, %broadcast_in_dim3A_1004] : memref<64x128xf32, #tpu.memory_space<vmem>>[vector<16xi32>, vector<16xi32>], vector<16xf32>,
        %gather3A_1011 = tpu.vector_load_idx %arg8[%add3A_1009, %broadcast_in_dim3A_1005] : memref<64x256xf32, #tpu.memory_space<vmem>>[vector<16xi32>, vector<16xi32>], vector<16xf32>,
        %add3A_1012 = arith.addf %gather3A_1010, %gather3A_1011 : vector<16xf32>
        tpu.vector_store_idx %arg7[%add3A_1009, %broadcast_in_dim3A_1005], %add3A_1012 : memref<64x256xf32, #tpu.memory_space<vmem>>[vector<16xi32>, vector<16xi32>], vector<16xf32>,
        %iota3A_1013 = tpu.iota {dimensions = array<i32: 0>} : vector<16xi32>
        %add3A_1014 = arith.constant 16 : i32
        %add3A_1015 = vector.broadcast %add3A_1014 : i32 to vector<16xi32>
        %add3A_1016 = arith.addi %iota3A_1013, %add3A_1015 : vector<16xi32>
        %gather3A_1017 = tpu.vector_load_idx %arg15[%add3A_1016, %broadcast_in_dim3A_1004] : memref<64x128xf32, #tpu.memory_space<vmem>>[vector<16xi32>, vector<16xi32>], vector<16xf32>,
        %gather3A_1018 = tpu.vector_load_idx %arg8[%add3A_1016, %broadcast_in_dim3A_1005] : memref<64x256xf32, #tpu.memory_space<vmem>>[vector<16xi32>, vector<16xi32>], vector<16xf32>,
        %add3A_1019 = arith.addf %gather3A_1017, %gather3A_1018 : vector<16xf32>
        tpu.vector_store_idx %arg7[%add3A_1016, %broadcast_in_dim3A_1005], %add3A_1019 : memref<64x256xf32, #tpu.memory_space<vmem>>[vector<16xi32>, vector<16xi32>], vector<16xf32>,
        %iota3A_1020 = tpu.iota {dimensions = array<i32: 0>} : vector<16xi32>
        %add3A_1021 = arith.constant 32 : i32
        %add3A_1022 = vector.broadcast %add3A_1021 : i32 to vector<16xi32>
        %add3A_1023 = arith.addi %iota3A_1020, %add3A_1022 : vector<16xi32>
        %gather3A_1024 = tpu.vector_load_idx %arg15[%add3A_1023, %broadcast_in_dim3A_1004] : memref<64x128xf32, #tpu.memory_space<vmem>>[vector<16xi32>, vector<16xi32>], vector<16xf32>,
        %gather3A_1025 = tpu.vector_load_idx %arg8[%add3A_1023, %broadcast_in_dim3A_1005] : memref<64x256xf32, #tpu.memory_space<vmem>>[vector<16xi32>, vector<16xi32>], vector<16xf32>,
        %add3A_1026 = arith.addf %gather3A_1024, %gather3A_1025 : vector<16xf32>
        tpu.vector_store_idx %arg7[%add3A_1023, %broadcast_in_dim3A_1005], %add3A_1026 : memref<64x256xf32, #tpu.memory_space<vmem>>[vector<16xi32>, vector<16xi32>], vector<16xf32>,
        %iota3A_1027 = tpu.iota {dimensions = array<i32: 0>} : vector<16xi32>
        %add3A_1028 = arith.constant 48 : i32
        %add3A_1029 = vector.broadcast %add3A_1028 : i32 to vector<16xi32>
        %add3A_1030 = arith.addi %iota3A_1027, %add3A_1029 : vector<16xi32>
        %gather3A_1031 = tpu.vector_load_idx %arg15[%add3A_1030, %broadcast_in_dim3A_1004] : memref<64x128xf32, #tpu.memory_space<vmem>>[vector<16xi32>, vector<16xi32>], vector<16xf32>,
        %gather3A_1032 = tpu.vector_load_idx %arg8[%add3A_1030, %broadcast_in_dim3A_1005] : memref<64x256xf32, #tpu.memory_space<vmem>>[vector<16xi32>, vector<16xi32>], vector<16xf32>,
        %add3A_1033 = arith.addf %gather3A_1031, %gather3A_1032 : vector<16xf32>
        tpu.vector_store_idx %arg7[%add3A_1030, %broadcast_in_dim3A_1005], %add3A_1033 : memref<64x256xf32, #tpu.memory_space<vmem>>[vector<16xi32>, vector<16xi32>], vector<16xf32>,
      } else {
      }
      %mul3A_466 = arith.constant 16 : i32
      %mul3A_467 = arith.muli %scan3A_340, %mul3A_466 : i32
      %add3A_468 = arith.constant 6 : i32
      %add3A_469 = arith.addi %mul3A_467, %add3A_468 : i32
      %slice3A_470 = vector.extract_strided_slice %get3A_344 {offsets = [6], sizes = [1], strides = [1]} : vector<16xi32> to vector<1xi32>
      %squeeze3A_471 = vector.extract %slice3A_470[0] : i32 from vector<1xi32>
      %shift_right_arithmetic3A_472 = arith.constant 7 : i32
      %shift_right_arithmetic3A_473 = arith.shrsi %squeeze3A_471, %shift_right_arithmetic3A_472 : i32
      %mul3A_474 = arith.constant 128 : i32
      %mul3A_475 = arith.muli %shift_right_arithmetic3A_473, %mul3A_474 : i32
      %multiple_of3A_476 = tpu.assume_multiple %mul3A_475, 128 : i32
      %dma_start3A_477 = arith.constant 0 : i32
      %dma_start3A_478 = tpu.memref_slice %arg3[%dma_start3A_477, %multiple_of3A_476] : memref<64x1000000xf32, #tpu.memory_space<hbm>> -> memref<64x128xf32, #tpu.memory_space<hbm>>
      %dma_start3A_479 = arith.constant 0 : i32
      %dma_start3A_480 = tpu.memref_slice %arg3[%dma_start3A_479, %multiple_of3A_476] : memref<64x1000000xf32, #tpu.memory_space<hbm>> -> memref<64x128xf32, #tpu.memory_space<hbm>>
      tpu.enqueue_dma source(%dma_start3A_480 : memref<64x128xf32, #tpu.memory_space<hbm>>) target(%arg15 : memref<64x128xf32, #tpu.memory_space<vmem>>) target_semaphore(%arg23 : memref<!tpu.dma_semaphore, #tpu.memory_space<semaphore_mem>>)
      %ge3A_481 = arith.constant 1 : i32
      %ge3A_482 = arith.cmpi sge, %scan3A_340, %ge3A_481 : i32
      %convert_element_type3A_483 = arith.extui %ge3A_482 : i1 to i32
      %cond3A_484 = arith.constant 0 : i32
      %cond3A_485 = arith.cmpi ne, %convert_element_type3A_483, %cond3A_484 : i32
      scf.if %cond3A_485 {
        %mul3A_988 = arith.constant 16 : i32
        %mul3A_989 = arith.muli %scan3A_340, %mul3A_988 : i32
        %add3A_990 = arith.constant 7 : i32
        %add3A_991 = arith.addi %mul3A_989, %add3A_990 : i32
        %sub3A_992 = arith.constant 8 : i32
        %sub3A_993 = arith.subi %add3A_991, %sub3A_992 : i32
        %slice3A_994 = vector.extract_strided_slice %scan3A_341 {offsets = [15], sizes = [1], strides = [1]} : vector<16xi32> to vector<1xi32>
        %squeeze3A_995 = vector.extract %slice3A_994[0] : i32 from vector<1xi32>
        %dma_wait3A_996 = arith.constant 0 : i32
        %dma_wait3A_997 = arith.constant 0 : i32
        %dma_wait3A_998 = tpu.memref_slice %arg3[%dma_wait3A_996, %dma_wait3A_997] : memref<64x1000000xf32, #tpu.memory_space<hbm>> -> memref<64x128xf32, #tpu.memory_space<hbm>>
        %dma_wait3A_999 = arith.constant 0 : i32
        %dma_wait3A_1000 = arith.constant 0 : i32
        %dma_wait3A_1001 = tpu.memref_slice %arg3[%dma_wait3A_999, %dma_wait3A_1000] : memref<64x1000000xf32, #tpu.memory_space<hbm>> -> memref<64x128xf32, #tpu.memory_space<hbm>>
        tpu.wait_dma2 semaphore(%arg24 : memref<!tpu.dma_semaphore, #tpu.memory_space<semaphore_mem>>) src(%dma_wait3A_1001 : memref<64x128xf32, #tpu.memory_space<hbm>>) dst(%arg16 : memref<64x128xf32, #tpu.memory_space<vmem>>)
        %and3A_1002 = arith.constant 127 : i32
        %and3A_1003 = arith.andi %squeeze3A_995, %and3A_1002 : i32
        %broadcast_in_dim3A_1004 = vector.broadcast %and3A_1003 : i32 to vector<16xi32>
        %broadcast_in_dim3A_1005 = vector.broadcast %sub3A_993 : i32 to vector<16xi32>
        %iota3A_1006 = tpu.iota {dimensions = array<i32: 0>} : vector<16xi32>
        %add3A_1007 = arith.constant 0 : i32
        %add3A_1008 = vector.broadcast %add3A_1007 : i32 to vector<16xi32>
        %add3A_1009 = arith.addi %iota3A_1006, %add3A_1008 : vector<16xi32>
        %gather3A_1010 = tpu.vector_load_idx %arg16[%add3A_1009, %broadcast_in_dim3A_1004] : memref<64x128xf32, #tpu.memory_space<vmem>>[vector<16xi32>, vector<16xi32>], vector<16xf32>,
        %gather3A_1011 = tpu.vector_load_idx %arg8[%add3A_1009, %broadcast_in_dim3A_1005] : memref<64x256xf32, #tpu.memory_space<vmem>>[vector<16xi32>, vector<16xi32>], vector<16xf32>,
        %add3A_1012 = arith.addf %gather3A_1010, %gather3A_1011 : vector<16xf32>
        tpu.vector_store_idx %arg7[%add3A_1009, %broadcast_in_dim3A_1005], %add3A_1012 : memref<64x256xf32, #tpu.memory_space<vmem>>[vector<16xi32>, vector<16xi32>], vector<16xf32>,
        %iota3A_1013 = tpu.iota {dimensions = array<i32: 0>} : vector<16xi32>
        %add3A_1014 = arith.constant 16 : i32
        %add3A_1015 = vector.broadcast %add3A_1014 : i32 to vector<16xi32>
        %add3A_1016 = arith.addi %iota3A_1013, %add3A_1015 : vector<16xi32>
        %gather3A_1017 = tpu.vector_load_idx %arg16[%add3A_1016, %broadcast_in_dim3A_1004] : memref<64x128xf32, #tpu.memory_space<vmem>>[vector<16xi32>, vector<16xi32>], vector<16xf32>,
        %gather3A_1018 = tpu.vector_load_idx %arg8[%add3A_1016, %broadcast_in_dim3A_1005] : memref<64x256xf32, #tpu.memory_space<vmem>>[vector<16xi32>, vector<16xi32>], vector<16xf32>,
        %add3A_1019 = arith.addf %gather3A_1017, %gather3A_1018 : vector<16xf32>
        tpu.vector_store_idx %arg7[%add3A_1016, %broadcast_in_dim3A_1005], %add3A_1019 : memref<64x256xf32, #tpu.memory_space<vmem>>[vector<16xi32>, vector<16xi32>], vector<16xf32>,
        %iota3A_1020 = tpu.iota {dimensions = array<i32: 0>} : vector<16xi32>
        %add3A_1021 = arith.constant 32 : i32
        %add3A_1022 = vector.broadcast %add3A_1021 : i32 to vector<16xi32>
        %add3A_1023 = arith.addi %iota3A_1020, %add3A_1022 : vector<16xi32>
        %gather3A_1024 = tpu.vector_load_idx %arg16[%add3A_1023, %broadcast_in_dim3A_1004] : memref<64x128xf32, #tpu.memory_space<vmem>>[vector<16xi32>, vector<16xi32>], vector<16xf32>,
        %gather3A_1025 = tpu.vector_load_idx %arg8[%add3A_1023, %broadcast_in_dim3A_1005] : memref<64x256xf32, #tpu.memory_space<vmem>>[vector<16xi32>, vector<16xi32>], vector<16xf32>,
        %add3A_1026 = arith.addf %gather3A_1024, %gather3A_1025 : vector<16xf32>
        tpu.vector_store_idx %arg7[%add3A_1023, %broadcast_in_dim3A_1005], %add3A_1026 : memref<64x256xf32, #tpu.memory_space<vmem>>[vector<16xi32>, vector<16xi32>], vector<16xf32>,
        %iota3A_1027 = tpu.iota {dimensions = array<i32: 0>} : vector<16xi32>
        %add3A_1028 = arith.constant 48 : i32
        %add3A_1029 = vector.broadcast %add3A_1028 : i32 to vector<16xi32>
        %add3A_1030 = arith.addi %iota3A_1027, %add3A_1029 : vector<16xi32>
        %gather3A_1031 = tpu.vector_load_idx %arg16[%add3A_1030, %broadcast_in_dim3A_1004] : memref<64x128xf32, #tpu.memory_space<vmem>>[vector<16xi32>, vector<16xi32>], vector<16xf32>,
        %gather3A_1032 = tpu.vector_load_idx %arg8[%add3A_1030, %broadcast_in_dim3A_1005] : memref<64x256xf32, #tpu.memory_space<vmem>>[vector<16xi32>, vector<16xi32>], vector<16xf32>,
        %add3A_1033 = arith.addf %gather3A_1031, %gather3A_1032 : vector<16xf32>
        tpu.vector_store_idx %arg7[%add3A_1030, %broadcast_in_dim3A_1005], %add3A_1033 : memref<64x256xf32, #tpu.memory_space<vmem>>[vector<16xi32>, vector<16xi32>], vector<16xf32>,
      } else {
      }
      %mul3A_486 = arith.constant 16 : i32
      %mul3A_487 = arith.muli %scan3A_340, %mul3A_486 : i32
      %add3A_488 = arith.constant 7 : i32
      %add3A_489 = arith.addi %mul3A_487, %add3A_488 : i32
      %slice3A_490 = vector.extract_strided_slice %get3A_344 {offsets = [7], sizes = [1], strides = [1]} : vector<16xi32> to vector<1xi32>
      %squeeze3A_491 = vector.extract %slice3A_490[0] : i32 from vector<1xi32>
      %shift_right_arithmetic3A_492 = arith.constant 7 : i32
      %shift_right_arithmetic3A_493 = arith.shrsi %squeeze3A_491, %shift_right_arithmetic3A_492 : i32
      %mul3A_494 = arith.constant 128 : i32
      %mul3A_495 = arith.muli %shift_right_arithmetic3A_493, %mul3A_494 : i32
      %multiple_of3A_496 = tpu.assume_multiple %mul3A_495, 128 : i32
      %dma_start3A_497 = arith.constant 0 : i32
      %dma_start3A_498 = tpu.memref_slice %arg3[%dma_start3A_497, %multiple_of3A_496] : memref<64x1000000xf32, #tpu.memory_space<hbm>> -> memref<64x128xf32, #tpu.memory_space<hbm>>
      %dma_start3A_499 = arith.constant 0 : i32
      %dma_start3A_500 = tpu.memref_slice %arg3[%dma_start3A_499, %multiple_of3A_496] : memref<64x1000000xf32, #tpu.memory_space<hbm>> -> memref<64x128xf32, #tpu.memory_space<hbm>>
      tpu.enqueue_dma source(%dma_start3A_500 : memref<64x128xf32, #tpu.memory_space<hbm>>) target(%arg16 : memref<64x128xf32, #tpu.memory_space<vmem>>) target_semaphore(%arg24 : memref<!tpu.dma_semaphore, #tpu.memory_space<semaphore_mem>>)
      %mul3A_501 = arith.constant 16 : i32
      %mul3A_502 = arith.muli %scan3A_340, %mul3A_501 : i32
      %add3A_503 = arith.constant 8 : i32
      %add3A_504 = arith.addi %mul3A_502, %add3A_503 : i32
      %sub3A = arith.constant 8 : i32
      %sub3A_505 = arith.subi %add3A_504, %sub3A : i32
      %slice3A_506 = vector.extract_strided_slice %get3A_344 {offsets = [0], sizes = [1], strides = [1]} : vector<16xi32> to vector<1xi32>
      %squeeze3A_507 = vector.extract %slice3A_506[0] : i32 from vector<1xi32>
      %dma_wait3A_508 = arith.constant 0 : i32
      %dma_wait3A_509 = arith.constant 0 : i32
      %dma_wait3A_510 = tpu.memref_slice %arg3[%dma_wait3A_508, %dma_wait3A_509] : memref<64x1000000xf32, #tpu.memory_space<hbm>> -> memref<64x128xf32, #tpu.memory_space<hbm>>
      %dma_wait3A_511 = arith.constant 0 : i32
      %dma_wait3A_512 = arith.constant 0 : i32
      %dma_wait3A_513 = tpu.memref_slice %arg3[%dma_wait3A_511, %dma_wait3A_512] : memref<64x1000000xf32, #tpu.memory_space<hbm>> -> memref<64x128xf32, #tpu.memory_space<hbm>>
      tpu.wait_dma2 semaphore(%arg17 : memref<!tpu.dma_semaphore, #tpu.memory_space<semaphore_mem>>) src(%dma_wait3A_513 : memref<64x128xf32, #tpu.memory_space<hbm>>) dst(%arg9 : memref<64x128xf32, #tpu.memory_space<vmem>>)
      %and3A_514 = arith.constant 127 : i32
      %and3A_515 = arith.andi %squeeze3A_507, %and3A_514 : i32
      %broadcast_in_dim3A_516 = vector.broadcast %and3A_515 : i32 to vector<16xi32>
      %broadcast_in_dim3A_517 = vector.broadcast %sub3A_505 : i32 to vector<16xi32>
      %iota3A_518 = tpu.iota {dimensions = array<i32: 0>} : vector<16xi32>
      %add3A_519 = arith.constant 0 : i32
      %add3A_520 = vector.broadcast %add3A_519 : i32 to vector<16xi32>
      %add3A_521 = arith.addi %iota3A_518, %add3A_520 : vector<16xi32>
      %gather3A_522 = tpu.vector_load_idx %arg9[%add3A_521, %broadcast_in_dim3A_516] : memref<64x128xf32, #tpu.memory_space<vmem>>[vector<16xi32>, vector<16xi32>], vector<16xf32>,
      %gather3A_523 = tpu.vector_load_idx %arg8[%add3A_521, %broadcast_in_dim3A_517] : memref<64x256xf32, #tpu.memory_space<vmem>>[vector<16xi32>, vector<16xi32>], vector<16xf32>,
      %add3A_524 = arith.addf %gather3A_522, %gather3A_523 : vector<16xf32>
      tpu.vector_store_idx %arg7[%add3A_521, %broadcast_in_dim3A_517], %add3A_524 : memref<64x256xf32, #tpu.memory_space<vmem>>[vector<16xi32>, vector<16xi32>], vector<16xf32>,
      %iota3A_525 = tpu.iota {dimensions = array<i32: 0>} : vector<16xi32>
      %add3A_526 = arith.constant 16 : i32
      %add3A_527 = vector.broadcast %add3A_526 : i32 to vector<16xi32>
      %add3A_528 = arith.addi %iota3A_525, %add3A_527 : vector<16xi32>
      %gather3A_529 = tpu.vector_load_idx %arg9[%add3A_528, %broadcast_in_dim3A_516] : memref<64x128xf32, #tpu.memory_space<vmem>>[vector<16xi32>, vector<16xi32>], vector<16xf32>,
      %gather3A_530 = tpu.vector_load_idx %arg8[%add3A_528, %broadcast_in_dim3A_517] : memref<64x256xf32, #tpu.memory_space<vmem>>[vector<16xi32>, vector<16xi32>], vector<16xf32>,
      %add3A_531 = arith.addf %gather3A_529, %gather3A_530 : vector<16xf32>
      tpu.vector_store_idx %arg7[%add3A_528, %broadcast_in_dim3A_517], %add3A_531 : memref<64x256xf32, #tpu.memory_space<vmem>>[vector<16xi32>, vector<16xi32>], vector<16xf32>,
      %iota3A_532 = tpu.iota {dimensions = array<i32: 0>} : vector<16xi32>
      %add3A_533 = arith.constant 32 : i32
      %add3A_534 = vector.broadcast %add3A_533 : i32 to vector<16xi32>
      %add3A_535 = arith.addi %iota3A_532, %add3A_534 : vector<16xi32>
      %gather3A_536 = tpu.vector_load_idx %arg9[%add3A_535, %broadcast_in_dim3A_516] : memref<64x128xf32, #tpu.memory_space<vmem>>[vector<16xi32>, vector<16xi32>], vector<16xf32>,
      %gather3A_537 = tpu.vector_load_idx %arg8[%add3A_535, %broadcast_in_dim3A_517] : memref<64x256xf32, #tpu.memory_space<vmem>>[vector<16xi32>, vector<16xi32>], vector<16xf32>,
      %add3A_538 = arith.addf %gather3A_536, %gather3A_537 : vector<16xf32>
      tpu.vector_store_idx %arg7[%add3A_535, %broadcast_in_dim3A_517], %add3A_538 : memref<64x256xf32, #tpu.memory_space<vmem>>[vector<16xi32>, vector<16xi32>], vector<16xf32>,
      %iota3A_539 = tpu.iota {dimensions = array<i32: 0>} : vector<16xi32>
      %add3A_540 = arith.constant 48 : i32
      %add3A_541 = vector.broadcast %add3A_540 : i32 to vector<16xi32>
      %add3A_542 = arith.addi %iota3A_539, %add3A_541 : vector<16xi32>
      %gather3A_543 = tpu.vector_load_idx %arg9[%add3A_542, %broadcast_in_dim3A_516] : memref<64x128xf32, #tpu.memory_space<vmem>>[vector<16xi32>, vector<16xi32>], vector<16xf32>,
      %gather3A_544 = tpu.vector_load_idx %arg8[%add3A_542, %broadcast_in_dim3A_517] : memref<64x256xf32, #tpu.memory_space<vmem>>[vector<16xi32>, vector<16xi32>], vector<16xf32>,
      %add3A_545 = arith.addf %gather3A_543, %gather3A_544 : vector<16xf32>
      tpu.vector_store_idx %arg7[%add3A_542, %broadcast_in_dim3A_517], %add3A_545 : memref<64x256xf32, #tpu.memory_space<vmem>>[vector<16xi32>, vector<16xi32>], vector<16xf32>,
      %mul3A_546 = arith.constant 16 : i32
      %mul3A_547 = arith.muli %scan3A_340, %mul3A_546 : i32
      %add3A_548 = arith.constant 8 : i32
      %add3A_549 = arith.addi %mul3A_547, %add3A_548 : i32
      %slice3A_550 = vector.extract_strided_slice %get3A_344 {offsets = [8], sizes = [1], strides = [1]} : vector<16xi32> to vector<1xi32>
      %squeeze3A_551 = vector.extract %slice3A_550[0] : i32 from vector<1xi32>
      %shift_right_arithmetic3A_552 = arith.constant 7 : i32
      %shift_right_arithmetic3A_553 = arith.shrsi %squeeze3A_551, %shift_right_arithmetic3A_552 : i32
      %mul3A_554 = arith.constant 128 : i32
      %mul3A_555 = arith.muli %shift_right_arithmetic3A_553, %mul3A_554 : i32
      %multiple_of3A_556 = tpu.assume_multiple %mul3A_555, 128 : i32
      %dma_start3A_557 = arith.constant 0 : i32
      %dma_start3A_558 = tpu.memref_slice %arg3[%dma_start3A_557, %multiple_of3A_556] : memref<64x1000000xf32, #tpu.memory_space<hbm>> -> memref<64x128xf32, #tpu.memory_space<hbm>>
      %dma_start3A_559 = arith.constant 0 : i32
      %dma_start3A_560 = tpu.memref_slice %arg3[%dma_start3A_559, %multiple_of3A_556] : memref<64x1000000xf32, #tpu.memory_space<hbm>> -> memref<64x128xf32, #tpu.memory_space<hbm>>
      tpu.enqueue_dma source(%dma_start3A_560 : memref<64x128xf32, #tpu.memory_space<hbm>>) target(%arg9 : memref<64x128xf32, #tpu.memory_space<vmem>>) target_semaphore(%arg17 : memref<!tpu.dma_semaphore, #tpu.memory_space<semaphore_mem>>)
      %mul3A_561 = arith.constant 16 : i32
      %mul3A_562 = arith.muli %scan3A_340, %mul3A_561 : i32
      %add3A_563 = arith.constant 9 : i32
      %add3A_564 = arith.addi %mul3A_562, %add3A_563 : i32
      %sub3A_565 = arith.constant 8 : i32
      %sub3A_566 = arith.subi %add3A_564, %sub3A_565 : i32
      %slice3A_567 = vector.extract_strided_slice %get3A_344 {offsets = [1], sizes = [1], strides = [1]} : vector<16xi32> to vector<1xi32>
      %squeeze3A_568 = vector.extract %slice3A_567[0] : i32 from vector<1xi32>
      %dma_wait3A_569 = arith.constant 0 : i32
      %dma_wait3A_570 = arith.constant 0 : i32
      %dma_wait3A_571 = tpu.memref_slice %arg3[%dma_wait3A_569, %dma_wait3A_570] : memref<64x1000000xf32, #tpu.memory_space<hbm>> -> memref<64x128xf32, #tpu.memory_space<hbm>>
      %dma_wait3A_572 = arith.constant 0 : i32
      %dma_wait3A_573 = arith.constant 0 : i32
      %dma_wait3A_574 = tpu.memref_slice %arg3[%dma_wait3A_572, %dma_wait3A_573] : memref<64x1000000xf32, #tpu.memory_space<hbm>> -> memref<64x128xf32, #tpu.memory_space<hbm>>
      tpu.wait_dma2 semaphore(%arg18 : memref<!tpu.dma_semaphore, #tpu.memory_space<semaphore_mem>>) src(%dma_wait3A_574 : memref<64x128xf32, #tpu.memory_space<hbm>>) dst(%arg10 : memref<64x128xf32, #tpu.memory_space<vmem>>)
      %and3A_575 = arith.constant 127 : i32
      %and3A_576 = arith.andi %squeeze3A_568, %and3A_575 : i32
      %broadcast_in_dim3A_577 = vector.broadcast %and3A_576 : i32 to vector<16xi32>
      %broadcast_in_dim3A_578 = vector.broadcast %sub3A_566 : i32 to vector<16xi32>
      %iota3A_579 = tpu.iota {dimensions = array<i32: 0>} : vector<16xi32>
      %add3A_580 = arith.constant 0 : i32
      %add3A_581 = vector.broadcast %add3A_580 : i32 to vector<16xi32>
      %add3A_582 = arith.addi %iota3A_579, %add3A_581 : vector<16xi32>
      %gather3A_583 = tpu.vector_load_idx %arg10[%add3A_582, %broadcast_in_dim3A_577] : memref<64x128xf32, #tpu.memory_space<vmem>>[vector<16xi32>, vector<16xi32>], vector<16xf32>,
      %gather3A_584 = tpu.vector_load_idx %arg8[%add3A_582, %broadcast_in_dim3A_578] : memref<64x256xf32, #tpu.memory_space<vmem>>[vector<16xi32>, vector<16xi32>], vector<16xf32>,
      %add3A_585 = arith.addf %gather3A_583, %gather3A_584 : vector<16xf32>
      tpu.vector_store_idx %arg7[%add3A_582, %broadcast_in_dim3A_578], %add3A_585 : memref<64x256xf32, #tpu.memory_space<vmem>>[vector<16xi32>, vector<16xi32>], vector<16xf32>,
      %iota3A_586 = tpu.iota {dimensions = array<i32: 0>} : vector<16xi32>
      %add3A_587 = arith.constant 16 : i32
      %add3A_588 = vector.broadcast %add3A_587 : i32 to vector<16xi32>
      %add3A_589 = arith.addi %iota3A_586, %add3A_588 : vector<16xi32>
      %gather3A_590 = tpu.vector_load_idx %arg10[%add3A_589, %broadcast_in_dim3A_577] : memref<64x128xf32, #tpu.memory_space<vmem>>[vector<16xi32>, vector<16xi32>], vector<16xf32>,
      %gather3A_591 = tpu.vector_load_idx %arg8[%add3A_589, %broadcast_in_dim3A_578] : memref<64x256xf32, #tpu.memory_space<vmem>>[vector<16xi32>, vector<16xi32>], vector<16xf32>,
      %add3A_592 = arith.addf %gather3A_590, %gather3A_591 : vector<16xf32>
      tpu.vector_store_idx %arg7[%add3A_589, %broadcast_in_dim3A_578], %add3A_592 : memref<64x256xf32, #tpu.memory_space<vmem>>[vector<16xi32>, vector<16xi32>], vector<16xf32>,
      %iota3A_593 = tpu.iota {dimensions = array<i32: 0>} : vector<16xi32>
      %add3A_594 = arith.constant 32 : i32
      %add3A_595 = vector.broadcast %add3A_594 : i32 to vector<16xi32>
      %add3A_596 = arith.addi %iota3A_593, %add3A_595 : vector<16xi32>
      %gather3A_597 = tpu.vector_load_idx %arg10[%add3A_596, %broadcast_in_dim3A_577] : memref<64x128xf32, #tpu.memory_space<vmem>>[vector<16xi32>, vector<16xi32>], vector<16xf32>,
      %gather3A_598 = tpu.vector_load_idx %arg8[%add3A_596, %broadcast_in_dim3A_578] : memref<64x256xf32, #tpu.memory_space<vmem>>[vector<16xi32>, vector<16xi32>], vector<16xf32>,
      %add3A_599 = arith.addf %gather3A_597, %gather3A_598 : vector<16xf32>
      tpu.vector_store_idx %arg7[%add3A_596, %broadcast_in_dim3A_578], %add3A_599 : memref<64x256xf32, #tpu.memory_space<vmem>>[vector<16xi32>, vector<16xi32>], vector<16xf32>,
      %iota3A_600 = tpu.iota {dimensions = array<i32: 0>} : vector<16xi32>
      %add3A_601 = arith.constant 48 : i32
      %add3A_602 = vector.broadcast %add3A_601 : i32 to vector<16xi32>
      %add3A_603 = arith.addi %iota3A_600, %add3A_602 : vector<16xi32>
      %gather3A_604 = tpu.vector_load_idx %arg10[%add3A_603, %broadcast_in_dim3A_577] : memref<64x128xf32, #tpu.memory_space<vmem>>[vector<16xi32>, vector<16xi32>], vector<16xf32>,
      %gather3A_605 = tpu.vector_load_idx %arg8[%add3A_603, %broadcast_in_dim3A_578] : memref<64x256xf32, #tpu.memory_space<vmem>>[vector<16xi32>, vector<16xi32>], vector<16xf32>,
      %add3A_606 = arith.addf %gather3A_604, %gather3A_605 : vector<16xf32>
      tpu.vector_store_idx %arg7[%add3A_603, %broadcast_in_dim3A_578], %add3A_606 : memref<64x256xf32, #tpu.memory_space<vmem>>[vector<16xi32>, vector<16xi32>], vector<16xf32>,
      %mul3A_607 = arith.constant 16 : i32
      %mul3A_608 = arith.muli %scan3A_340, %mul3A_607 : i32
      %add3A_609 = arith.constant 9 : i32
      %add3A_610 = arith.addi %mul3A_608, %add3A_609 : i32
      %slice3A_611 = vector.extract_strided_slice %get3A_344 {offsets = [9], sizes = [1], strides = [1]} : vector<16xi32> to vector<1xi32>
      %squeeze3A_612 = vector.extract %slice3A_611[0] : i32 from vector<1xi32>
      %shift_right_arithmetic3A_613 = arith.constant 7 : i32
      %shift_right_arithmetic3A_614 = arith.shrsi %squeeze3A_612, %shift_right_arithmetic3A_613 : i32
      %mul3A_615 = arith.constant 128 : i32
      %mul3A_616 = arith.muli %shift_right_arithmetic3A_614, %mul3A_615 : i32
      %multiple_of3A_617 = tpu.assume_multiple %mul3A_616, 128 : i32
      %dma_start3A_618 = arith.constant 0 : i32
      %dma_start3A_619 = tpu.memref_slice %arg3[%dma_start3A_618, %multiple_of3A_617] : memref<64x1000000xf32, #tpu.memory_space<hbm>> -> memref<64x128xf32, #tpu.memory_space<hbm>>
      %dma_start3A_620 = arith.constant 0 : i32
      %dma_start3A_621 = tpu.memref_slice %arg3[%dma_start3A_620, %multiple_of3A_617] : memref<64x1000000xf32, #tpu.memory_space<hbm>> -> memref<64x128xf32, #tpu.memory_space<hbm>>
      tpu.enqueue_dma source(%dma_start3A_621 : memref<64x128xf32, #tpu.memory_space<hbm>>) target(%arg10 : memref<64x128xf32, #tpu.memory_space<vmem>>) target_semaphore(%arg18 : memref<!tpu.dma_semaphore, #tpu.memory_space<semaphore_mem>>)
      %mul3A_622 = arith.constant 16 : i32
      %mul3A_623 = arith.muli %scan3A_340, %mul3A_622 : i32
      %add3A_624 = arith.constant 10 : i32
      %add3A_625 = arith.addi %mul3A_623, %add3A_624 : i32
      %sub3A_626 = arith.constant 8 : i32
      %sub3A_627 = arith.subi %add3A_625, %sub3A_626 : i32
      %slice3A_628 = vector.extract_strided_slice %get3A_344 {offsets = [2], sizes = [1], strides = [1]} : vector<16xi32> to vector<1xi32>
      %squeeze3A_629 = vector.extract %slice3A_628[0] : i32 from vector<1xi32>
      %dma_wait3A_630 = arith.constant 0 : i32
      %dma_wait3A_631 = arith.constant 0 : i32
      %dma_wait3A_632 = tpu.memref_slice %arg3[%dma_wait3A_630, %dma_wait3A_631] : memref<64x1000000xf32, #tpu.memory_space<hbm>> -> memref<64x128xf32, #tpu.memory_space<hbm>>
      %dma_wait3A_633 = arith.constant 0 : i32
      %dma_wait3A_634 = arith.constant 0 : i32
      %dma_wait3A_635 = tpu.memref_slice %arg3[%dma_wait3A_633, %dma_wait3A_634] : memref<64x1000000xf32, #tpu.memory_space<hbm>> -> memref<64x128xf32, #tpu.memory_space<hbm>>
      tpu.wait_dma2 semaphore(%arg19 : memref<!tpu.dma_semaphore, #tpu.memory_space<semaphore_mem>>) src(%dma_wait3A_635 : memref<64x128xf32, #tpu.memory_space<hbm>>) dst(%arg11 : memref<64x128xf32, #tpu.memory_space<vmem>>)
      %and3A_636 = arith.constant 127 : i32
      %and3A_637 = arith.andi %squeeze3A_629, %and3A_636 : i32
      %broadcast_in_dim3A_638 = vector.broadcast %and3A_637 : i32 to vector<16xi32>
      %broadcast_in_dim3A_639 = vector.broadcast %sub3A_627 : i32 to vector<16xi32>
      %iota3A_640 = tpu.iota {dimensions = array<i32: 0>} : vector<16xi32>
      %add3A_641 = arith.constant 0 : i32
      %add3A_642 = vector.broadcast %add3A_641 : i32 to vector<16xi32>
      %add3A_643 = arith.addi %iota3A_640, %add3A_642 : vector<16xi32>
      %gather3A_644 = tpu.vector_load_idx %arg11[%add3A_643, %broadcast_in_dim3A_638] : memref<64x128xf32, #tpu.memory_space<vmem>>[vector<16xi32>, vector<16xi32>], vector<16xf32>,
      %gather3A_645 = tpu.vector_load_idx %arg8[%add3A_643, %broadcast_in_dim3A_639] : memref<64x256xf32, #tpu.memory_space<vmem>>[vector<16xi32>, vector<16xi32>], vector<16xf32>,
      %add3A_646 = arith.addf %gather3A_644, %gather3A_645 : vector<16xf32>
      tpu.vector_store_idx %arg7[%add3A_643, %broadcast_in_dim3A_639], %add3A_646 : memref<64x256xf32, #tpu.memory_space<vmem>>[vector<16xi32>, vector<16xi32>], vector<16xf32>,
      %iota3A_647 = tpu.iota {dimensions = array<i32: 0>} : vector<16xi32>
      %add3A_648 = arith.constant 16 : i32
      %add3A_649 = vector.broadcast %add3A_648 : i32 to vector<16xi32>
      %add3A_650 = arith.addi %iota3A_647, %add3A_649 : vector<16xi32>
      %gather3A_651 = tpu.vector_load_idx %arg11[%add3A_650, %broadcast_in_dim3A_638] : memref<64x128xf32, #tpu.memory_space<vmem>>[vector<16xi32>, vector<16xi32>], vector<16xf32>,
      %gather3A_652 = tpu.vector_load_idx %arg8[%add3A_650, %broadcast_in_dim3A_639] : memref<64x256xf32, #tpu.memory_space<vmem>>[vector<16xi32>, vector<16xi32>], vector<16xf32>,
      %add3A_653 = arith.addf %gather3A_651, %gather3A_652 : vector<16xf32>
      tpu.vector_store_idx %arg7[%add3A_650, %broadcast_in_dim3A_639], %add3A_653 : memref<64x256xf32, #tpu.memory_space<vmem>>[vector<16xi32>, vector<16xi32>], vector<16xf32>,
      %iota3A_654 = tpu.iota {dimensions = array<i32: 0>} : vector<16xi32>
      %add3A_655 = arith.constant 32 : i32
      %add3A_656 = vector.broadcast %add3A_655 : i32 to vector<16xi32>
      %add3A_657 = arith.addi %iota3A_654, %add3A_656 : vector<16xi32>
      %gather3A_658 = tpu.vector_load_idx %arg11[%add3A_657, %broadcast_in_dim3A_638] : memref<64x128xf32, #tpu.memory_space<vmem>>[vector<16xi32>, vector<16xi32>], vector<16xf32>,
      %gather3A_659 = tpu.vector_load_idx %arg8[%add3A_657, %broadcast_in_dim3A_639] : memref<64x256xf32, #tpu.memory_space<vmem>>[vector<16xi32>, vector<16xi32>], vector<16xf32>,
      %add3A_660 = arith.addf %gather3A_658, %gather3A_659 : vector<16xf32>
      tpu.vector_store_idx %arg7[%add3A_657, %broadcast_in_dim3A_639], %add3A_660 : memref<64x256xf32, #tpu.memory_space<vmem>>[vector<16xi32>, vector<16xi32>], vector<16xf32>,
      %iota3A_661 = tpu.iota {dimensions = array<i32: 0>} : vector<16xi32>
      %add3A_662 = arith.constant 48 : i32
      %add3A_663 = vector.broadcast %add3A_662 : i32 to vector<16xi32>
      %add3A_664 = arith.addi %iota3A_661, %add3A_663 : vector<16xi32>
      %gather3A_665 = tpu.vector_load_idx %arg11[%add3A_664, %broadcast_in_dim3A_638] : memref<64x128xf32, #tpu.memory_space<vmem>>[vector<16xi32>, vector<16xi32>], vector<16xf32>,
      %gather3A_666 = tpu.vector_load_idx %arg8[%add3A_664, %broadcast_in_dim3A_639] : memref<64x256xf32, #tpu.memory_space<vmem>>[vector<16xi32>, vector<16xi32>], vector<16xf32>,
      %add3A_667 = arith.addf %gather3A_665, %gather3A_666 : vector<16xf32>
      tpu.vector_store_idx %arg7[%add3A_664, %broadcast_in_dim3A_639], %add3A_667 : memref<64x256xf32, #tpu.memory_space<vmem>>[vector<16xi32>, vector<16xi32>], vector<16xf32>,
      %mul3A_668 = arith.constant 16 : i32
      %mul3A_669 = arith.muli %scan3A_340, %mul3A_668 : i32
      %add3A_670 = arith.constant 10 : i32
      %add3A_671 = arith.addi %mul3A_669, %add3A_670 : i32
      %slice3A_672 = vector.extract_strided_slice %get3A_344 {offsets = [10], sizes = [1], strides = [1]} : vector<16xi32> to vector<1xi32>
      %squeeze3A_673 = vector.extract %slice3A_672[0] : i32 from vector<1xi32>
      %shift_right_arithmetic3A_674 = arith.constant 7 : i32
      %shift_right_arithmetic3A_675 = arith.shrsi %squeeze3A_673, %shift_right_arithmetic3A_674 : i32
      %mul3A_676 = arith.constant 128 : i32
      %mul3A_677 = arith.muli %shift_right_arithmetic3A_675, %mul3A_676 : i32
      %multiple_of3A_678 = tpu.assume_multiple %mul3A_677, 128 : i32
      %dma_start3A_679 = arith.constant 0 : i32
      %dma_start3A_680 = tpu.memref_slice %arg3[%dma_start3A_679, %multiple_of3A_678] : memref<64x1000000xf32, #tpu.memory_space<hbm>> -> memref<64x128xf32, #tpu.memory_space<hbm>>
      %dma_start3A_681 = arith.constant 0 : i32
      %dma_start3A_682 = tpu.memref_slice %arg3[%dma_start3A_681, %multiple_of3A_678] : memref<64x1000000xf32, #tpu.memory_space<hbm>> -> memref<64x128xf32, #tpu.memory_space<hbm>>
      tpu.enqueue_dma source(%dma_start3A_682 : memref<64x128xf32, #tpu.memory_space<hbm>>) target(%arg11 : memref<64x128xf32, #tpu.memory_space<vmem>>) target_semaphore(%arg19 : memref<!tpu.dma_semaphore, #tpu.memory_space<semaphore_mem>>)
      %mul3A_683 = arith.constant 16 : i32
      %mul3A_684 = arith.muli %scan3A_340, %mul3A_683 : i32
      %add3A_685 = arith.constant 11 : i32
      %add3A_686 = arith.addi %mul3A_684, %add3A_685 : i32
      %sub3A_687 = arith.constant 8 : i32
      %sub3A_688 = arith.subi %add3A_686, %sub3A_687 : i32
      %slice3A_689 = vector.extract_strided_slice %get3A_344 {offsets = [3], sizes = [1], strides = [1]} : vector<16xi32> to vector<1xi32>
      %squeeze3A_690 = vector.extract %slice3A_689[0] : i32 from vector<1xi32>
      %dma_wait3A_691 = arith.constant 0 : i32
      %dma_wait3A_692 = arith.constant 0 : i32
      %dma_wait3A_693 = tpu.memref_slice %arg3[%dma_wait3A_691, %dma_wait3A_692] : memref<64x1000000xf32, #tpu.memory_space<hbm>> -> memref<64x128xf32, #tpu.memory_space<hbm>>
      %dma_wait3A_694 = arith.constant 0 : i32
      %dma_wait3A_695 = arith.constant 0 : i32
      %dma_wait3A_696 = tpu.memref_slice %arg3[%dma_wait3A_694, %dma_wait3A_695] : memref<64x1000000xf32, #tpu.memory_space<hbm>> -> memref<64x128xf32, #tpu.memory_space<hbm>>
      tpu.wait_dma2 semaphore(%arg20 : memref<!tpu.dma_semaphore, #tpu.memory_space<semaphore_mem>>) src(%dma_wait3A_696 : memref<64x128xf32, #tpu.memory_space<hbm>>) dst(%arg12 : memref<64x128xf32, #tpu.memory_space<vmem>>)
      %and3A_697 = arith.constant 127 : i32
      %and3A_698 = arith.andi %squeeze3A_690, %and3A_697 : i32
      %broadcast_in_dim3A_699 = vector.broadcast %and3A_698 : i32 to vector<16xi32>
      %broadcast_in_dim3A_700 = vector.broadcast %sub3A_688 : i32 to vector<16xi32>
      %iota3A_701 = tpu.iota {dimensions = array<i32: 0>} : vector<16xi32>
      %add3A_702 = arith.constant 0 : i32
      %add3A_703 = vector.broadcast %add3A_702 : i32 to vector<16xi32>
      %add3A_704 = arith.addi %iota3A_701, %add3A_703 : vector<16xi32>
      %gather3A_705 = tpu.vector_load_idx %arg12[%add3A_704, %broadcast_in_dim3A_699] : memref<64x128xf32, #tpu.memory_space<vmem>>[vector<16xi32>, vector<16xi32>], vector<16xf32>,
      %gather3A_706 = tpu.vector_load_idx %arg8[%add3A_704, %broadcast_in_dim3A_700] : memref<64x256xf32, #tpu.memory_space<vmem>>[vector<16xi32>, vector<16xi32>], vector<16xf32>,
      %add3A_707 = arith.addf %gather3A_705, %gather3A_706 : vector<16xf32>
      tpu.vector_store_idx %arg7[%add3A_704, %broadcast_in_dim3A_700], %add3A_707 : memref<64x256xf32, #tpu.memory_space<vmem>>[vector<16xi32>, vector<16xi32>], vector<16xf32>,
      %iota3A_708 = tpu.iota {dimensions = array<i32: 0>} : vector<16xi32>
      %add3A_709 = arith.constant 16 : i32
      %add3A_710 = vector.broadcast %add3A_709 : i32 to vector<16xi32>
      %add3A_711 = arith.addi %iota3A_708, %add3A_710 : vector<16xi32>
      %gather3A_712 = tpu.vector_load_idx %arg12[%add3A_711, %broadcast_in_dim3A_699] : memref<64x128xf32, #tpu.memory_space<vmem>>[vector<16xi32>, vector<16xi32>], vector<16xf32>,
      %gather3A_713 = tpu.vector_load_idx %arg8[%add3A_711, %broadcast_in_dim3A_700] : memref<64x256xf32, #tpu.memory_space<vmem>>[vector<16xi32>, vector<16xi32>], vector<16xf32>,
      %add3A_714 = arith.addf %gather3A_712, %gather3A_713 : vector<16xf32>
      tpu.vector_store_idx %arg7[%add3A_711, %broadcast_in_dim3A_700], %add3A_714 : memref<64x256xf32, #tpu.memory_space<vmem>>[vector<16xi32>, vector<16xi32>], vector<16xf32>,
      %iota3A_715 = tpu.iota {dimensions = array<i32: 0>} : vector<16xi32>
      %add3A_716 = arith.constant 32 : i32
      %add3A_717 = vector.broadcast %add3A_716 : i32 to vector<16xi32>
      %add3A_718 = arith.addi %iota3A_715, %add3A_717 : vector<16xi32>
      %gather3A_719 = tpu.vector_load_idx %arg12[%add3A_718, %broadcast_in_dim3A_699] : memref<64x128xf32, #tpu.memory_space<vmem>>[vector<16xi32>, vector<16xi32>], vector<16xf32>,
      %gather3A_720 = tpu.vector_load_idx %arg8[%add3A_718, %broadcast_in_dim3A_700] : memref<64x256xf32, #tpu.memory_space<vmem>>[vector<16xi32>, vector<16xi32>], vector<16xf32>,
      %add3A_721 = arith.addf %gather3A_719, %gather3A_720 : vector<16xf32>
      tpu.vector_store_idx %arg7[%add3A_718, %broadcast_in_dim3A_700], %add3A_721 : memref<64x256xf32, #tpu.memory_space<vmem>>[vector<16xi32>, vector<16xi32>], vector<16xf32>,
      %iota3A_722 = tpu.iota {dimensions = array<i32: 0>} : vector<16xi32>
      %add3A_723 = arith.constant 48 : i32
      %add3A_724 = vector.broadcast %add3A_723 : i32 to vector<16xi32>
      %add3A_725 = arith.addi %iota3A_722, %add3A_724 : vector<16xi32>
      %gather3A_726 = tpu.vector_load_idx %arg12[%add3A_725, %broadcast_in_dim3A_699] : memref<64x128xf32, #tpu.memory_space<vmem>>[vector<16xi32>, vector<16xi32>], vector<16xf32>,
      %gather3A_727 = tpu.vector_load_idx %arg8[%add3A_725, %broadcast_in_dim3A_700] : memref<64x256xf32, #tpu.memory_space<vmem>>[vector<16xi32>, vector<16xi32>], vector<16xf32>,
      %add3A_728 = arith.addf %gather3A_726, %gather3A_727 : vector<16xf32>
      tpu.vector_store_idx %arg7[%add3A_725, %broadcast_in_dim3A_700], %add3A_728 : memref<64x256xf32, #tpu.memory_space<vmem>>[vector<16xi32>, vector<16xi32>], vector<16xf32>,
      %mul3A_729 = arith.constant 16 : i32
      %mul3A_730 = arith.muli %scan3A_340, %mul3A_729 : i32
      %add3A_731 = arith.constant 11 : i32
      %add3A_732 = arith.addi %mul3A_730, %add3A_731 : i32
      %slice3A_733 = vector.extract_strided_slice %get3A_344 {offsets = [11], sizes = [1], strides = [1]} : vector<16xi32> to vector<1xi32>
      %squeeze3A_734 = vector.extract %slice3A_733[0] : i32 from vector<1xi32>
      %shift_right_arithmetic3A_735 = arith.constant 7 : i32
      %shift_right_arithmetic3A_736 = arith.shrsi %squeeze3A_734, %shift_right_arithmetic3A_735 : i32
      %mul3A_737 = arith.constant 128 : i32
      %mul3A_738 = arith.muli %shift_right_arithmetic3A_736, %mul3A_737 : i32
      %multiple_of3A_739 = tpu.assume_multiple %mul3A_738, 128 : i32
      %dma_start3A_740 = arith.constant 0 : i32
      %dma_start3A_741 = tpu.memref_slice %arg3[%dma_start3A_740, %multiple_of3A_739] : memref<64x1000000xf32, #tpu.memory_space<hbm>> -> memref<64x128xf32, #tpu.memory_space<hbm>>
      %dma_start3A_742 = arith.constant 0 : i32
      %dma_start3A_743 = tpu.memref_slice %arg3[%dma_start3A_742, %multiple_of3A_739] : memref<64x1000000xf32, #tpu.memory_space<hbm>> -> memref<64x128xf32, #tpu.memory_space<hbm>>
      tpu.enqueue_dma source(%dma_start3A_743 : memref<64x128xf32, #tpu.memory_space<hbm>>) target(%arg12 : memref<64x128xf32, #tpu.memory_space<vmem>>) target_semaphore(%arg20 : memref<!tpu.dma_semaphore, #tpu.memory_space<semaphore_mem>>)
      %mul3A_744 = arith.constant 16 : i32
      %mul3A_745 = arith.muli %scan3A_340, %mul3A_744 : i32
      %add3A_746 = arith.constant 12 : i32
      %add3A_747 = arith.addi %mul3A_745, %add3A_746 : i32
      %sub3A_748 = arith.constant 8 : i32
      %sub3A_749 = arith.subi %add3A_747, %sub3A_748 : i32
      %slice3A_750 = vector.extract_strided_slice %get3A_344 {offsets = [4], sizes = [1], strides = [1]} : vector<16xi32> to vector<1xi32>
      %squeeze3A_751 = vector.extract %slice3A_750[0] : i32 from vector<1xi32>
      %dma_wait3A_752 = arith.constant 0 : i32
      %dma_wait3A_753 = arith.constant 0 : i32
      %dma_wait3A_754 = tpu.memref_slice %arg3[%dma_wait3A_752, %dma_wait3A_753] : memref<64x1000000xf32, #tpu.memory_space<hbm>> -> memref<64x128xf32, #tpu.memory_space<hbm>>
      %dma_wait3A_755 = arith.constant 0 : i32
      %dma_wait3A_756 = arith.constant 0 : i32
      %dma_wait3A_757 = tpu.memref_slice %arg3[%dma_wait3A_755, %dma_wait3A_756] : memref<64x1000000xf32, #tpu.memory_space<hbm>> -> memref<64x128xf32, #tpu.memory_space<hbm>>
      tpu.wait_dma2 semaphore(%arg21 : memref<!tpu.dma_semaphore, #tpu.memory_space<semaphore_mem>>) src(%dma_wait3A_757 : memref<64x128xf32, #tpu.memory_space<hbm>>) dst(%arg13 : memref<64x128xf32, #tpu.memory_space<vmem>>)
      %and3A_758 = arith.constant 127 : i32
      %and3A_759 = arith.andi %squeeze3A_751, %and3A_758 : i32
      %broadcast_in_dim3A_760 = vector.broadcast %and3A_759 : i32 to vector<16xi32>
      %broadcast_in_dim3A_761 = vector.broadcast %sub3A_749 : i32 to vector<16xi32>
      %iota3A_762 = tpu.iota {dimensions = array<i32: 0>} : vector<16xi32>
      %add3A_763 = arith.constant 0 : i32
      %add3A_764 = vector.broadcast %add3A_763 : i32 to vector<16xi32>
      %add3A_765 = arith.addi %iota3A_762, %add3A_764 : vector<16xi32>
      %gather3A_766 = tpu.vector_load_idx %arg13[%add3A_765, %broadcast_in_dim3A_760] : memref<64x128xf32, #tpu.memory_space<vmem>>[vector<16xi32>, vector<16xi32>], vector<16xf32>,
      %gather3A_767 = tpu.vector_load_idx %arg8[%add3A_765, %broadcast_in_dim3A_761] : memref<64x256xf32, #tpu.memory_space<vmem>>[vector<16xi32>, vector<16xi32>], vector<16xf32>,
      %add3A_768 = arith.addf %gather3A_766, %gather3A_767 : vector<16xf32>
      tpu.vector_store_idx %arg7[%add3A_765, %broadcast_in_dim3A_761], %add3A_768 : memref<64x256xf32, #tpu.memory_space<vmem>>[vector<16xi32>, vector<16xi32>], vector<16xf32>,
      %iota3A_769 = tpu.iota {dimensions = array<i32: 0>} : vector<16xi32>
      %add3A_770 = arith.constant 16 : i32
      %add3A_771 = vector.broadcast %add3A_770 : i32 to vector<16xi32>
      %add3A_772 = arith.addi %iota3A_769, %add3A_771 : vector<16xi32>
      %gather3A_773 = tpu.vector_load_idx %arg13[%add3A_772, %broadcast_in_dim3A_760] : memref<64x128xf32, #tpu.memory_space<vmem>>[vector<16xi32>, vector<16xi32>], vector<16xf32>,
      %gather3A_774 = tpu.vector_load_idx %arg8[%add3A_772, %broadcast_in_dim3A_761] : memref<64x256xf32, #tpu.memory_space<vmem>>[vector<16xi32>, vector<16xi32>], vector<16xf32>,
      %add3A_775 = arith.addf %gather3A_773, %gather3A_774 : vector<16xf32>
      tpu.vector_store_idx %arg7[%add3A_772, %broadcast_in_dim3A_761], %add3A_775 : memref<64x256xf32, #tpu.memory_space<vmem>>[vector<16xi32>, vector<16xi32>], vector<16xf32>,
      %iota3A_776 = tpu.iota {dimensions = array<i32: 0>} : vector<16xi32>
      %add3A_777 = arith.constant 32 : i32
      %add3A_778 = vector.broadcast %add3A_777 : i32 to vector<16xi32>
      %add3A_779 = arith.addi %iota3A_776, %add3A_778 : vector<16xi32>
      %gather3A_780 = tpu.vector_load_idx %arg13[%add3A_779, %broadcast_in_dim3A_760] : memref<64x128xf32, #tpu.memory_space<vmem>>[vector<16xi32>, vector<16xi32>], vector<16xf32>,
      %gather3A_781 = tpu.vector_load_idx %arg8[%add3A_779, %broadcast_in_dim3A_761] : memref<64x256xf32, #tpu.memory_space<vmem>>[vector<16xi32>, vector<16xi32>], vector<16xf32>,
      %add3A_782 = arith.addf %gather3A_780, %gather3A_781 : vector<16xf32>
      tpu.vector_store_idx %arg7[%add3A_779, %broadcast_in_dim3A_761], %add3A_782 : memref<64x256xf32, #tpu.memory_space<vmem>>[vector<16xi32>, vector<16xi32>], vector<16xf32>,
      %iota3A_783 = tpu.iota {dimensions = array<i32: 0>} : vector<16xi32>
      %add3A_784 = arith.constant 48 : i32
      %add3A_785 = vector.broadcast %add3A_784 : i32 to vector<16xi32>
      %add3A_786 = arith.addi %iota3A_783, %add3A_785 : vector<16xi32>
      %gather3A_787 = tpu.vector_load_idx %arg13[%add3A_786, %broadcast_in_dim3A_760] : memref<64x128xf32, #tpu.memory_space<vmem>>[vector<16xi32>, vector<16xi32>], vector<16xf32>,
      %gather3A_788 = tpu.vector_load_idx %arg8[%add3A_786, %broadcast_in_dim3A_761] : memref<64x256xf32, #tpu.memory_space<vmem>>[vector<16xi32>, vector<16xi32>], vector<16xf32>,
      %add3A_789 = arith.addf %gather3A_787, %gather3A_788 : vector<16xf32>
      tpu.vector_store_idx %arg7[%add3A_786, %broadcast_in_dim3A_761], %add3A_789 : memref<64x256xf32, #tpu.memory_space<vmem>>[vector<16xi32>, vector<16xi32>], vector<16xf32>,
      %mul3A_790 = arith.constant 16 : i32
      %mul3A_791 = arith.muli %scan3A_340, %mul3A_790 : i32
      %add3A_792 = arith.constant 12 : i32
      %add3A_793 = arith.addi %mul3A_791, %add3A_792 : i32
      %slice3A_794 = vector.extract_strided_slice %get3A_344 {offsets = [12], sizes = [1], strides = [1]} : vector<16xi32> to vector<1xi32>
      %squeeze3A_795 = vector.extract %slice3A_794[0] : i32 from vector<1xi32>
      %shift_right_arithmetic3A_796 = arith.constant 7 : i32
      %shift_right_arithmetic3A_797 = arith.shrsi %squeeze3A_795, %shift_right_arithmetic3A_796 : i32
      %mul3A_798 = arith.constant 128 : i32
      %mul3A_799 = arith.muli %shift_right_arithmetic3A_797, %mul3A_798 : i32
      %multiple_of3A_800 = tpu.assume_multiple %mul3A_799, 128 : i32
      %dma_start3A_801 = arith.constant 0 : i32
      %dma_start3A_802 = tpu.memref_slice %arg3[%dma_start3A_801, %multiple_of3A_800] : memref<64x1000000xf32, #tpu.memory_space<hbm>> -> memref<64x128xf32, #tpu.memory_space<hbm>>
      %dma_start3A_803 = arith.constant 0 : i32
      %dma_start3A_804 = tpu.memref_slice %arg3[%dma_start3A_803, %multiple_of3A_800] : memref<64x1000000xf32, #tpu.memory_space<hbm>> -> memref<64x128xf32, #tpu.memory_space<hbm>>
      tpu.enqueue_dma source(%dma_start3A_804 : memref<64x128xf32, #tpu.memory_space<hbm>>) target(%arg13 : memref<64x128xf32, #tpu.memory_space<vmem>>) target_semaphore(%arg21 : memref<!tpu.dma_semaphore, #tpu.memory_space<semaphore_mem>>)
      %mul3A_805 = arith.constant 16 : i32
      %mul3A_806 = arith.muli %scan3A_340, %mul3A_805 : i32
      %add3A_807 = arith.constant 13 : i32
      %add3A_808 = arith.addi %mul3A_806, %add3A_807 : i32
      %sub3A_809 = arith.constant 8 : i32
      %sub3A_810 = arith.subi %add3A_808, %sub3A_809 : i32
      %slice3A_811 = vector.extract_strided_slice %get3A_344 {offsets = [5], sizes = [1], strides = [1]} : vector<16xi32> to vector<1xi32>
      %squeeze3A_812 = vector.extract %slice3A_811[0] : i32 from vector<1xi32>
      %dma_wait3A_813 = arith.constant 0 : i32
      %dma_wait3A_814 = arith.constant 0 : i32
      %dma_wait3A_815 = tpu.memref_slice %arg3[%dma_wait3A_813, %dma_wait3A_814] : memref<64x1000000xf32, #tpu.memory_space<hbm>> -> memref<64x128xf32, #tpu.memory_space<hbm>>
      %dma_wait3A_816 = arith.constant 0 : i32
      %dma_wait3A_817 = arith.constant 0 : i32
      %dma_wait3A_818 = tpu.memref_slice %arg3[%dma_wait3A_816, %dma_wait3A_817] : memref<64x1000000xf32, #tpu.memory_space<hbm>> -> memref<64x128xf32, #tpu.memory_space<hbm>>
      tpu.wait_dma2 semaphore(%arg22 : memref<!tpu.dma_semaphore, #tpu.memory_space<semaphore_mem>>) src(%dma_wait3A_818 : memref<64x128xf32, #tpu.memory_space<hbm>>) dst(%arg14 : memref<64x128xf32, #tpu.memory_space<vmem>>)
      %and3A_819 = arith.constant 127 : i32
      %and3A_820 = arith.andi %squeeze3A_812, %and3A_819 : i32
      %broadcast_in_dim3A_821 = vector.broadcast %and3A_820 : i32 to vector<16xi32>
      %broadcast_in_dim3A_822 = vector.broadcast %sub3A_810 : i32 to vector<16xi32>
      %iota3A_823 = tpu.iota {dimensions = array<i32: 0>} : vector<16xi32>
      %add3A_824 = arith.constant 0 : i32
      %add3A_825 = vector.broadcast %add3A_824 : i32 to vector<16xi32>
      %add3A_826 = arith.addi %iota3A_823, %add3A_825 : vector<16xi32>
      %gather3A_827 = tpu.vector_load_idx %arg14[%add3A_826, %broadcast_in_dim3A_821] : memref<64x128xf32, #tpu.memory_space<vmem>>[vector<16xi32>, vector<16xi32>], vector<16xf32>,
      %gather3A_828 = tpu.vector_load_idx %arg8[%add3A_826, %broadcast_in_dim3A_822] : memref<64x256xf32, #tpu.memory_space<vmem>>[vector<16xi32>, vector<16xi32>], vector<16xf32>,
      %add3A_829 = arith.addf %gather3A_827, %gather3A_828 : vector<16xf32>
      tpu.vector_store_idx %arg7[%add3A_826, %broadcast_in_dim3A_822], %add3A_829 : memref<64x256xf32, #tpu.memory_space<vmem>>[vector<16xi32>, vector<16xi32>], vector<16xf32>,
      %iota3A_830 = tpu.iota {dimensions = array<i32: 0>} : vector<16xi32>
      %add3A_831 = arith.constant 16 : i32
      %add3A_832 = vector.broadcast %add3A_831 : i32 to vector<16xi32>
      %add3A_833 = arith.addi %iota3A_830, %add3A_832 : vector<16xi32>
      %gather3A_834 = tpu.vector_load_idx %arg14[%add3A_833, %broadcast_in_dim3A_821] : memref<64x128xf32, #tpu.memory_space<vmem>>[vector<16xi32>, vector<16xi32>], vector<16xf32>,
      %gather3A_835 = tpu.vector_load_idx %arg8[%add3A_833, %broadcast_in_dim3A_822] : memref<64x256xf32, #tpu.memory_space<vmem>>[vector<16xi32>, vector<16xi32>], vector<16xf32>,
      %add3A_836 = arith.addf %gather3A_834, %gather3A_835 : vector<16xf32>
      tpu.vector_store_idx %arg7[%add3A_833, %broadcast_in_dim3A_822], %add3A_836 : memref<64x256xf32, #tpu.memory_space<vmem>>[vector<16xi32>, vector<16xi32>], vector<16xf32>,
      %iota3A_837 = tpu.iota {dimensions = array<i32: 0>} : vector<16xi32>
      %add3A_838 = arith.constant 32 : i32
      %add3A_839 = vector.broadcast %add3A_838 : i32 to vector<16xi32>
      %add3A_840 = arith.addi %iota3A_837, %add3A_839 : vector<16xi32>
      %gather3A_841 = tpu.vector_load_idx %arg14[%add3A_840, %broadcast_in_dim3A_821] : memref<64x128xf32, #tpu.memory_space<vmem>>[vector<16xi32>, vector<16xi32>], vector<16xf32>,
      %gather3A_842 = tpu.vector_load_idx %arg8[%add3A_840, %broadcast_in_dim3A_822] : memref<64x256xf32, #tpu.memory_space<vmem>>[vector<16xi32>, vector<16xi32>], vector<16xf32>,
      %add3A_843 = arith.addf %gather3A_841, %gather3A_842 : vector<16xf32>
      tpu.vector_store_idx %arg7[%add3A_840, %broadcast_in_dim3A_822], %add3A_843 : memref<64x256xf32, #tpu.memory_space<vmem>>[vector<16xi32>, vector<16xi32>], vector<16xf32>,
      %iota3A_844 = tpu.iota {dimensions = array<i32: 0>} : vector<16xi32>
      %add3A_845 = arith.constant 48 : i32
      %add3A_846 = vector.broadcast %add3A_845 : i32 to vector<16xi32>
      %add3A_847 = arith.addi %iota3A_844, %add3A_846 : vector<16xi32>
      %gather3A_848 = tpu.vector_load_idx %arg14[%add3A_847, %broadcast_in_dim3A_821] : memref<64x128xf32, #tpu.memory_space<vmem>>[vector<16xi32>, vector<16xi32>], vector<16xf32>,
      %gather3A_849 = tpu.vector_load_idx %arg8[%add3A_847, %broadcast_in_dim3A_822] : memref<64x256xf32, #tpu.memory_space<vmem>>[vector<16xi32>, vector<16xi32>], vector<16xf32>,
      %add3A_850 = arith.addf %gather3A_848, %gather3A_849 : vector<16xf32>
      tpu.vector_store_idx %arg7[%add3A_847, %broadcast_in_dim3A_822], %add3A_850 : memref<64x256xf32, #tpu.memory_space<vmem>>[vector<16xi32>, vector<16xi32>], vector<16xf32>,
      %mul3A_851 = arith.constant 16 : i32
      %mul3A_852 = arith.muli %scan3A_340, %mul3A_851 : i32
      %add3A_853 = arith.constant 13 : i32
      %add3A_854 = arith.addi %mul3A_852, %add3A_853 : i32
      %slice3A_855 = vector.extract_strided_slice %get3A_344 {offsets = [13], sizes = [1], strides = [1]} : vector<16xi32> to vector<1xi32>
      %squeeze3A_856 = vector.extract %slice3A_855[0] : i32 from vector<1xi32>
      %shift_right_arithmetic3A_857 = arith.constant 7 : i32
      %shift_right_arithmetic3A_858 = arith.shrsi %squeeze3A_856, %shift_right_arithmetic3A_857 : i32
      %mul3A_859 = arith.constant 128 : i32
      %mul3A_860 = arith.muli %shift_right_arithmetic3A_858, %mul3A_859 : i32
      %multiple_of3A_861 = tpu.assume_multiple %mul3A_860, 128 : i32
      %dma_start3A_862 = arith.constant 0 : i32
      %dma_start3A_863 = tpu.memref_slice %arg3[%dma_start3A_862, %multiple_of3A_861] : memref<64x1000000xf32, #tpu.memory_space<hbm>> -> memref<64x128xf32, #tpu.memory_space<hbm>>
      %dma_start3A_864 = arith.constant 0 : i32
      %dma_start3A_865 = tpu.memref_slice %arg3[%dma_start3A_864, %multiple_of3A_861] : memref<64x1000000xf32, #tpu.memory_space<hbm>> -> memref<64x128xf32, #tpu.memory_space<hbm>>
      tpu.enqueue_dma source(%dma_start3A_865 : memref<64x128xf32, #tpu.memory_space<hbm>>) target(%arg14 : memref<64x128xf32, #tpu.memory_space<vmem>>) target_semaphore(%arg22 : memref<!tpu.dma_semaphore, #tpu.memory_space<semaphore_mem>>)
      %mul3A_866 = arith.constant 16 : i32
      %mul3A_867 = arith.muli %scan3A_340, %mul3A_866 : i32
      %add3A_868 = arith.constant 14 : i32
      %add3A_869 = arith.addi %mul3A_867, %add3A_868 : i32
      %sub3A_870 = arith.constant 8 : i32
      %sub3A_871 = arith.subi %add3A_869, %sub3A_870 : i32
      %slice3A_872 = vector.extract_strided_slice %get3A_344 {offsets = [6], sizes = [1], strides = [1]} : vector<16xi32> to vector<1xi32>
      %squeeze3A_873 = vector.extract %slice3A_872[0] : i32 from vector<1xi32>
      %dma_wait3A_874 = arith.constant 0 : i32
      %dma_wait3A_875 = arith.constant 0 : i32
      %dma_wait3A_876 = tpu.memref_slice %arg3[%dma_wait3A_874, %dma_wait3A_875] : memref<64x1000000xf32, #tpu.memory_space<hbm>> -> memref<64x128xf32, #tpu.memory_space<hbm>>
      %dma_wait3A_877 = arith.constant 0 : i32
      %dma_wait3A_878 = arith.constant 0 : i32
      %dma_wait3A_879 = tpu.memref_slice %arg3[%dma_wait3A_877, %dma_wait3A_878] : memref<64x1000000xf32, #tpu.memory_space<hbm>> -> memref<64x128xf32, #tpu.memory_space<hbm>>
      tpu.wait_dma2 semaphore(%arg23 : memref<!tpu.dma_semaphore, #tpu.memory_space<semaphore_mem>>) src(%dma_wait3A_879 : memref<64x128xf32, #tpu.memory_space<hbm>>) dst(%arg15 : memref<64x128xf32, #tpu.memory_space<vmem>>)
      %and3A_880 = arith.constant 127 : i32
      %and3A_881 = arith.andi %squeeze3A_873, %and3A_880 : i32
      %broadcast_in_dim3A_882 = vector.broadcast %and3A_881 : i32 to vector<16xi32>
      %broadcast_in_dim3A_883 = vector.broadcast %sub3A_871 : i32 to vector<16xi32>
      %iota3A_884 = tpu.iota {dimensions = array<i32: 0>} : vector<16xi32>
      %add3A_885 = arith.constant 0 : i32
      %add3A_886 = vector.broadcast %add3A_885 : i32 to vector<16xi32>
      %add3A_887 = arith.addi %iota3A_884, %add3A_886 : vector<16xi32>
      %gather3A_888 = tpu.vector_load_idx %arg15[%add3A_887, %broadcast_in_dim3A_882] : memref<64x128xf32, #tpu.memory_space<vmem>>[vector<16xi32>, vector<16xi32>], vector<16xf32>,
      %gather3A_889 = tpu.vector_load_idx %arg8[%add3A_887, %broadcast_in_dim3A_883] : memref<64x256xf32, #tpu.memory_space<vmem>>[vector<16xi32>, vector<16xi32>], vector<16xf32>,
      %add3A_890 = arith.addf %gather3A_888, %gather3A_889 : vector<16xf32>
      tpu.vector_store_idx %arg7[%add3A_887, %broadcast_in_dim3A_883], %add3A_890 : memref<64x256xf32, #tpu.memory_space<vmem>>[vector<16xi32>, vector<16xi32>], vector<16xf32>,
      %iota3A_891 = tpu.iota {dimensions = array<i32: 0>} : vector<16xi32>
      %add3A_892 = arith.constant 16 : i32
      %add3A_893 = vector.broadcast %add3A_892 : i32 to vector<16xi32>
      %add3A_894 = arith.addi %iota3A_891, %add3A_893 : vector<16xi32>
      %gather3A_895 = tpu.vector_load_idx %arg15[%add3A_894, %broadcast_in_dim3A_882] : memref<64x128xf32, #tpu.memory_space<vmem>>[vector<16xi32>, vector<16xi32>], vector<16xf32>,
      %gather3A_896 = tpu.vector_load_idx %arg8[%add3A_894, %broadcast_in_dim3A_883] : memref<64x256xf32, #tpu.memory_space<vmem>>[vector<16xi32>, vector<16xi32>], vector<16xf32>,
      %add3A_897 = arith.addf %gather3A_895, %gather3A_896 : vector<16xf32>
      tpu.vector_store_idx %arg7[%add3A_894, %broadcast_in_dim3A_883], %add3A_897 : memref<64x256xf32, #tpu.memory_space<vmem>>[vector<16xi32>, vector<16xi32>], vector<16xf32>,
      %iota3A_898 = tpu.iota {dimensions = array<i32: 0>} : vector<16xi32>
      %add3A_899 = arith.constant 32 : i32
      %add3A_900 = vector.broadcast %add3A_899 : i32 to vector<16xi32>
      %add3A_901 = arith.addi %iota3A_898, %add3A_900 : vector<16xi32>
      %gather3A_902 = tpu.vector_load_idx %arg15[%add3A_901, %broadcast_in_dim3A_882] : memref<64x128xf32, #tpu.memory_space<vmem>>[vector<16xi32>, vector<16xi32>], vector<16xf32>,
      %gather3A_903 = tpu.vector_load_idx %arg8[%add3A_901, %broadcast_in_dim3A_883] : memref<64x256xf32, #tpu.memory_space<vmem>>[vector<16xi32>, vector<16xi32>], vector<16xf32>,
      %add3A_904 = arith.addf %gather3A_902, %gather3A_903 : vector<16xf32>
      tpu.vector_store_idx %arg7[%add3A_901, %broadcast_in_dim3A_883], %add3A_904 : memref<64x256xf32, #tpu.memory_space<vmem>>[vector<16xi32>, vector<16xi32>], vector<16xf32>,
      %iota3A_905 = tpu.iota {dimensions = array<i32: 0>} : vector<16xi32>
      %add3A_906 = arith.constant 48 : i32
      %add3A_907 = vector.broadcast %add3A_906 : i32 to vector<16xi32>
      %add3A_908 = arith.addi %iota3A_905, %add3A_907 : vector<16xi32>
      %gather3A_909 = tpu.vector_load_idx %arg15[%add3A_908, %broadcast_in_dim3A_882] : memref<64x128xf32, #tpu.memory_space<vmem>>[vector<16xi32>, vector<16xi32>], vector<16xf32>,
      %gather3A_910 = tpu.vector_load_idx %arg8[%add3A_908, %broadcast_in_dim3A_883] : memref<64x256xf32, #tpu.memory_space<vmem>>[vector<16xi32>, vector<16xi32>], vector<16xf32>,
      %add3A_911 = arith.addf %gather3A_909, %gather3A_910 : vector<16xf32>
      tpu.vector_store_idx %arg7[%add3A_908, %broadcast_in_dim3A_883], %add3A_911 : memref<64x256xf32, #tpu.memory_space<vmem>>[vector<16xi32>, vector<16xi32>], vector<16xf32>,
      %mul3A_912 = arith.constant 16 : i32
      %mul3A_913 = arith.muli %scan3A_340, %mul3A_912 : i32
      %add3A_914 = arith.constant 14 : i32
      %add3A_915 = arith.addi %mul3A_913, %add3A_914 : i32
      %slice3A_916 = vector.extract_strided_slice %get3A_344 {offsets = [14], sizes = [1], strides = [1]} : vector<16xi32> to vector<1xi32>
      %squeeze3A_917 = vector.extract %slice3A_916[0] : i32 from vector<1xi32>
      %shift_right_arithmetic3A_918 = arith.constant 7 : i32
      %shift_right_arithmetic3A_919 = arith.shrsi %squeeze3A_917, %shift_right_arithmetic3A_918 : i32
      %mul3A_920 = arith.constant 128 : i32
      %mul3A_921 = arith.muli %shift_right_arithmetic3A_919, %mul3A_920 : i32
      %multiple_of3A_922 = tpu.assume_multiple %mul3A_921, 128 : i32
      %dma_start3A_923 = arith.constant 0 : i32
      %dma_start3A_924 = tpu.memref_slice %arg3[%dma_start3A_923, %multiple_of3A_922] : memref<64x1000000xf32, #tpu.memory_space<hbm>> -> memref<64x128xf32, #tpu.memory_space<hbm>>
      %dma_start3A_925 = arith.constant 0 : i32
      %dma_start3A_926 = tpu.memref_slice %arg3[%dma_start3A_925, %multiple_of3A_922] : memref<64x1000000xf32, #tpu.memory_space<hbm>> -> memref<64x128xf32, #tpu.memory_space<hbm>>
      tpu.enqueue_dma source(%dma_start3A_926 : memref<64x128xf32, #tpu.memory_space<hbm>>) target(%arg15 : memref<64x128xf32, #tpu.memory_space<vmem>>) target_semaphore(%arg23 : memref<!tpu.dma_semaphore, #tpu.memory_space<semaphore_mem>>)
      %mul3A_927 = arith.constant 16 : i32
      %mul3A_928 = arith.muli %scan3A_340, %mul3A_927 : i32
      %add3A_929 = arith.constant 15 : i32
      %add3A_930 = arith.addi %mul3A_928, %add3A_929 : i32
      %sub3A_931 = arith.constant 8 : i32
      %sub3A_932 = arith.subi %add3A_930, %sub3A_931 : i32
      %slice3A_933 = vector.extract_strided_slice %get3A_344 {offsets = [7], sizes = [1], strides = [1]} : vector<16xi32> to vector<1xi32>
      %squeeze3A_934 = vector.extract %slice3A_933[0] : i32 from vector<1xi32>
      %dma_wait3A_935 = arith.constant 0 : i32
      %dma_wait3A_936 = arith.constant 0 : i32
      %dma_wait3A_937 = tpu.memref_slice %arg3[%dma_wait3A_935, %dma_wait3A_936] : memref<64x1000000xf32, #tpu.memory_space<hbm>> -> memref<64x128xf32, #tpu.memory_space<hbm>>
      %dma_wait3A_938 = arith.constant 0 : i32
      %dma_wait3A_939 = arith.constant 0 : i32
      %dma_wait3A_940 = tpu.memref_slice %arg3[%dma_wait3A_938, %dma_wait3A_939] : memref<64x1000000xf32, #tpu.memory_space<hbm>> -> memref<64x128xf32, #tpu.memory_space<hbm>>
      tpu.wait_dma2 semaphore(%arg24 : memref<!tpu.dma_semaphore, #tpu.memory_space<semaphore_mem>>) src(%dma_wait3A_940 : memref<64x128xf32, #tpu.memory_space<hbm>>) dst(%arg16 : memref<64x128xf32, #tpu.memory_space<vmem>>)
      %and3A_941 = arith.constant 127 : i32
      %and3A_942 = arith.andi %squeeze3A_934, %and3A_941 : i32
      %broadcast_in_dim3A_943 = vector.broadcast %and3A_942 : i32 to vector<16xi32>
      %broadcast_in_dim3A_944 = vector.broadcast %sub3A_932 : i32 to vector<16xi32>
      %iota3A_945 = tpu.iota {dimensions = array<i32: 0>} : vector<16xi32>
      %add3A_946 = arith.constant 0 : i32
      %add3A_947 = vector.broadcast %add3A_946 : i32 to vector<16xi32>
      %add3A_948 = arith.addi %iota3A_945, %add3A_947 : vector<16xi32>
      %gather3A_949 = tpu.vector_load_idx %arg16[%add3A_948, %broadcast_in_dim3A_943] : memref<64x128xf32, #tpu.memory_space<vmem>>[vector<16xi32>, vector<16xi32>], vector<16xf32>,
      %gather3A_950 = tpu.vector_load_idx %arg8[%add3A_948, %broadcast_in_dim3A_944] : memref<64x256xf32, #tpu.memory_space<vmem>>[vector<16xi32>, vector<16xi32>], vector<16xf32>,
      %add3A_951 = arith.addf %gather3A_949, %gather3A_950 : vector<16xf32>
      tpu.vector_store_idx %arg7[%add3A_948, %broadcast_in_dim3A_944], %add3A_951 : memref<64x256xf32, #tpu.memory_space<vmem>>[vector<16xi32>, vector<16xi32>], vector<16xf32>,
      %iota3A_952 = tpu.iota {dimensions = array<i32: 0>} : vector<16xi32>
      %add3A_953 = arith.constant 16 : i32
      %add3A_954 = vector.broadcast %add3A_953 : i32 to vector<16xi32>
      %add3A_955 = arith.addi %iota3A_952, %add3A_954 : vector<16xi32>
      %gather3A_956 = tpu.vector_load_idx %arg16[%add3A_955, %broadcast_in_dim3A_943] : memref<64x128xf32, #tpu.memory_space<vmem>>[vector<16xi32>, vector<16xi32>], vector<16xf32>,
      %gather3A_957 = tpu.vector_load_idx %arg8[%add3A_955, %broadcast_in_dim3A_944] : memref<64x256xf32, #tpu.memory_space<vmem>>[vector<16xi32>, vector<16xi32>], vector<16xf32>,
      %add3A_958 = arith.addf %gather3A_956, %gather3A_957 : vector<16xf32>
      tpu.vector_store_idx %arg7[%add3A_955, %broadcast_in_dim3A_944], %add3A_958 : memref<64x256xf32, #tpu.memory_space<vmem>>[vector<16xi32>, vector<16xi32>], vector<16xf32>,
      %iota3A_959 = tpu.iota {dimensions = array<i32: 0>} : vector<16xi32>
      %add3A_960 = arith.constant 32 : i32
      %add3A_961 = vector.broadcast %add3A_960 : i32 to vector<16xi32>
      %add3A_962 = arith.addi %iota3A_959, %add3A_961 : vector<16xi32>
      %gather3A_963 = tpu.vector_load_idx %arg16[%add3A_962, %broadcast_in_dim3A_943] : memref<64x128xf32, #tpu.memory_space<vmem>>[vector<16xi32>, vector<16xi32>], vector<16xf32>,
      %gather3A_964 = tpu.vector_load_idx %arg8[%add3A_962, %broadcast_in_dim3A_944] : memref<64x256xf32, #tpu.memory_space<vmem>>[vector<16xi32>, vector<16xi32>], vector<16xf32>,
      %add3A_965 = arith.addf %gather3A_963, %gather3A_964 : vector<16xf32>
      tpu.vector_store_idx %arg7[%add3A_962, %broadcast_in_dim3A_944], %add3A_965 : memref<64x256xf32, #tpu.memory_space<vmem>>[vector<16xi32>, vector<16xi32>], vector<16xf32>,
      %iota3A_966 = tpu.iota {dimensions = array<i32: 0>} : vector<16xi32>
      %add3A_967 = arith.constant 48 : i32
      %add3A_968 = vector.broadcast %add3A_967 : i32 to vector<16xi32>
      %add3A_969 = arith.addi %iota3A_966, %add3A_968 : vector<16xi32>
      %gather3A_970 = tpu.vector_load_idx %arg16[%add3A_969, %broadcast_in_dim3A_943] : memref<64x128xf32, #tpu.memory_space<vmem>>[vector<16xi32>, vector<16xi32>], vector<16xf32>,
      %gather3A_971 = tpu.vector_load_idx %arg8[%add3A_969, %broadcast_in_dim3A_944] : memref<64x256xf32, #tpu.memory_space<vmem>>[vector<16xi32>, vector<16xi32>], vector<16xf32>,
      %add3A_972 = arith.addf %gather3A_970, %gather3A_971 : vector<16xf32>
      tpu.vector_store_idx %arg7[%add3A_969, %broadcast_in_dim3A_944], %add3A_972 : memref<64x256xf32, #tpu.memory_space<vmem>>[vector<16xi32>, vector<16xi32>], vector<16xf32>,
      %mul3A_973 = arith.constant 16 : i32
      %mul3A_974 = arith.muli %scan3A_340, %mul3A_973 : i32
      %add3A_975 = arith.constant 15 : i32
      %add3A_976 = arith.addi %mul3A_974, %add3A_975 : i32
      %slice3A_977 = vector.extract_strided_slice %get3A_344 {offsets = [15], sizes = [1], strides = [1]} : vector<16xi32> to vector<1xi32>
      %squeeze3A_978 = vector.extract %slice3A_977[0] : i32 from vector<1xi32>
      %shift_right_arithmetic3A_979 = arith.constant 7 : i32
      %shift_right_arithmetic3A_980 = arith.shrsi %squeeze3A_978, %shift_right_arithmetic3A_979 : i32
      %mul3A_981 = arith.constant 128 : i32
      %mul3A_982 = arith.muli %shift_right_arithmetic3A_980, %mul3A_981 : i32
      %multiple_of3A_983 = tpu.assume_multiple %mul3A_982, 128 : i32
      %dma_start3A_984 = arith.constant 0 : i32
      %dma_start3A_985 = tpu.memref_slice %arg3[%dma_start3A_984, %multiple_of3A_983] : memref<64x1000000xf32, #tpu.memory_space<hbm>> -> memref<64x128xf32, #tpu.memory_space<hbm>>
      %dma_start3A_986 = arith.constant 0 : i32
      %dma_start3A_987 = tpu.memref_slice %arg3[%dma_start3A_986, %multiple_of3A_983] : memref<64x1000000xf32, #tpu.memory_space<hbm>> -> memref<64x128xf32, #tpu.memory_space<hbm>>
      tpu.enqueue_dma source(%dma_start3A_987 : memref<64x128xf32, #tpu.memory_space<hbm>>) target(%arg16 : memref<64x128xf32, #tpu.memory_space<vmem>>) target_semaphore(%arg24 : memref<!tpu.dma_semaphore, #tpu.memory_space<semaphore_mem>>)
      scf.yield %get3A_344 : vector<16xi32>
    }
    %scan3A_16 = arith.constant 16 : i32
    %slice3A = vector.extract_strided_slice %scan3A_15 {offsets = [8], sizes = [1], strides = [1]} : vector<16xi32> to vector<1xi32>
    %squeeze3A = vector.extract %slice3A[0] : i32 from vector<1xi32>
    %dma_wait3A_17 = arith.constant 0 : i32
    %dma_wait3A_18 = arith.constant 0 : i32
    %dma_wait3A_19 = tpu.memref_slice %arg3[%dma_wait3A_17, %dma_wait3A_18] : memref<64x1000000xf32, #tpu.memory_space<hbm>> -> memref<64x128xf32, #tpu.memory_space<hbm>>
    %dma_wait3A_20 = arith.constant 0 : i32
    %dma_wait3A_21 = arith.constant 0 : i32
    %dma_wait3A_22 = tpu.memref_slice %arg3[%dma_wait3A_20, %dma_wait3A_21] : memref<64x1000000xf32, #tpu.memory_space<hbm>> -> memref<64x128xf32, #tpu.memory_space<hbm>>
    tpu.wait_dma2 semaphore(%arg17 : memref<!tpu.dma_semaphore, #tpu.memory_space<semaphore_mem>>) src(%dma_wait3A_22 : memref<64x128xf32, #tpu.memory_space<hbm>>) dst(%arg9 : memref<64x128xf32, #tpu.memory_space<vmem>>)
    %and3A = arith.constant 127 : i32
    %and3A_23 = arith.andi %squeeze3A, %and3A : i32
    %broadcast_in_dim3A_24 = vector.broadcast %and3A_23 : i32 to vector<16xi32>
    %broadcast_in_dim3A_25 = arith.constant 248 : i32
    %broadcast_in_dim3A_26 = vector.broadcast %broadcast_in_dim3A_25 : i32 to vector<16xi32>
    %iota3A = tpu.iota {dimensions = array<i32: 0>} : vector<16xi32>
    %add3A_27 = arith.constant 0 : i32
    %add3A_28 = vector.broadcast %add3A_27 : i32 to vector<16xi32>
    %add3A_29 = arith.addi %iota3A, %add3A_28 : vector<16xi32>
    %gather3A = tpu.vector_load_idx %arg9[%add3A_29, %broadcast_in_dim3A_24] : memref<64x128xf32, #tpu.memory_space<vmem>>[vector<16xi32>, vector<16xi32>], vector<16xf32>,
    %gather3A_30 = tpu.vector_load_idx %arg8[%add3A_29, %broadcast_in_dim3A_26] : memref<64x256xf32, #tpu.memory_space<vmem>>[vector<16xi32>, vector<16xi32>], vector<16xf32>,
    %add3A_31 = arith.addf %gather3A, %gather3A_30 : vector<16xf32>
    tpu.vector_store_idx %arg7[%add3A_29, %broadcast_in_dim3A_26], %add3A_31 : memref<64x256xf32, #tpu.memory_space<vmem>>[vector<16xi32>, vector<16xi32>], vector<16xf32>,
    %iota3A_32 = tpu.iota {dimensions = array<i32: 0>} : vector<16xi32>
    %add3A_33 = arith.constant 16 : i32
    %add3A_34 = vector.broadcast %add3A_33 : i32 to vector<16xi32>
    %add3A_35 = arith.addi %iota3A_32, %add3A_34 : vector<16xi32>
    %gather3A_36 = tpu.vector_load_idx %arg9[%add3A_35, %broadcast_in_dim3A_24] : memref<64x128xf32, #tpu.memory_space<vmem>>[vector<16xi32>, vector<16xi32>], vector<16xf32>,
    %gather3A_37 = tpu.vector_load_idx %arg8[%add3A_35, %broadcast_in_dim3A_26] : memref<64x256xf32, #tpu.memory_space<vmem>>[vector<16xi32>, vector<16xi32>], vector<16xf32>,
    %add3A_38 = arith.addf %gather3A_36, %gather3A_37 : vector<16xf32>
    tpu.vector_store_idx %arg7[%add3A_35, %broadcast_in_dim3A_26], %add3A_38 : memref<64x256xf32, #tpu.memory_space<vmem>>[vector<16xi32>, vector<16xi32>], vector<16xf32>,
    %iota3A_39 = tpu.iota {dimensions = array<i32: 0>} : vector<16xi32>
    %add3A_40 = arith.constant 32 : i32
    %add3A_41 = vector.broadcast %add3A_40 : i32 to vector<16xi32>
    %add3A_42 = arith.addi %iota3A_39, %add3A_41 : vector<16xi32>
    %gather3A_43 = tpu.vector_load_idx %arg9[%add3A_42, %broadcast_in_dim3A_24] : memref<64x128xf32, #tpu.memory_space<vmem>>[vector<16xi32>, vector<16xi32>], vector<16xf32>,
    %gather3A_44 = tpu.vector_load_idx %arg8[%add3A_42, %broadcast_in_dim3A_26] : memref<64x256xf32, #tpu.memory_space<vmem>>[vector<16xi32>, vector<16xi32>], vector<16xf32>,
    %add3A_45 = arith.addf %gather3A_43, %gather3A_44 : vector<16xf32>
    tpu.vector_store_idx %arg7[%add3A_42, %broadcast_in_dim3A_26], %add3A_45 : memref<64x256xf32, #tpu.memory_space<vmem>>[vector<16xi32>, vector<16xi32>], vector<16xf32>,
    %iota3A_46 = tpu.iota {dimensions = array<i32: 0>} : vector<16xi32>
    %add3A_47 = arith.constant 48 : i32
    %add3A_48 = vector.broadcast %add3A_47 : i32 to vector<16xi32>
    %add3A_49 = arith.addi %iota3A_46, %add3A_48 : vector<16xi32>
    %gather3A_50 = tpu.vector_load_idx %arg9[%add3A_49, %broadcast_in_dim3A_24] : memref<64x128xf32, #tpu.memory_space<vmem>>[vector<16xi32>, vector<16xi32>], vector<16xf32>,
    %gather3A_51 = tpu.vector_load_idx %arg8[%add3A_49, %broadcast_in_dim3A_26] : memref<64x256xf32, #tpu.memory_space<vmem>>[vector<16xi32>, vector<16xi32>], vector<16xf32>,
    %add3A_52 = arith.addf %gather3A_50, %gather3A_51 : vector<16xf32>
    tpu.vector_store_idx %arg7[%add3A_49, %broadcast_in_dim3A_26], %add3A_52 : memref<64x256xf32, #tpu.memory_space<vmem>>[vector<16xi32>, vector<16xi32>], vector<16xf32>,
    %slice3A_53 = vector.extract_strided_slice %scan3A_15 {offsets = [9], sizes = [1], strides = [1]} : vector<16xi32> to vector<1xi32>
    %squeeze3A_54 = vector.extract %slice3A_53[0] : i32 from vector<1xi32>
    %dma_wait3A_55 = arith.constant 0 : i32
    %dma_wait3A_56 = arith.constant 0 : i32
    %dma_wait3A_57 = tpu.memref_slice %arg3[%dma_wait3A_55, %dma_wait3A_56] : memref<64x1000000xf32, #tpu.memory_space<hbm>> -> memref<64x128xf32, #tpu.memory_space<hbm>>
    %dma_wait3A_58 = arith.constant 0 : i32
    %dma_wait3A_59 = arith.constant 0 : i32
    %dma_wait3A_60 = tpu.memref_slice %arg3[%dma_wait3A_58, %dma_wait3A_59] : memref<64x1000000xf32, #tpu.memory_space<hbm>> -> memref<64x128xf32, #tpu.memory_space<hbm>>
    tpu.wait_dma2 semaphore(%arg18 : memref<!tpu.dma_semaphore, #tpu.memory_space<semaphore_mem>>) src(%dma_wait3A_60 : memref<64x128xf32, #tpu.memory_space<hbm>>) dst(%arg10 : memref<64x128xf32, #tpu.memory_space<vmem>>)
    %and3A_61 = arith.constant 127 : i32
    %and3A_62 = arith.andi %squeeze3A_54, %and3A_61 : i32
    %broadcast_in_dim3A_63 = vector.broadcast %and3A_62 : i32 to vector<16xi32>
    %broadcast_in_dim3A_64 = arith.constant 249 : i32
    %broadcast_in_dim3A_65 = vector.broadcast %broadcast_in_dim3A_64 : i32 to vector<16xi32>
    %iota3A_66 = tpu.iota {dimensions = array<i32: 0>} : vector<16xi32>
    %add3A_67 = arith.constant 0 : i32
    %add3A_68 = vector.broadcast %add3A_67 : i32 to vector<16xi32>
    %add3A_69 = arith.addi %iota3A_66, %add3A_68 : vector<16xi32>
    %gather3A_70 = tpu.vector_load_idx %arg10[%add3A_69, %broadcast_in_dim3A_63] : memref<64x128xf32, #tpu.memory_space<vmem>>[vector<16xi32>, vector<16xi32>], vector<16xf32>,
    %gather3A_71 = tpu.vector_load_idx %arg8[%add3A_69, %broadcast_in_dim3A_65] : memref<64x256xf32, #tpu.memory_space<vmem>>[vector<16xi32>, vector<16xi32>], vector<16xf32>,
    %add3A_72 = arith.addf %gather3A_70, %gather3A_71 : vector<16xf32>
    tpu.vector_store_idx %arg7[%add3A_69, %broadcast_in_dim3A_65], %add3A_72 : memref<64x256xf32, #tpu.memory_space<vmem>>[vector<16xi32>, vector<16xi32>], vector<16xf32>,
    %iota3A_73 = tpu.iota {dimensions = array<i32: 0>} : vector<16xi32>
    %add3A_74 = arith.constant 16 : i32
    %add3A_75 = vector.broadcast %add3A_74 : i32 to vector<16xi32>
    %add3A_76 = arith.addi %iota3A_73, %add3A_75 : vector<16xi32>
    %gather3A_77 = tpu.vector_load_idx %arg10[%add3A_76, %broadcast_in_dim3A_63] : memref<64x128xf32, #tpu.memory_space<vmem>>[vector<16xi32>, vector<16xi32>], vector<16xf32>,
    %gather3A_78 = tpu.vector_load_idx %arg8[%add3A_76, %broadcast_in_dim3A_65] : memref<64x256xf32, #tpu.memory_space<vmem>>[vector<16xi32>, vector<16xi32>], vector<16xf32>,
    %add3A_79 = arith.addf %gather3A_77, %gather3A_78 : vector<16xf32>
    tpu.vector_store_idx %arg7[%add3A_76, %broadcast_in_dim3A_65], %add3A_79 : memref<64x256xf32, #tpu.memory_space<vmem>>[vector<16xi32>, vector<16xi32>], vector<16xf32>,
    %iota3A_80 = tpu.iota {dimensions = array<i32: 0>} : vector<16xi32>
    %add3A_81 = arith.constant 32 : i32
    %add3A_82 = vector.broadcast %add3A_81 : i32 to vector<16xi32>
    %add3A_83 = arith.addi %iota3A_80, %add3A_82 : vector<16xi32>
    %gather3A_84 = tpu.vector_load_idx %arg10[%add3A_83, %broadcast_in_dim3A_63] : memref<64x128xf32, #tpu.memory_space<vmem>>[vector<16xi32>, vector<16xi32>], vector<16xf32>,
    %gather3A_85 = tpu.vector_load_idx %arg8[%add3A_83, %broadcast_in_dim3A_65] : memref<64x256xf32, #tpu.memory_space<vmem>>[vector<16xi32>, vector<16xi32>], vector<16xf32>,
    %add3A_86 = arith.addf %gather3A_84, %gather3A_85 : vector<16xf32>
    tpu.vector_store_idx %arg7[%add3A_83, %broadcast_in_dim3A_65], %add3A_86 : memref<64x256xf32, #tpu.memory_space<vmem>>[vector<16xi32>, vector<16xi32>], vector<16xf32>,
    %iota3A_87 = tpu.iota {dimensions = array<i32: 0>} : vector<16xi32>
    %add3A_88 = arith.constant 48 : i32
    %add3A_89 = vector.broadcast %add3A_88 : i32 to vector<16xi32>
    %add3A_90 = arith.addi %iota3A_87, %add3A_89 : vector<16xi32>
    %gather3A_91 = tpu.vector_load_idx %arg10[%add3A_90, %broadcast_in_dim3A_63] : memref<64x128xf32, #tpu.memory_space<vmem>>[vector<16xi32>, vector<16xi32>], vector<16xf32>,
    %gather3A_92 = tpu.vector_load_idx %arg8[%add3A_90, %broadcast_in_dim3A_65] : memref<64x256xf32, #tpu.memory_space<vmem>>[vector<16xi32>, vector<16xi32>], vector<16xf32>,
    %add3A_93 = arith.addf %gather3A_91, %gather3A_92 : vector<16xf32>
    tpu.vector_store_idx %arg7[%add3A_90, %broadcast_in_dim3A_65], %add3A_93 : memref<64x256xf32, #tpu.memory_space<vmem>>[vector<16xi32>, vector<16xi32>], vector<16xf32>,
    %slice3A_94 = vector.extract_strided_slice %scan3A_15 {offsets = [10], sizes = [1], strides = [1]} : vector<16xi32> to vector<1xi32>
    %squeeze3A_95 = vector.extract %slice3A_94[0] : i32 from vector<1xi32>
    %dma_wait3A_96 = arith.constant 0 : i32
    %dma_wait3A_97 = arith.constant 0 : i32
    %dma_wait3A_98 = tpu.memref_slice %arg3[%dma_wait3A_96, %dma_wait3A_97] : memref<64x1000000xf32, #tpu.memory_space<hbm>> -> memref<64x128xf32, #tpu.memory_space<hbm>>
    %dma_wait3A_99 = arith.constant 0 : i32
    %dma_wait3A_100 = arith.constant 0 : i32
    %dma_wait3A_101 = tpu.memref_slice %arg3[%dma_wait3A_99, %dma_wait3A_100] : memref<64x1000000xf32, #tpu.memory_space<hbm>> -> memref<64x128xf32, #tpu.memory_space<hbm>>
    tpu.wait_dma2 semaphore(%arg19 : memref<!tpu.dma_semaphore, #tpu.memory_space<semaphore_mem>>) src(%dma_wait3A_101 : memref<64x128xf32, #tpu.memory_space<hbm>>) dst(%arg11 : memref<64x128xf32, #tpu.memory_space<vmem>>)
    %and3A_102 = arith.constant 127 : i32
    %and3A_103 = arith.andi %squeeze3A_95, %and3A_102 : i32
    %broadcast_in_dim3A_104 = vector.broadcast %and3A_103 : i32 to vector<16xi32>
    %broadcast_in_dim3A_105 = arith.constant 250 : i32
    %broadcast_in_dim3A_106 = vector.broadcast %broadcast_in_dim3A_105 : i32 to vector<16xi32>
    %iota3A_107 = tpu.iota {dimensions = array<i32: 0>} : vector<16xi32>
    %add3A_108 = arith.constant 0 : i32
    %add3A_109 = vector.broadcast %add3A_108 : i32 to vector<16xi32>
    %add3A_110 = arith.addi %iota3A_107, %add3A_109 : vector<16xi32>
    %gather3A_111 = tpu.vector_load_idx %arg11[%add3A_110, %broadcast_in_dim3A_104] : memref<64x128xf32, #tpu.memory_space<vmem>>[vector<16xi32>, vector<16xi32>], vector<16xf32>,
    %gather3A_112 = tpu.vector_load_idx %arg8[%add3A_110, %broadcast_in_dim3A_106] : memref<64x256xf32, #tpu.memory_space<vmem>>[vector<16xi32>, vector<16xi32>], vector<16xf32>,
    %add3A_113 = arith.addf %gather3A_111, %gather3A_112 : vector<16xf32>
    tpu.vector_store_idx %arg7[%add3A_110, %broadcast_in_dim3A_106], %add3A_113 : memref<64x256xf32, #tpu.memory_space<vmem>>[vector<16xi32>, vector<16xi32>], vector<16xf32>,
    %iota3A_114 = tpu.iota {dimensions = array<i32: 0>} : vector<16xi32>
    %add3A_115 = arith.constant 16 : i32
    %add3A_116 = vector.broadcast %add3A_115 : i32 to vector<16xi32>
    %add3A_117 = arith.addi %iota3A_114, %add3A_116 : vector<16xi32>
    %gather3A_118 = tpu.vector_load_idx %arg11[%add3A_117, %broadcast_in_dim3A_104] : memref<64x128xf32, #tpu.memory_space<vmem>>[vector<16xi32>, vector<16xi32>], vector<16xf32>,
    %gather3A_119 = tpu.vector_load_idx %arg8[%add3A_117, %broadcast_in_dim3A_106] : memref<64x256xf32, #tpu.memory_space<vmem>>[vector<16xi32>, vector<16xi32>], vector<16xf32>,
    %add3A_120 = arith.addf %gather3A_118, %gather3A_119 : vector<16xf32>
    tpu.vector_store_idx %arg7[%add3A_117, %broadcast_in_dim3A_106], %add3A_120 : memref<64x256xf32, #tpu.memory_space<vmem>>[vector<16xi32>, vector<16xi32>], vector<16xf32>,
    %iota3A_121 = tpu.iota {dimensions = array<i32: 0>} : vector<16xi32>
    %add3A_122 = arith.constant 32 : i32
    %add3A_123 = vector.broadcast %add3A_122 : i32 to vector<16xi32>
    %add3A_124 = arith.addi %iota3A_121, %add3A_123 : vector<16xi32>
    %gather3A_125 = tpu.vector_load_idx %arg11[%add3A_124, %broadcast_in_dim3A_104] : memref<64x128xf32, #tpu.memory_space<vmem>>[vector<16xi32>, vector<16xi32>], vector<16xf32>,
    %gather3A_126 = tpu.vector_load_idx %arg8[%add3A_124, %broadcast_in_dim3A_106] : memref<64x256xf32, #tpu.memory_space<vmem>>[vector<16xi32>, vector<16xi32>], vector<16xf32>,
    %add3A_127 = arith.addf %gather3A_125, %gather3A_126 : vector<16xf32>
    tpu.vector_store_idx %arg7[%add3A_124, %broadcast_in_dim3A_106], %add3A_127 : memref<64x256xf32, #tpu.memory_space<vmem>>[vector<16xi32>, vector<16xi32>], vector<16xf32>,
    %iota3A_128 = tpu.iota {dimensions = array<i32: 0>} : vector<16xi32>
    %add3A_129 = arith.constant 48 : i32
    %add3A_130 = vector.broadcast %add3A_129 : i32 to vector<16xi32>
    %add3A_131 = arith.addi %iota3A_128, %add3A_130 : vector<16xi32>
    %gather3A_132 = tpu.vector_load_idx %arg11[%add3A_131, %broadcast_in_dim3A_104] : memref<64x128xf32, #tpu.memory_space<vmem>>[vector<16xi32>, vector<16xi32>], vector<16xf32>,
    %gather3A_133 = tpu.vector_load_idx %arg8[%add3A_131, %broadcast_in_dim3A_106] : memref<64x256xf32, #tpu.memory_space<vmem>>[vector<16xi32>, vector<16xi32>], vector<16xf32>,
    %add3A_134 = arith.addf %gather3A_132, %gather3A_133 : vector<16xf32>
    tpu.vector_store_idx %arg7[%add3A_131, %broadcast_in_dim3A_106], %add3A_134 : memref<64x256xf32, #tpu.memory_space<vmem>>[vector<16xi32>, vector<16xi32>], vector<16xf32>,
    %slice3A_135 = vector.extract_strided_slice %scan3A_15 {offsets = [11], sizes = [1], strides = [1]} : vector<16xi32> to vector<1xi32>
    %squeeze3A_136 = vector.extract %slice3A_135[0] : i32 from vector<1xi32>
    %dma_wait3A_137 = arith.constant 0 : i32
    %dma_wait3A_138 = arith.constant 0 : i32
    %dma_wait3A_139 = tpu.memref_slice %arg3[%dma_wait3A_137, %dma_wait3A_138] : memref<64x1000000xf32, #tpu.memory_space<hbm>> -> memref<64x128xf32, #tpu.memory_space<hbm>>
    %dma_wait3A_140 = arith.constant 0 : i32
    %dma_wait3A_141 = arith.constant 0 : i32
    %dma_wait3A_142 = tpu.memref_slice %arg3[%dma_wait3A_140, %dma_wait3A_141] : memref<64x1000000xf32, #tpu.memory_space<hbm>> -> memref<64x128xf32, #tpu.memory_space<hbm>>
    tpu.wait_dma2 semaphore(%arg20 : memref<!tpu.dma_semaphore, #tpu.memory_space<semaphore_mem>>) src(%dma_wait3A_142 : memref<64x128xf32, #tpu.memory_space<hbm>>) dst(%arg12 : memref<64x128xf32, #tpu.memory_space<vmem>>)
    %and3A_143 = arith.constant 127 : i32
    %and3A_144 = arith.andi %squeeze3A_136, %and3A_143 : i32
    %broadcast_in_dim3A_145 = vector.broadcast %and3A_144 : i32 to vector<16xi32>
    %broadcast_in_dim3A_146 = arith.constant 251 : i32
    %broadcast_in_dim3A_147 = vector.broadcast %broadcast_in_dim3A_146 : i32 to vector<16xi32>
    %iota3A_148 = tpu.iota {dimensions = array<i32: 0>} : vector<16xi32>
    %add3A_149 = arith.constant 0 : i32
    %add3A_150 = vector.broadcast %add3A_149 : i32 to vector<16xi32>
    %add3A_151 = arith.addi %iota3A_148, %add3A_150 : vector<16xi32>
    %gather3A_152 = tpu.vector_load_idx %arg12[%add3A_151, %broadcast_in_dim3A_145] : memref<64x128xf32, #tpu.memory_space<vmem>>[vector<16xi32>, vector<16xi32>], vector<16xf32>,
    %gather3A_153 = tpu.vector_load_idx %arg8[%add3A_151, %broadcast_in_dim3A_147] : memref<64x256xf32, #tpu.memory_space<vmem>>[vector<16xi32>, vector<16xi32>], vector<16xf32>,
    %add3A_154 = arith.addf %gather3A_152, %gather3A_153 : vector<16xf32>
    tpu.vector_store_idx %arg7[%add3A_151, %broadcast_in_dim3A_147], %add3A_154 : memref<64x256xf32, #tpu.memory_space<vmem>>[vector<16xi32>, vector<16xi32>], vector<16xf32>,
    %iota3A_155 = tpu.iota {dimensions = array<i32: 0>} : vector<16xi32>
    %add3A_156 = arith.constant 16 : i32
    %add3A_157 = vector.broadcast %add3A_156 : i32 to vector<16xi32>
    %add3A_158 = arith.addi %iota3A_155, %add3A_157 : vector<16xi32>
    %gather3A_159 = tpu.vector_load_idx %arg12[%add3A_158, %broadcast_in_dim3A_145] : memref<64x128xf32, #tpu.memory_space<vmem>>[vector<16xi32>, vector<16xi32>], vector<16xf32>,
    %gather3A_160 = tpu.vector_load_idx %arg8[%add3A_158, %broadcast_in_dim3A_147] : memref<64x256xf32, #tpu.memory_space<vmem>>[vector<16xi32>, vector<16xi32>], vector<16xf32>,
    %add3A_161 = arith.addf %gather3A_159, %gather3A_160 : vector<16xf32>
    tpu.vector_store_idx %arg7[%add3A_158, %broadcast_in_dim3A_147], %add3A_161 : memref<64x256xf32, #tpu.memory_space<vmem>>[vector<16xi32>, vector<16xi32>], vector<16xf32>,
    %iota3A_162 = tpu.iota {dimensions = array<i32: 0>} : vector<16xi32>
    %add3A_163 = arith.constant 32 : i32
    %add3A_164 = vector.broadcast %add3A_163 : i32 to vector<16xi32>
    %add3A_165 = arith.addi %iota3A_162, %add3A_164 : vector<16xi32>
    %gather3A_166 = tpu.vector_load_idx %arg12[%add3A_165, %broadcast_in_dim3A_145] : memref<64x128xf32, #tpu.memory_space<vmem>>[vector<16xi32>, vector<16xi32>], vector<16xf32>,
    %gather3A_167 = tpu.vector_load_idx %arg8[%add3A_165, %broadcast_in_dim3A_147] : memref<64x256xf32, #tpu.memory_space<vmem>>[vector<16xi32>, vector<16xi32>], vector<16xf32>,
    %add3A_168 = arith.addf %gather3A_166, %gather3A_167 : vector<16xf32>
    tpu.vector_store_idx %arg7[%add3A_165, %broadcast_in_dim3A_147], %add3A_168 : memref<64x256xf32, #tpu.memory_space<vmem>>[vector<16xi32>, vector<16xi32>], vector<16xf32>,
    %iota3A_169 = tpu.iota {dimensions = array<i32: 0>} : vector<16xi32>
    %add3A_170 = arith.constant 48 : i32
    %add3A_171 = vector.broadcast %add3A_170 : i32 to vector<16xi32>
    %add3A_172 = arith.addi %iota3A_169, %add3A_171 : vector<16xi32>
    %gather3A_173 = tpu.vector_load_idx %arg12[%add3A_172, %broadcast_in_dim3A_145] : memref<64x128xf32, #tpu.memory_space<vmem>>[vector<16xi32>, vector<16xi32>], vector<16xf32>,
    %gather3A_174 = tpu.vector_load_idx %arg8[%add3A_172, %broadcast_in_dim3A_147] : memref<64x256xf32, #tpu.memory_space<vmem>>[vector<16xi32>, vector<16xi32>], vector<16xf32>,
    %add3A_175 = arith.addf %gather3A_173, %gather3A_174 : vector<16xf32>
    tpu.vector_store_idx %arg7[%add3A_172, %broadcast_in_dim3A_147], %add3A_175 : memref<64x256xf32, #tpu.memory_space<vmem>>[vector<16xi32>, vector<16xi32>], vector<16xf32>,
    %slice3A_176 = vector.extract_strided_slice %scan3A_15 {offsets = [12], sizes = [1], strides = [1]} : vector<16xi32> to vector<1xi32>
    %squeeze3A_177 = vector.extract %slice3A_176[0] : i32 from vector<1xi32>
    %dma_wait3A_178 = arith.constant 0 : i32
    %dma_wait3A_179 = arith.constant 0 : i32
    %dma_wait3A_180 = tpu.memref_slice %arg3[%dma_wait3A_178, %dma_wait3A_179] : memref<64x1000000xf32, #tpu.memory_space<hbm>> -> memref<64x128xf32, #tpu.memory_space<hbm>>
    %dma_wait3A_181 = arith.constant 0 : i32
    %dma_wait3A_182 = arith.constant 0 : i32
    %dma_wait3A_183 = tpu.memref_slice %arg3[%dma_wait3A_181, %dma_wait3A_182] : memref<64x1000000xf32, #tpu.memory_space<hbm>> -> memref<64x128xf32, #tpu.memory_space<hbm>>
    tpu.wait_dma2 semaphore(%arg21 : memref<!tpu.dma_semaphore, #tpu.memory_space<semaphore_mem>>) src(%dma_wait3A_183 : memref<64x128xf32, #tpu.memory_space<hbm>>) dst(%arg13 : memref<64x128xf32, #tpu.memory_space<vmem>>)
    %and3A_184 = arith.constant 127 : i32
    %and3A_185 = arith.andi %squeeze3A_177, %and3A_184 : i32
    %broadcast_in_dim3A_186 = vector.broadcast %and3A_185 : i32 to vector<16xi32>
    %broadcast_in_dim3A_187 = arith.constant 252 : i32
    %broadcast_in_dim3A_188 = vector.broadcast %broadcast_in_dim3A_187 : i32 to vector<16xi32>
    %iota3A_189 = tpu.iota {dimensions = array<i32: 0>} : vector<16xi32>
    %add3A_190 = arith.constant 0 : i32
    %add3A_191 = vector.broadcast %add3A_190 : i32 to vector<16xi32>
    %add3A_192 = arith.addi %iota3A_189, %add3A_191 : vector<16xi32>
    %gather3A_193 = tpu.vector_load_idx %arg13[%add3A_192, %broadcast_in_dim3A_186] : memref<64x128xf32, #tpu.memory_space<vmem>>[vector<16xi32>, vector<16xi32>], vector<16xf32>,
    %gather3A_194 = tpu.vector_load_idx %arg8[%add3A_192, %broadcast_in_dim3A_188] : memref<64x256xf32, #tpu.memory_space<vmem>>[vector<16xi32>, vector<16xi32>], vector<16xf32>,
    %add3A_195 = arith.addf %gather3A_193, %gather3A_194 : vector<16xf32>
    tpu.vector_store_idx %arg7[%add3A_192, %broadcast_in_dim3A_188], %add3A_195 : memref<64x256xf32, #tpu.memory_space<vmem>>[vector<16xi32>, vector<16xi32>], vector<16xf32>,
    %iota3A_196 = tpu.iota {dimensions = array<i32: 0>} : vector<16xi32>
    %add3A_197 = arith.constant 16 : i32
    %add3A_198 = vector.broadcast %add3A_197 : i32 to vector<16xi32>
    %add3A_199 = arith.addi %iota3A_196, %add3A_198 : vector<16xi32>
    %gather3A_200 = tpu.vector_load_idx %arg13[%add3A_199, %broadcast_in_dim3A_186] : memref<64x128xf32, #tpu.memory_space<vmem>>[vector<16xi32>, vector<16xi32>], vector<16xf32>,
    %gather3A_201 = tpu.vector_load_idx %arg8[%add3A_199, %broadcast_in_dim3A_188] : memref<64x256xf32, #tpu.memory_space<vmem>>[vector<16xi32>, vector<16xi32>], vector<16xf32>,
    %add3A_202 = arith.addf %gather3A_200, %gather3A_201 : vector<16xf32>
    tpu.vector_store_idx %arg7[%add3A_199, %broadcast_in_dim3A_188], %add3A_202 : memref<64x256xf32, #tpu.memory_space<vmem>>[vector<16xi32>, vector<16xi32>], vector<16xf32>,
    %iota3A_203 = tpu.iota {dimensions = array<i32: 0>} : vector<16xi32>
    %add3A_204 = arith.constant 32 : i32
    %add3A_205 = vector.broadcast %add3A_204 : i32 to vector<16xi32>
    %add3A_206 = arith.addi %iota3A_203, %add3A_205 : vector<16xi32>
    %gather3A_207 = tpu.vector_load_idx %arg13[%add3A_206, %broadcast_in_dim3A_186] : memref<64x128xf32, #tpu.memory_space<vmem>>[vector<16xi32>, vector<16xi32>], vector<16xf32>,
    %gather3A_208 = tpu.vector_load_idx %arg8[%add3A_206, %broadcast_in_dim3A_188] : memref<64x256xf32, #tpu.memory_space<vmem>>[vector<16xi32>, vector<16xi32>], vector<16xf32>,
    %add3A_209 = arith.addf %gather3A_207, %gather3A_208 : vector<16xf32>
    tpu.vector_store_idx %arg7[%add3A_206, %broadcast_in_dim3A_188], %add3A_209 : memref<64x256xf32, #tpu.memory_space<vmem>>[vector<16xi32>, vector<16xi32>], vector<16xf32>,
    %iota3A_210 = tpu.iota {dimensions = array<i32: 0>} : vector<16xi32>
    %add3A_211 = arith.constant 48 : i32
    %add3A_212 = vector.broadcast %add3A_211 : i32 to vector<16xi32>
    %add3A_213 = arith.addi %iota3A_210, %add3A_212 : vector<16xi32>
    %gather3A_214 = tpu.vector_load_idx %arg13[%add3A_213, %broadcast_in_dim3A_186] : memref<64x128xf32, #tpu.memory_space<vmem>>[vector<16xi32>, vector<16xi32>], vector<16xf32>,
    %gather3A_215 = tpu.vector_load_idx %arg8[%add3A_213, %broadcast_in_dim3A_188] : memref<64x256xf32, #tpu.memory_space<vmem>>[vector<16xi32>, vector<16xi32>], vector<16xf32>,
    %add3A_216 = arith.addf %gather3A_214, %gather3A_215 : vector<16xf32>
    tpu.vector_store_idx %arg7[%add3A_213, %broadcast_in_dim3A_188], %add3A_216 : memref<64x256xf32, #tpu.memory_space<vmem>>[vector<16xi32>, vector<16xi32>], vector<16xf32>,
    %slice3A_217 = vector.extract_strided_slice %scan3A_15 {offsets = [13], sizes = [1], strides = [1]} : vector<16xi32> to vector<1xi32>
    %squeeze3A_218 = vector.extract %slice3A_217[0] : i32 from vector<1xi32>
    %dma_wait3A_219 = arith.constant 0 : i32
    %dma_wait3A_220 = arith.constant 0 : i32
    %dma_wait3A_221 = tpu.memref_slice %arg3[%dma_wait3A_219, %dma_wait3A_220] : memref<64x1000000xf32, #tpu.memory_space<hbm>> -> memref<64x128xf32, #tpu.memory_space<hbm>>
    %dma_wait3A_222 = arith.constant 0 : i32
    %dma_wait3A_223 = arith.constant 0 : i32
    %dma_wait3A_224 = tpu.memref_slice %arg3[%dma_wait3A_222, %dma_wait3A_223] : memref<64x1000000xf32, #tpu.memory_space<hbm>> -> memref<64x128xf32, #tpu.memory_space<hbm>>
    tpu.wait_dma2 semaphore(%arg22 : memref<!tpu.dma_semaphore, #tpu.memory_space<semaphore_mem>>) src(%dma_wait3A_224 : memref<64x128xf32, #tpu.memory_space<hbm>>) dst(%arg14 : memref<64x128xf32, #tpu.memory_space<vmem>>)
    %and3A_225 = arith.constant 127 : i32
    %and3A_226 = arith.andi %squeeze3A_218, %and3A_225 : i32
    %broadcast_in_dim3A_227 = vector.broadcast %and3A_226 : i32 to vector<16xi32>
    %broadcast_in_dim3A_228 = arith.constant 253 : i32
    %broadcast_in_dim3A_229 = vector.broadcast %broadcast_in_dim3A_228 : i32 to vector<16xi32>
    %iota3A_230 = tpu.iota {dimensions = array<i32: 0>} : vector<16xi32>
    %add3A_231 = arith.constant 0 : i32
    %add3A_232 = vector.broadcast %add3A_231 : i32 to vector<16xi32>
    %add3A_233 = arith.addi %iota3A_230, %add3A_232 : vector<16xi32>
    %gather3A_234 = tpu.vector_load_idx %arg14[%add3A_233, %broadcast_in_dim3A_227] : memref<64x128xf32, #tpu.memory_space<vmem>>[vector<16xi32>, vector<16xi32>], vector<16xf32>,
    %gather3A_235 = tpu.vector_load_idx %arg8[%add3A_233, %broadcast_in_dim3A_229] : memref<64x256xf32, #tpu.memory_space<vmem>>[vector<16xi32>, vector<16xi32>], vector<16xf32>,
    %add3A_236 = arith.addf %gather3A_234, %gather3A_235 : vector<16xf32>
    tpu.vector_store_idx %arg7[%add3A_233, %broadcast_in_dim3A_229], %add3A_236 : memref<64x256xf32, #tpu.memory_space<vmem>>[vector<16xi32>, vector<16xi32>], vector<16xf32>,
    %iota3A_237 = tpu.iota {dimensions = array<i32: 0>} : vector<16xi32>
    %add3A_238 = arith.constant 16 : i32
    %add3A_239 = vector.broadcast %add3A_238 : i32 to vector<16xi32>
    %add3A_240 = arith.addi %iota3A_237, %add3A_239 : vector<16xi32>
    %gather3A_241 = tpu.vector_load_idx %arg14[%add3A_240, %broadcast_in_dim3A_227] : memref<64x128xf32, #tpu.memory_space<vmem>>[vector<16xi32>, vector<16xi32>], vector<16xf32>,
    %gather3A_242 = tpu.vector_load_idx %arg8[%add3A_240, %broadcast_in_dim3A_229] : memref<64x256xf32, #tpu.memory_space<vmem>>[vector<16xi32>, vector<16xi32>], vector<16xf32>,
    %add3A_243 = arith.addf %gather3A_241, %gather3A_242 : vector<16xf32>
    tpu.vector_store_idx %arg7[%add3A_240, %broadcast_in_dim3A_229], %add3A_243 : memref<64x256xf32, #tpu.memory_space<vmem>>[vector<16xi32>, vector<16xi32>], vector<16xf32>,
    %iota3A_244 = tpu.iota {dimensions = array<i32: 0>} : vector<16xi32>
    %add3A_245 = arith.constant 32 : i32
    %add3A_246 = vector.broadcast %add3A_245 : i32 to vector<16xi32>
    %add3A_247 = arith.addi %iota3A_244, %add3A_246 : vector<16xi32>
    %gather3A_248 = tpu.vector_load_idx %arg14[%add3A_247, %broadcast_in_dim3A_227] : memref<64x128xf32, #tpu.memory_space<vmem>>[vector<16xi32>, vector<16xi32>], vector<16xf32>,
    %gather3A_249 = tpu.vector_load_idx %arg8[%add3A_247, %broadcast_in_dim3A_229] : memref<64x256xf32, #tpu.memory_space<vmem>>[vector<16xi32>, vector<16xi32>], vector<16xf32>,
    %add3A_250 = arith.addf %gather3A_248, %gather3A_249 : vector<16xf32>
    tpu.vector_store_idx %arg7[%add3A_247, %broadcast_in_dim3A_229], %add3A_250 : memref<64x256xf32, #tpu.memory_space<vmem>>[vector<16xi32>, vector<16xi32>], vector<16xf32>,
    %iota3A_251 = tpu.iota {dimensions = array<i32: 0>} : vector<16xi32>
    %add3A_252 = arith.constant 48 : i32
    %add3A_253 = vector.broadcast %add3A_252 : i32 to vector<16xi32>
    %add3A_254 = arith.addi %iota3A_251, %add3A_253 : vector<16xi32>
    %gather3A_255 = tpu.vector_load_idx %arg14[%add3A_254, %broadcast_in_dim3A_227] : memref<64x128xf32, #tpu.memory_space<vmem>>[vector<16xi32>, vector<16xi32>], vector<16xf32>,
    %gather3A_256 = tpu.vector_load_idx %arg8[%add3A_254, %broadcast_in_dim3A_229] : memref<64x256xf32, #tpu.memory_space<vmem>>[vector<16xi32>, vector<16xi32>], vector<16xf32>,
    %add3A_257 = arith.addf %gather3A_255, %gather3A_256 : vector<16xf32>
    tpu.vector_store_idx %arg7[%add3A_254, %broadcast_in_dim3A_229], %add3A_257 : memref<64x256xf32, #tpu.memory_space<vmem>>[vector<16xi32>, vector<16xi32>], vector<16xf32>,
    %slice3A_258 = vector.extract_strided_slice %scan3A_15 {offsets = [14], sizes = [1], strides = [1]} : vector<16xi32> to vector<1xi32>
    %squeeze3A_259 = vector.extract %slice3A_258[0] : i32 from vector<1xi32>
    %dma_wait3A_260 = arith.constant 0 : i32
    %dma_wait3A_261 = arith.constant 0 : i32
    %dma_wait3A_262 = tpu.memref_slice %arg3[%dma_wait3A_260, %dma_wait3A_261] : memref<64x1000000xf32, #tpu.memory_space<hbm>> -> memref<64x128xf32, #tpu.memory_space<hbm>>
    %dma_wait3A_263 = arith.constant 0 : i32
    %dma_wait3A_264 = arith.constant 0 : i32
    %dma_wait3A_265 = tpu.memref_slice %arg3[%dma_wait3A_263, %dma_wait3A_264] : memref<64x1000000xf32, #tpu.memory_space<hbm>> -> memref<64x128xf32, #tpu.memory_space<hbm>>
    tpu.wait_dma2 semaphore(%arg23 : memref<!tpu.dma_semaphore, #tpu.memory_space<semaphore_mem>>) src(%dma_wait3A_265 : memref<64x128xf32, #tpu.memory_space<hbm>>) dst(%arg15 : memref<64x128xf32, #tpu.memory_space<vmem>>)
    %and3A_266 = arith.constant 127 : i32
    %and3A_267 = arith.andi %squeeze3A_259, %and3A_266 : i32
    %broadcast_in_dim3A_268 = vector.broadcast %and3A_267 : i32 to vector<16xi32>
    %broadcast_in_dim3A_269 = arith.constant 254 : i32
    %broadcast_in_dim3A_270 = vector.broadcast %broadcast_in_dim3A_269 : i32 to vector<16xi32>
    %iota3A_271 = tpu.iota {dimensions = array<i32: 0>} : vector<16xi32>
    %add3A_272 = arith.constant 0 : i32
    %add3A_273 = vector.broadcast %add3A_272 : i32 to vector<16xi32>
    %add3A_274 = arith.addi %iota3A_271, %add3A_273 : vector<16xi32>
    %gather3A_275 = tpu.vector_load_idx %arg15[%add3A_274, %broadcast_in_dim3A_268] : memref<64x128xf32, #tpu.memory_space<vmem>>[vector<16xi32>, vector<16xi32>], vector<16xf32>,
    %gather3A_276 = tpu.vector_load_idx %arg8[%add3A_274, %broadcast_in_dim3A_270] : memref<64x256xf32, #tpu.memory_space<vmem>>[vector<16xi32>, vector<16xi32>], vector<16xf32>,
    %add3A_277 = arith.addf %gather3A_275, %gather3A_276 : vector<16xf32>
    tpu.vector_store_idx %arg7[%add3A_274, %broadcast_in_dim3A_270], %add3A_277 : memref<64x256xf32, #tpu.memory_space<vmem>>[vector<16xi32>, vector<16xi32>], vector<16xf32>,
    %iota3A_278 = tpu.iota {dimensions = array<i32: 0>} : vector<16xi32>
    %add3A_279 = arith.constant 16 : i32
    %add3A_280 = vector.broadcast %add3A_279 : i32 to vector<16xi32>
    %add3A_281 = arith.addi %iota3A_278, %add3A_280 : vector<16xi32>
    %gather3A_282 = tpu.vector_load_idx %arg15[%add3A_281, %broadcast_in_dim3A_268] : memref<64x128xf32, #tpu.memory_space<vmem>>[vector<16xi32>, vector<16xi32>], vector<16xf32>,
    %gather3A_283 = tpu.vector_load_idx %arg8[%add3A_281, %broadcast_in_dim3A_270] : memref<64x256xf32, #tpu.memory_space<vmem>>[vector<16xi32>, vector<16xi32>], vector<16xf32>,
    %add3A_284 = arith.addf %gather3A_282, %gather3A_283 : vector<16xf32>
    tpu.vector_store_idx %arg7[%add3A_281, %broadcast_in_dim3A_270], %add3A_284 : memref<64x256xf32, #tpu.memory_space<vmem>>[vector<16xi32>, vector<16xi32>], vector<16xf32>,
    %iota3A_285 = tpu.iota {dimensions = array<i32: 0>} : vector<16xi32>
    %add3A_286 = arith.constant 32 : i32
    %add3A_287 = vector.broadcast %add3A_286 : i32 to vector<16xi32>
    %add3A_288 = arith.addi %iota3A_285, %add3A_287 : vector<16xi32>
    %gather3A_289 = tpu.vector_load_idx %arg15[%add3A_288, %broadcast_in_dim3A_268] : memref<64x128xf32, #tpu.memory_space<vmem>>[vector<16xi32>, vector<16xi32>], vector<16xf32>,
    %gather3A_290 = tpu.vector_load_idx %arg8[%add3A_288, %broadcast_in_dim3A_270] : memref<64x256xf32, #tpu.memory_space<vmem>>[vector<16xi32>, vector<16xi32>], vector<16xf32>,
    %add3A_291 = arith.addf %gather3A_289, %gather3A_290 : vector<16xf32>
    tpu.vector_store_idx %arg7[%add3A_288, %broadcast_in_dim3A_270], %add3A_291 : memref<64x256xf32, #tpu.memory_space<vmem>>[vector<16xi32>, vector<16xi32>], vector<16xf32>,
    %iota3A_292 = tpu.iota {dimensions = array<i32: 0>} : vector<16xi32>
    %add3A_293 = arith.constant 48 : i32
    %add3A_294 = vector.broadcast %add3A_293 : i32 to vector<16xi32>
    %add3A_295 = arith.addi %iota3A_292, %add3A_294 : vector<16xi32>
    %gather3A_296 = tpu.vector_load_idx %arg15[%add3A_295, %broadcast_in_dim3A_268] : memref<64x128xf32, #tpu.memory_space<vmem>>[vector<16xi32>, vector<16xi32>], vector<16xf32>,
    %gather3A_297 = tpu.vector_load_idx %arg8[%add3A_295, %broadcast_in_dim3A_270] : memref<64x256xf32, #tpu.memory_space<vmem>>[vector<16xi32>, vector<16xi32>], vector<16xf32>,
    %add3A_298 = arith.addf %gather3A_296, %gather3A_297 : vector<16xf32>
    tpu.vector_store_idx %arg7[%add3A_295, %broadcast_in_dim3A_270], %add3A_298 : memref<64x256xf32, #tpu.memory_space<vmem>>[vector<16xi32>, vector<16xi32>], vector<16xf32>,
    %slice3A_299 = vector.extract_strided_slice %scan3A_15 {offsets = [15], sizes = [1], strides = [1]} : vector<16xi32> to vector<1xi32>
    %squeeze3A_300 = vector.extract %slice3A_299[0] : i32 from vector<1xi32>
    %dma_wait3A_301 = arith.constant 0 : i32
    %dma_wait3A_302 = arith.constant 0 : i32
    %dma_wait3A_303 = tpu.memref_slice %arg3[%dma_wait3A_301, %dma_wait3A_302] : memref<64x1000000xf32, #tpu.memory_space<hbm>> -> memref<64x128xf32, #tpu.memory_space<hbm>>
    %dma_wait3A_304 = arith.constant 0 : i32
    %dma_wait3A_305 = arith.constant 0 : i32
    %dma_wait3A_306 = tpu.memref_slice %arg3[%dma_wait3A_304, %dma_wait3A_305] : memref<64x1000000xf32, #tpu.memory_space<hbm>> -> memref<64x128xf32, #tpu.memory_space<hbm>>
    tpu.wait_dma2 semaphore(%arg24 : memref<!tpu.dma_semaphore, #tpu.memory_space<semaphore_mem>>) src(%dma_wait3A_306 : memref<64x128xf32, #tpu.memory_space<hbm>>) dst(%arg16 : memref<64x128xf32, #tpu.memory_space<vmem>>)
    %and3A_307 = arith.constant 127 : i32
    %and3A_308 = arith.andi %squeeze3A_300, %and3A_307 : i32
    %broadcast_in_dim3A_309 = vector.broadcast %and3A_308 : i32 to vector<16xi32>
    %broadcast_in_dim3A_310 = arith.constant 255 : i32
    %broadcast_in_dim3A_311 = vector.broadcast %broadcast_in_dim3A_310 : i32 to vector<16xi32>
    %iota3A_312 = tpu.iota {dimensions = array<i32: 0>} : vector<16xi32>
    %add3A_313 = arith.constant 0 : i32
    %add3A_314 = vector.broadcast %add3A_313 : i32 to vector<16xi32>
    %add3A_315 = arith.addi %iota3A_312, %add3A_314 : vector<16xi32>
    %gather3A_316 = tpu.vector_load_idx %arg16[%add3A_315, %broadcast_in_dim3A_309] : memref<64x128xf32, #tpu.memory_space<vmem>>[vector<16xi32>, vector<16xi32>], vector<16xf32>,
    %gather3A_317 = tpu.vector_load_idx %arg8[%add3A_315, %broadcast_in_dim3A_311] : memref<64x256xf32, #tpu.memory_space<vmem>>[vector<16xi32>, vector<16xi32>], vector<16xf32>,
    %add3A_318 = arith.addf %gather3A_316, %gather3A_317 : vector<16xf32>
    tpu.vector_store_idx %arg7[%add3A_315, %broadcast_in_dim3A_311], %add3A_318 : memref<64x256xf32, #tpu.memory_space<vmem>>[vector<16xi32>, vector<16xi32>], vector<16xf32>,
    %iota3A_319 = tpu.iota {dimensions = array<i32: 0>} : vector<16xi32>
    %add3A_320 = arith.constant 16 : i32
    %add3A_321 = vector.broadcast %add3A_320 : i32 to vector<16xi32>
    %add3A_322 = arith.addi %iota3A_319, %add3A_321 : vector<16xi32>
    %gather3A_323 = tpu.vector_load_idx %arg16[%add3A_322, %broadcast_in_dim3A_309] : memref<64x128xf32, #tpu.memory_space<vmem>>[vector<16xi32>, vector<16xi32>], vector<16xf32>,
    %gather3A_324 = tpu.vector_load_idx %arg8[%add3A_322, %broadcast_in_dim3A_311] : memref<64x256xf32, #tpu.memory_space<vmem>>[vector<16xi32>, vector<16xi32>], vector<16xf32>,
    %add3A_325 = arith.addf %gather3A_323, %gather3A_324 : vector<16xf32>
    tpu.vector_store_idx %arg7[%add3A_322, %broadcast_in_dim3A_311], %add3A_325 : memref<64x256xf32, #tpu.memory_space<vmem>>[vector<16xi32>, vector<16xi32>], vector<16xf32>,
    %iota3A_326 = tpu.iota {dimensions = array<i32: 0>} : vector<16xi32>
    %add3A_327 = arith.constant 32 : i32
    %add3A_328 = vector.broadcast %add3A_327 : i32 to vector<16xi32>
    %add3A_329 = arith.addi %iota3A_326, %add3A_328 : vector<16xi32>
    %gather3A_330 = tpu.vector_load_idx %arg16[%add3A_329, %broadcast_in_dim3A_309] : memref<64x128xf32, #tpu.memory_space<vmem>>[vector<16xi32>, vector<16xi32>], vector<16xf32>,
    %gather3A_331 = tpu.vector_load_idx %arg8[%add3A_329, %broadcast_in_dim3A_311] : memref<64x256xf32, #tpu.memory_space<vmem>>[vector<16xi32>, vector<16xi32>], vector<16xf32>,
    %add3A_332 = arith.addf %gather3A_330, %gather3A_331 : vector<16xf32>
    tpu.vector_store_idx %arg7[%add3A_329, %broadcast_in_dim3A_311], %add3A_332 : memref<64x256xf32, #tpu.memory_space<vmem>>[vector<16xi32>, vector<16xi32>], vector<16xf32>,
    %iota3A_333 = tpu.iota {dimensions = array<i32: 0>} : vector<16xi32>
    %add3A_334 = arith.constant 48 : i32
    %add3A_335 = vector.broadcast %add3A_334 : i32 to vector<16xi32>
    %add3A_336 = arith.addi %iota3A_333, %add3A_335 : vector<16xi32>
    %gather3A_337 = tpu.vector_load_idx %arg16[%add3A_336, %broadcast_in_dim3A_309] : memref<64x128xf32, #tpu.memory_space<vmem>>[vector<16xi32>, vector<16xi32>], vector<16xf32>,
    %gather3A_338 = tpu.vector_load_idx %arg8[%add3A_336, %broadcast_in_dim3A_311] : memref<64x256xf32, #tpu.memory_space<vmem>>[vector<16xi32>, vector<16xi32>], vector<16xf32>,
    %add3A_339 = arith.addf %gather3A_337, %gather3A_338 : vector<16xf32>
    tpu.vector_store_idx %arg7[%add3A_336, %broadcast_in_dim3A_311], %add3A_339 : memref<64x256xf32, #tpu.memory_space<vmem>>[vector<16xi32>, vector<16xi32>], vector<16xf32>,
    "tpu.region"() ({
      %run_scoped3A = tpu.sem_alloc : memref<!tpu.dma_semaphore, #tpu.memory_space<semaphore_mem>>
      %dma_start3A_340 = arith.constant 0 : i32
      %dma_start3A_341 = tpu.memref_slice %arg5[%div3A_1, %dma_start3A_340, %multiple_of3A] : memref<4x64x2048xf32, #tpu.memory_space<hbm>> -> memref<1x64x256xf32, #tpu.memory_space<hbm>>
      %dma_start3A_342 = tpu.memref_squeeze %dma_start3A_341 : memref<1x64x256xf32, #tpu.memory_space<hbm>> -> memref<64x256xf32, #tpu.memory_space<hbm>>
      %dma_start3A_343 = arith.constant 0 : i32
      %dma_start3A_344 = tpu.memref_slice %arg5[%div3A_1, %dma_start3A_343, %multiple_of3A] : memref<4x64x2048xf32, #tpu.memory_space<hbm>> -> memref<1x64x256xf32, #tpu.memory_space<hbm>>
      %dma_start3A_345 = tpu.memref_squeeze %dma_start3A_344 : memref<1x64x256xf32, #tpu.memory_space<hbm>> -> memref<64x256xf32, #tpu.memory_space<hbm>>
      tpu.enqueue_dma source(%arg7 : memref<64x256xf32, #tpu.memory_space<vmem>>) target(%dma_start3A_345 : memref<64x256xf32, #tpu.memory_space<hbm>>) target_semaphore(%run_scoped3A : memref<!tpu.dma_semaphore, #tpu.memory_space<semaphore_mem>>)
      %dma_wait3A_346 = arith.constant 0 : i32
      %dma_wait3A_347 = tpu.memref_slice %arg5[%div3A_1, %dma_wait3A_346, %multiple_of3A] : memref<4x64x2048xf32, #tpu.memory_space<hbm>> -> memref<1x64x256xf32, #tpu.memory_space<hbm>>
      %dma_wait3A_348 = tpu.memref_squeeze %dma_wait3A_347 : memref<1x64x256xf32, #tpu.memory_space<hbm>> -> memref<64x256xf32, #tpu.memory_space<hbm>>
      %dma_wait3A_349 = arith.constant 0 : i32
      %dma_wait3A_350 = tpu.memref_slice %arg5[%div3A_1, %dma_wait3A_349, %multiple_of3A] : memref<4x64x2048xf32, #tpu.memory_space<hbm>> -> memref<1x64x256xf32, #tpu.memory_space<hbm>>
      %dma_wait3A_351 = tpu.memref_squeeze %dma_wait3A_350 : memref<1x64x256xf32, #tpu.memory_space<hbm>> -> memref<64x256xf32, #tpu.memory_space<hbm>>
      tpu.wait_dma2 semaphore(%run_scoped3A : memref<!tpu.dma_semaphore, #tpu.memory_space<semaphore_mem>>) src(%arg7 : memref<64x256xf32, #tpu.memory_space<vmem>>) dst(%dma_wait3A_351 : memref<64x256xf32, #tpu.memory_space<hbm>>)
      tpu.yield
    }) : () -> ()
    return
  }
}

</mosaic_0001>

<sc_bundles>
// kernel: _emb.3.cloned.1.call-start
scs
__scs_entry_jumppad:
0x0: {  	(pc) =	sbr.rel $0x88, $3  }
0x1: {  	(tag) =	ssettag $0x0;
	lr =	simm.s32 $0x1  }
0x2: {  	[smem:$0x3F9E] =	sst lr;
	_ =	strace $0xD0000000  }
0x3: {  	_ = 	snop  }
0x4: {  	_ = 	snop  }
0x5: {  	_ = 	snop  }
0x6: {  	_ = 	snop  }
0x7: {  	_ = 	snop  }
__scs_overlays_trampoline_lowered:
0x8: {  	[smem:$0x3FAD] =	sst s0  }
0x9: {  	[smem:$0x3FAE] =	sst s1  }
0xa: {  	[smem:$0x3FAF] =	sst s2  }
0xb: {  	[smem:$0x3FB0] =	sst s3  }
0xc: {  	[smem:$0x3FB1] =	sst s4  }
0xd: {  	[smem:$0x3FB2] =	sst s5  }
0xe: {  	[smem:$0x3FB3] =	sst s6  }
0xf: {  	[smem:$0x3FB4] =	sst s7  }
0x10: {  	[smem:$0x3FB5] =	sst s8  }
0x11: {  	[smem:$0x3FB6] =	sst s9;
	s0 =	simm.s32 @!p0 $0x0  }
0x12: {  	s1 =	sld [smem:$0x3F9C];
	s0 =	simm.s32 @p0 $0x1  }
0x13: {  	[smem:$0x3FB7] =	sst s0;
	s0 =	simm.s32 @!p1 $0x0  }
0x14: {  	s2 =	sld [smem:$0x3F9B];
	s0 =	simm.s32 @p1 $0x1  }
0x15: {  	[smem:$0x3FB8] =	sst s0;
	s0 =	simm.s32 @!p2 $0x0  }
0x16: {  	s3 =	sld [smem:$0x3FDB];
	s0 =	simm.s32 @p2 $0x1  }
0x17: {  	s4 =	simm.s32 $0x1BF5;
	[smem:$0x3FBA] =	sst s0  }
0x18: {  	s0 =	sld [smem:$0x3F9D];
	_ =	swait.ge [sflag:s4], $0x0  }
0x19: {  	s7 =	sld [smem:$0x3F9E]  }
0x1a: {  	s8 =	sadd.s32 $0xFFFFE003, lr  }
0x1b: {  	s9 =	sadd.s32 $0xFFFFFEF7, lr;
	s5 =	simm.s32 $0xFFFFFFFF;
	p2 =	slt.u32 s8, $0xFFFFF086  }
0x1c: {  	p1 =	slt.u32 s9, $0xF7A;
	s5 =	simm.s32 @!p2 $0x0  }
0x1d: {  	s5 =	simm.s32 @p1 $0x1;
	p0 =	seq.s32 s7, s2  }
0x1e: {  	s7 =	smul.u32 @!p0 $0xF7A, s2;
	p2 =	seq.s32 @!p0 s5, $0x0  }
0x1f: {  	s9 =	smul.u32 $0xF7A, s1;
	s8 =	simm.s32 @!p0 $0x1BF5;
	p2 =	por !p2, p0  }
0x20: {  	[sflag:s8] =	ssyncset.s32 @!p0 $0xFFFFF086;
	s6 =	sadd.s32 @!p0 s3, s7;
	s7 =	simm.s32 @!p0 $0x108  }
0x21: {  	s3 =	sadd.s32 s3, s9;
	s6 =	sadd.s32 @!p0 $0x88, s6;
	s7 =	simm.s32 @p2 $0x1082  }
0x22: {  	[simem:s7], [sflag:s8] =	dma.local @!p0 [hbm:s6], $0xF7A  }
0x23: {  	s9 =	sor.u32 $0xD0000000, s2;
	s6 =	simm.s32 $0x108;
	_ =	swait.ge @!p0 [sflag:s8], $0x0  }
0x24: {  	s3 =	sadd.s32 $0x88, s3;
	s6 =	simm.s32 @!p1 $0x1082;
	[sflag:s4] =	ssyncset.s32 $0xFFFFF086  }
0x25: {  	[simem:s6], [sflag:s4] =	dma.local [hbm:s3], $0xF7A  }
0x26: {  	[smem:$0x3F9E] =	sst s1;
	(tag) =	ssettag s2;
	_ =	strace s9  }
0x27: {  	s1 =	sld [smem:$0x3FAE]  }
0x28: {  	s2 =	sld [smem:$0x3FAF]  }
0x29: {  	s4 =	sld [smem:$0x3FB1]  }
0x2a: {  	p0 =	seq.s32 s5, $0x0;
	s5 =	sld [smem:$0x3FB2]  }
0x2b: {  	s6 =	sld [smem:$0x3FB3]  }
0x2c: {  	s7 =	sld [smem:$0x3FB4]  }
0x2d: {  	s3 =	simm.s32 $0x108;
	s8 =	sld [smem:$0x3FB5]  }
0x2e: {  	s3 =	simm.s32 @!p0 $0x1082;
	s9 =	sld [smem:$0x3FB6]  }
0x2f: {  	lr =	sadd.s32 s0, s3;
	s0 =	sld [smem:$0x3FAD]  }
0x30: {  	s3 =	sld [smem:$0x3FB0]  }
0x31: {  	[smem:$0x3FB9] =	sst s10  }
0x32: {  	s10 =	sld [smem:$0x3FB7];
	_ =	sdelay $0x3  }
0x33: {  	p0 =	seq.s32 s10, $0x1;
	s10 =	sld [smem:$0x3FB9];
	_ =	sdelay $0x3  }
0x34: {  	[smem:$0x3FB9] =	sst s10  }
0x35: {  	s10 =	sld [smem:$0x3FB8];
	_ =	sdelay $0x3  }
0x36: {  	p1 =	seq.s32 s10, $0x1;
	s10 =	sld [smem:$0x3FB9];
	_ =	sdelay $0x3  }
0x37: {  	[smem:$0x3FB9] =	sst s10  }
0x38: {  	s10 =	sld [smem:$0x3FBA]  }
0x39: {  	_ = 	snop;
	(pc) =	sbr.ind lr, $3  }
0x3a: {  	_ = 	snop  }
0x3b: {  	_ = 	snop  }
0x3c: {  	p2 =	seq.s32 s10, $0x1;
	s10 =	sld [smem:$0x3FB9]  }
0x3d: {  	_ =	shalt  }
0x3e: {  	_ =	shalt  }
0x3f: {  	_ =	shalt  }
0x40: {  	_ =	shalt  }
0x41: {  	_ =	shalt  }
0x42: {  	_ =	shalt  }
0x43: {  	_ =	shalt  }
0x44: {  	_ =	shalt  }
0x45: {  	_ =	shalt  }
0x46: {  	_ =	shalt  }
0x47: {  	_ =	shalt  }
0x48: {  	_ =	shalt  }
0x49: {  	_ =	shalt  }
0x4a: {  	_ =	shalt  }
0x4b: {  	_ =	shalt  }
0x4c: {  	_ =	shalt  }
0x4d: {  	_ =	shalt  }
0x4e: {  	_ =	shalt  }
0x4f: {  	_ =	shalt  }
0x50: {  	_ =	shalt  }
0x51: {  	_ =	shalt  }
0x52: {  	_ =	shalt  }
0x53: {  	_ =	shalt  }
0x54: {  	_ =	shalt  }
0x55: {  	_ =	shalt  }
0x56: {  	_ =	shalt  }
0x57: {  	_ =	shalt  }
0x58: {  	_ =	shalt  }
0x59: {  	_ =	shalt  }
0x5a: {  	_ =	shalt  }
0x5b: {  	_ =	shalt  }
0x5c: {  	_ =	shalt  }
0x5d: {  	_ =	shalt  }
0x5e: {  	_ =	shalt  }
0x5f: {  	_ =	shalt  }
0x60: {  	_ =	shalt  }
0x61: {  	_ =	shalt  }
0x62: {  	_ =	shalt  }
0x63: {  	_ =	shalt  }
0x64: {  	_ =	shalt  }
0x65: {  	_ =	shalt  }
0x66: {  	_ =	shalt  }
0x67: {  	_ =	shalt  }
0x68: {  	_ =	shalt  }
0x69: {  	_ =	shalt  }
0x6a: {  	_ =	shalt  }
0x6b: {  	_ =	shalt  }
0x6c: {  	_ =	shalt  }
0x6d: {  	_ =	shalt  }
0x6e: {  	_ =	shalt  }
0x6f: {  	_ =	shalt  }
0x70: {  	_ =	shalt  }
0x71: {  	_ =	shalt  }
0x72: {  	_ =	shalt  }
0x73: {  	_ =	shalt  }
0x74: {  	_ =	shalt  }
0x75: {  	_ =	shalt  }
0x76: {  	_ =	shalt  }
0x77: {  	_ =	shalt  }
0x78: {  	_ =	shalt  }
0x79: {  	_ =	shalt  }
0x7a: {  	_ =	shalt  }
0x7b: {  	_ =	shalt  }
0x7c: {  	_ =	shalt  }
0x7d: {  	_ =	shalt  }
0x7e: {  	_ =	shalt  }
0x7f: {  	_ =	shalt  }
0x80: {  	_ =	shalt  }
0x81: {  	_ =	shalt  }
0x82: {  	_ =	shalt  }
0x83: {  	_ =	shalt  }
0x84: {  	_ =	shalt  }
0x85: {  	_ =	shalt  }
0x86: {  	_ =	shalt  }
0x87: {  	_ =	shalt  }
.Lfunc_end0:
.L_simem_size_0:
called_computation_lowered:
.L_overlay_start_0:
0x88: {  	s2 =	sld [smem:$0x3FD9]  }
0x89: {  	s3 =	sld [smem:$0x3FFE];
	_ =	sdelay $0x1  }
0x8a: {  	s1 =	srdreg.scid  }
0x8b: {  	s0 =	sand.u32 $0x1, s1  }
0x8c: {  	s18 =	sshll.u32 s0, $0xA;
	s2 =	sadd.s32 s3, s2  }
0x8d: {  	s2 =	sadd.s32 s2, s18  }
0x8e: {  	[smem:$0x3FC5] =	sst s2  }
0x8f: {  	_ = 	snop  }
0x90: {  	s2 =	sld [smem:$0x3FC9]  }
0x91: {  	s19 =	sld [smem:$0x3FC8]  }
0x92: {  	s4 =	sld [smem:$0x3FC7]  }
0x93: {  	s5 =	sld [smem:$0x3FD0];
	(tm) =	ssettm $0x1  }
0x94: {  	s6 =	sld [smem:$0x3FFB];
	_ =	sdelay $0x3  }
0x95: {  	_ =	strace s6  }
0x96: {  	s6 =	sld [smem:$0x3FFC];
	_ =	sdelay $0x3  }
0x97: {  	_ =	strace s6  }
0x98: {  	s6 =	sld [smem:$0x3FFD];
	_ =	sdelay $0x3  }
0x99: {  	_ =	strace s6  }
0x9a: {  	_ =	strace $0x8FFFFFFF  }
0x9b: {  	s20 =	sld [smem:$0x3FDB];
	_ =	sdelay $0x1  }
0x9c: {  	s7 =	simm.s32 $_scs_section_size  }
0x9d: {  	s8 =	simm.s32 $_size__tile_overlayer_lowered;
	s9 =	simm.s32 $_tile_overlayer_lowered  }
0x9e: {  	s23 =	simm.s32 $0x1BFF;
	s22 =	sshll.u32 s9, $0x1;
	s6 =	sadd.s32 s7, s20  }
0x9f: {  	s10 =	simm.s32 $0x0;
	s21 =	sshll.u32 s8, $0x1;
	s8 =	sadd.s32 s22, s6  }
0xa0: {  	[timem:s10], [sflag:s23] =	dma.local [hbm:s8], s21  }
0xa1: {  	_ =	swait.ge [sflag:s23], s21  }
0xa2: {  	s7 =	ssub.s32 $0x0, s21;
	[sflag:s23] =	ssyncset.done $0x0  }
0xa3: {  	[sflag:s23] =	ssyncadd.s32 s7;
	_ =	sdelay $0x1  }
0xa4: {  	s24 =	simm.s32 $0x1B8B  }
0xa5: {  	_ =	swait.ge [sflag:s24], $0x1  }
0xa6: {  	[sflag:s24] =	ssyncset.done $0x0  }
0xa7: {  	s25 =	simm.s32 $0x1B8E;
	[sflag:s24] =	ssyncadd.s32 $0xFFFFFFFF  }
0xa8: {  	s26 =	simm.s32 $execute0_lowered;
	[smem:$0x3FD2] =	sst s25  }
0xa9: {  	s7 =	sshll.u32 s26, $0x1;
	_ =	strace $0x80000046;
	[dreg:$0x1] =	wrdreg $0xFFFFFFFF  }
0xaa: {  	s28 =	simm.s32 $_size_execute0_lowered;
	s6 =	sadd.s32 s6, s7;
	[dreg:$0x0] =	wrdreg $0x0  }
0xab: {  	s7 =	sshll.u32 s28, $0x1;
	[dreg:$0x2] =	wrdreg s6  }
0xac: {  	[dreg:$0x3] =	wrdreg s7  }
0xad: {  	[dreg:$0x4] =	wrdreg $0xC0  }
0xae: {  	_ =	task [dreg:s10], $0x5FFFF  }
0xaf: {  	[dreg:$0x1] =	wrdreg $0xFFFFFFFF  }
0xb0: {  	[dreg:$0x0] =	wrdreg $0x60  }
0xb1: {  	[dreg:$0x2] =	wrdreg s2  }
0xb2: {  	[dreg:$0x3] =	wrdreg s19  }
0xb3: {  	[dreg:$0x4] =	wrdreg s4  }
0xb4: {  	[dreg:$0x5] =	wrdreg s5  }
0xb5: {  	[dreg:$0x6] =	wrdreg $0x9  }
0xb6: {  	_ =	task.clear_ibuf [dreg:s10], $0x7FFFF;
	_ =	strace $0x90000046  }
0xb7: {  	s29 =	simm.s32 $0x9;
	_ =	strace $0x80000048  }
0xb8: {  	_ =	swait.ge [sflag:s29], $0x1  }
0xb9: {  	[sflag:s29] =	ssyncadd.s32 $0xFFFFFFFF  }
0xba: {  	_ =	strace $0x90000048  }
0xbb: {  	_ =	sfence  }
0xbc: {  	s30 =	sld [smem:$0x0];
	_ =	sdelay $0x2  }
0xbd: {  	s31 =	sshll.u32 s1, $0xD;
	s1 =	sshrl.u32 s1, $0x2  }
0xbe: {  	s3 =	sand.u32 $0x4000, s31;
	s1 =	sadd.s32 s1, s30  }
0xbf: {  	s0 =	sor.u32 s3, s0;
	s1 =	sshll.u32 s1, $0x11  }
0xc0: {  	s0 =	sor.u32 s1, s0  }
0xc1: {  	s0 =	sadd.s32 $0x8F2B, s0  }
0xc2: {  	[sflag:s0] =	ssyncadd.remote.s32 $0x1  }
0xc3: {  	_ =	sfence.sel $0xFFFF  }
0xc4: {  	[dreg:$0x0] =	wrdreg $0xFFFFFFFF;
	(pc) =	sbr.abs _section_cstart, $3  }
0xc5: {  	[dreg:$0x1] =	wrdreg $0xFFFFFFFF  }
0xc6: {  	_ =	task.clear_ibuf [dreg:s10], $0x2FFFF;
	_ =	strace $0x9FFFFFFF  }
0xc7: {  	(tm) =	ssettm $0x7FFFFFFF  }
tec
execute0_lowered:
.L_overlay_start_1:
0x0: {  	(tag) =	ssettag $0x1  }
0x1: {  	v0 =	vimm.s32 $0xB80;
	vm14 =	vcmask $0x300  }
0x2: {  	vm13 =	vcmask $0x704;
	vm12 =	vcmask $0xB08;
	vm11 =	vcmask $0xF0C  }
0x3: {  	vm10 =	vcmask $0x1310;
	vm9 =	vcmask $0x1714;
	vm8 =	vcmask $0x1B18  }
0x4: {  	v1 =	vlaneseq.u32;
	vm4 =	vcmask $0x1F1C;
	vm0 =	vcmask $0x2320  }
0x5: {  	v3 =	vimm.s32 $0x2B80;
	vm1 =	vcmask $0x2724;
	vm2 =	vcmask $0x2B28  }
0x6: {  	vm3 =	vcmask $0x2F2C;
	vm5 =	vcmask $0x3330;
	vm6 =	vcmask $0x3734  }
0x7: {  	vm7 =	vcmask $0x3B38;
	v7 =	vimm.s32 $0x3B80;
	v8 =	vimm.s32 $0xFF8  }
0x8: {  	v9 =	vimm.s32 $0x1FF8;
	v10 =	vimm.s32 $0x2FF8;
	v11 =	vimm.s32 $0x3FF8  }
0x9: {  	v12 =	vimm.s32 $0xFF9;
	v13 =	vimm.s32 $0x1FF9;
	v14 =	vimm.s32 $0x2FF9  }
0xa: {  	v15 =	vimm.s32 $0x3FF9;
	v16 =	vimm.s32 $0xFFA;
	v17 =	vimm.s32 $0x1FFA  }
0xb: {  	v18 =	vimm.s32 $0x2FFA;
	v19 =	vimm.s32 $0x3FFA;
	v20 =	vimm.s32 $0xFFB  }
0xc: {  	v21 =	vimm.s32 $0x1FFB;
	v22 =	vimm.s32 $0x2FFB;
	v23 =	vimm.s32 $0x3FFB  }
0xd: {  	v24 =	vimm.s32 $0xFFC;
	v25 =	vimm.s32 $0x1FFC;
	v26 =	vimm.s32 $0x2FFC  }
0xe: {  	v27 =	vimm.s32 $0x3FFC;
	v28 =	vimm.s32 $0xFFD;
	v29 =	vimm.s32 $0x1FFD  }
0xf: {  	v30 =	vimm.s32 $0x2FFD;
	v31 =	vimm.s32 $0x3FFD;
	v32 =	vimm.s32 $0xFFE  }
0x10: {  	v33 =	vimm.s32 $0x1FFE;
	v34 =	vimm.s32 $0x2FFE;
	v35 =	vimm.s32 $0x3FFE  }
0x11: {  	v36 =	vimm.s32 $0xFFF;
	v37 =	vimm.s32 $0x1FFF;
	v38 =	vimm.s32 $0x2FFF  }
0x12: {  	v39 =	vimm.s32 $0x3FFF;
	v0 =	vsel vm14, $0x0, v0;
	v3 =	vsel vm14, $0x2000, v3  }
0x13: {  	v7 =	vsel vm14, $0x3000, v7;
	v8 =	vsel vm14, $0x478, v8;
	v9 =	vsel vm14, $0x1478, v9  }
0x14: {  	v10 =	vsel vm14, $0x2478, v10;
	v11 =	vsel vm14, $0x3478, v11;
	v12 =	vsel vm14, $0x479, v12  }
0x15: {  	v13 =	vsel vm14, $0x1479, v13;
	v14 =	vsel vm14, $0x2479, v14;
	v15 =	vsel vm14, $0x3479, v15  }
0x16: {  	v16 =	vsel vm14, $0x47A, v16;
	v17 =	vsel vm14, $0x147A, v17;
	v18 =	vsel vm14, $0x247A, v18  }
0x17: {  	v19 =	vsel vm14, $0x347A, v19;
	v20 =	vsel vm14, $0x47B, v20;
	v21 =	vsel vm14, $0x147B, v21  }
0x18: {  	v22 =	vsel vm14, $0x247B, v22;
	v23 =	vsel vm14, $0x347B, v23;
	v24 =	vsel vm14, $0x47C, v24  }
0x19: {  	v25 =	vsel vm14, $0x147C, v25;
	v26 =	vsel vm14, $0x247C, v26;
	v27 =	vsel vm14, $0x347C, v27  }
0x1a: {  	v28 =	vsel vm14, $0x47D, v28;
	v29 =	vsel vm14, $0x147D, v29;
	v30 =	vsel vm14, $0x247D, v30  }
0x1b: {  	v31 =	vsel vm14, $0x347D, v31;
	v32 =	vsel vm14, $0x47E, v32;
	v33 =	vsel vm14, $0x147E, v33  }
0x1c: {  	v34 =	vsel vm14, $0x247E, v34;
	v35 =	vsel vm14, $0x347E, v35;
	v36 =	vsel vm14, $0x47F, v36  }
0x1d: {  	v37 =	vsel vm14, $0x147F, v37;
	v38 =	vsel vm14, $0x247F, v38;
	v39 =	vsel vm14, $0x347F, v39  }
0x1e: {  	v0 =	vsel vm13, $0x80, v0;
	v3 =	vsel vm13, $0x2080, v3;
	v7 =	vsel vm13, $0x3080, v7  }
0x1f: {  	v8 =	vsel vm13, $0x4F8, v8;
	v9 =	vsel vm13, $0x14F8, v9;
	v10 =	vsel vm13, $0x24F8, v10  }
0x20: {  	v11 =	vsel vm13, $0x34F8, v11;
	v12 =	vsel vm13, $0x4F9, v12;
	v13 =	vsel vm13, $0x14F9, v13  }
0x21: {  	v14 =	vsel vm13, $0x24F9, v14;
	v15 =	vsel vm13, $0x34F9, v15;
	v16 =	vsel vm13, $0x4FA, v16  }
0x22: {  	v17 =	vsel vm13, $0x14FA, v17;
	v18 =	vsel vm13, $0x24FA, v18;
	v19 =	vsel vm13, $0x34FA, v19  }
0x23: {  	v20 =	vsel vm13, $0x4FB, v20;
	v21 =	vsel vm13, $0x14FB, v21;
	v22 =	vsel vm13, $0x24FB, v22  }
0x24: {  	v23 =	vsel vm13, $0x34FB, v23;
	v24 =	vsel vm13, $0x4FC, v24;
	v25 =	vsel vm13, $0x14FC, v25  }
0x25: {  	v26 =	vsel vm13, $0x24FC, v26;
	v27 =	vsel vm13, $0x34FC, v27;
	v28 =	vsel vm13, $0x4FD, v28  }
0x26: {  	v29 =	vsel vm13, $0x14FD, v29;
	v30 =	vsel vm13, $0x24FD, v30;
	v31 =	vsel vm13, $0x34FD, v31  }
0x27: {  	v32 =	vsel vm13, $0x4FE, v32;
	v33 =	vsel vm13, $0x14FE, v33;
	v34 =	vsel vm13, $0x24FE, v34  }
0x28: {  	v35 =	vsel vm13, $0x34FE, v35;
	v36 =	vsel vm13, $0x4FF, v36;
	v37 =	vsel vm13, $0x14FF, v37  }
0x29: {  	v38 =	vsel vm13, $0x24FF, v38;
	v39 =	vsel vm13, $0x34FF, v39;
	v0 =	vsel vm12, $0x100, v0  }
0x2a: {  	v3 =	vsel vm12, $0x2100, v3;
	v7 =	vsel vm12, $0x3100, v7;
	v8 =	vsel vm12, $0x578, v8  }
0x2b: {  	v9 =	vsel vm12, $0x1578, v9;
	v10 =	vsel vm12, $0x2578, v10;
	v11 =	vsel vm12, $0x3578, v11  }
0x2c: {  	v12 =	vsel vm12, $0x579, v12;
	v13 =	vsel vm12, $0x1579, v13;
	v14 =	vsel vm12, $0x2579, v14  }
0x2d: {  	v15 =	vsel vm12, $0x3579, v15;
	v16 =	vsel vm12, $0x57A, v16;
	v17 =	vsel vm12, $0x157A, v17  }
0x2e: {  	v18 =	vsel vm12, $0x257A, v18;
	v19 =	vsel vm12, $0x357A, v19;
	v20 =	vsel vm12, $0x57B, v20  }
0x2f: {  	v21 =	vsel vm12, $0x157B, v21;
	v22 =	vsel vm12, $0x257B, v22;
	v23 =	vsel vm12, $0x357B, v23  }
0x30: {  	v24 =	vsel vm12, $0x57C, v24;
	v25 =	vsel vm12, $0x157C, v25;
	v26 =	vsel vm12, $0x257C, v26  }
0x31: {  	v27 =	vsel vm12, $0x357C, v27;
	v28 =	vsel vm12, $0x57D, v28;
	v29 =	vsel vm12, $0x157D, v29  }
0x32: {  	v30 =	vsel vm12, $0x257D, v30;
	v31 =	vsel vm12, $0x357D, v31;
	v32 =	vsel vm12, $0x57E, v32  }
0x33: {  	v33 =	vsel vm12, $0x157E, v33;
	v34 =	vsel vm12, $0x257E, v34;
	v35 =	vsel vm12, $0x357E, v35  }
0x34: {  	v36 =	vsel vm12, $0x57F, v36;
	v37 =	vsel vm12, $0x157F, v37;
	v38 =	vsel vm12, $0x257F, v38  }
0x35: {  	v39 =	vsel vm12, $0x357F, v39;
	v0 =	vsel vm11, $0x180, v0;
	v3 =	vsel vm11, $0x2180, v3  }
0x36: {  	v7 =	vsel vm11, $0x3180, v7;
	v8 =	vsel vm11, $0x5F8, v8;
	v9 =	vsel vm11, $0x15F8, v9  }
0x37: {  	v10 =	vsel vm11, $0x25F8, v10;
	v11 =	vsel vm11, $0x35F8, v11;
	v12 =	vsel vm11, $0x5F9, v12  }
0x38: {  	v13 =	vsel vm11, $0x15F9, v13;
	v14 =	vsel vm11, $0x25F9, v14;
	v15 =	vsel vm11, $0x35F9, v15  }
0x39: {  	v16 =	vsel vm11, $0x5FA, v16;
	v17 =	vsel vm11, $0x15FA, v17;
	v18 =	vsel vm11, $0x25FA, v18  }
0x3a: {  	v19 =	vsel vm11, $0x35FA, v19;
	v20 =	vsel vm11, $0x5FB, v20;
	v21 =	vsel vm11, $0x15FB, v21  }
0x3b: {  	v22 =	vsel vm11, $0x25FB, v22;
	v23 =	vsel vm11, $0x35FB, v23;
	v24 =	vsel vm11, $0x5FC, v24  }
0x3c: {  	v25 =	vsel vm11, $0x15FC, v25;
	v26 =	vsel vm11, $0x25FC, v26;
	v27 =	vsel vm11, $0x35FC, v27  }
0x3d: {  	v28 =	vsel vm11, $0x5FD, v28;
	v29 =	vsel vm11, $0x15FD, v29;
	v30 =	vsel vm11, $0x25FD, v30  }
0x3e: {  	v31 =	vsel vm11, $0x35FD, v31;
	v32 =	vsel vm11, $0x5FE, v32;
	v33 =	vsel vm11, $0x15FE, v33  }
0x3f: {  	v34 =	vsel vm11, $0x25FE, v34;
	v35 =	vsel vm11, $0x35FE, v35;
	v36 =	vsel vm11, $0x5FF, v36  }
0x40: {  	v37 =	vsel vm11, $0x15FF, v37;
	v38 =	vsel vm11, $0x25FF, v38;
	v39 =	vsel vm11, $0x35FF, v39  }
0x41: {  	v0 =	vsel vm10, $0x200, v0;
	v3 =	vsel vm10, $0x2200, v3;
	v7 =	vsel vm10, $0x3200, v7  }
0x42: {  	v8 =	vsel vm10, $0x678, v8;
	v9 =	vsel vm10, $0x1678, v9;
	v10 =	vsel vm10, $0x2678, v10  }
0x43: {  	v11 =	vsel vm10, $0x3678, v11;
	v12 =	vsel vm10, $0x679, v12;
	v13 =	vsel vm10, $0x1679, v13  }
0x44: {  	v14 =	vsel vm10, $0x2679, v14;
	v15 =	vsel vm10, $0x3679, v15;
	v16 =	vsel vm10, $0x67A, v16  }
0x45: {  	v17 =	vsel vm10, $0x167A, v17;
	v18 =	vsel vm10, $0x267A, v18;
	v19 =	vsel vm10, $0x367A, v19  }
0x46: {  	v20 =	vsel vm10, $0x67B, v20;
	v21 =	vsel vm10, $0x167B, v21;
	v22 =	vsel vm10, $0x267B, v22  }
0x47: {  	v23 =	vsel vm10, $0x367B, v23;
	v24 =	vsel vm10, $0x67C, v24;
	v25 =	vsel vm10, $0x167C, v25  }
0x48: {  	v26 =	vsel vm10, $0x267C, v26;
	v27 =	vsel vm10, $0x367C, v27;
	v28 =	vsel vm10, $0x67D, v28  }
0x49: {  	v29 =	vsel vm10, $0x167D, v29;
	v30 =	vsel vm10, $0x267D, v30;
	v31 =	vsel vm10, $0x367D, v31  }
0x4a: {  	v32 =	vsel vm10, $0x67E, v32;
	v33 =	vsel vm10, $0x167E, v33;
	v34 =	vsel vm10, $0x267E, v34  }
0x4b: {  	v35 =	vsel vm10, $0x367E, v35;
	v36 =	vsel vm10, $0x67F, v36;
	v37 =	vsel vm10, $0x167F, v37  }
0x4c: {  	v38 =	vsel vm10, $0x267F, v38;
	v39 =	vsel vm10, $0x367F, v39;
	v0 =	vsel vm9, $0x280, v0  }
0x4d: {  	v3 =	vsel vm9, $0x2280, v3;
	v7 =	vsel vm9, $0x3280, v7;
	v8 =	vsel vm9, $0x6F8, v8  }
0x4e: {  	v9 =	vsel vm9, $0x16F8, v9;
	v10 =	vsel vm9, $0x26F8, v10;
	v11 =	vsel vm9, $0x36F8, v11  }
0x4f: {  	v12 =	vsel vm9, $0x6F9, v12;
	v13 =	vsel vm9, $0x16F9, v13;
	v14 =	vsel vm9, $0x26F9, v14  }
0x50: {  	v15 =	vsel vm9, $0x36F9, v15;
	v16 =	vsel vm9, $0x6FA, v16;
	v17 =	vsel vm9, $0x16FA, v17  }
0x51: {  	v18 =	vsel vm9, $0x26FA, v18;
	v19 =	vsel vm9, $0x36FA, v19;
	v20 =	vsel vm9, $0x6FB, v20  }
0x52: {  	v21 =	vsel vm9, $0x16FB, v21;
	v22 =	vsel vm9, $0x26FB, v22;
	v23 =	vsel vm9, $0x36FB, v23  }
0x53: {  	v24 =	vsel vm9, $0x6FC, v24;
	v25 =	vsel vm9, $0x16FC, v25;
	v26 =	vsel vm9, $0x26FC, v26  }
0x54: {  	v27 =	vsel vm9, $0x36FC, v27;
	v28 =	vsel vm9, $0x6FD, v28;
	v29 =	vsel vm9, $0x16FD, v29  }
0x55: {  	v30 =	vsel vm9, $0x26FD, v30;
	v31 =	vsel vm9, $0x36FD, v31;
	v32 =	vsel vm9, $0x6FE, v32  }
0x56: {  	v33 =	vsel vm9, $0x16FE, v33;
	v34 =	vsel vm9, $0x26FE, v34;
	v35 =	vsel vm9, $0x36FE, v35  }
0x57: {  	v36 =	vsel vm9, $0x6FF, v36;
	v37 =	vsel vm9, $0x16FF, v37;
	v38 =	vsel vm9, $0x26FF, v38  }
0x58: {  	v39 =	vsel vm9, $0x36FF, v39;
	v2 =	vsel vm8, $0x300, v0;
	v0 =	vmul.u32 $0x80, v1  }
0x59: {  	v3 =	vsel vm8, $0x2300, v3;
	v7 =	vsel vm8, $0x3300, v7;
	v8 =	vsel vm8, $0x778, v8  }
0x5a: {  	v9 =	vsel vm8, $0x1778, v9;
	v10 =	vsel vm8, $0x2778, v10;
	v11 =	vsel vm8, $0x3778, v11  }
0x5b: {  	v12 =	vsel vm8, $0x779, v12;
	v13 =	vsel vm8, $0x1779, v13;
	v14 =	vsel vm8, $0x2779, v14  }
0x5c: {  	v15 =	vsel vm8, $0x3779, v15;
	v16 =	vsel vm8, $0x77A, v16;
	v17 =	vsel vm8, $0x177A, v17  }
0x5d: {  	v18 =	vsel vm8, $0x277A, v18;
	v19 =	vsel vm8, $0x377A, v19;
	v20 =	vsel vm8, $0x77B, v20  }
0x5e: {  	v21 =	vsel vm8, $0x177B, v21;
	v22 =	vsel vm8, $0x277B, v22;
	v23 =	vsel vm8, $0x377B, v23  }
0x5f: {  	v24 =	vsel vm8, $0x77C, v24;
	v25 =	vsel vm8, $0x177C, v25;
	v26 =	vsel vm8, $0x277C, v26  }
0x60: {  	v27 =	vsel vm8, $0x377C, v27;
	v28 =	vsel vm8, $0x77D, v28;
	v29 =	vsel vm8, $0x177D, v29  }
0x61: {  	v30 =	vsel vm8, $0x277D, v30;
	v31 =	vsel vm8, $0x377D, v31;
	v32 =	vsel vm8, $0x77E, v32  }
0x62: {  	v33 =	vsel vm8, $0x177E, v33;
	v34 =	vsel vm8, $0x277E, v34;
	v35 =	vsel vm8, $0x377E, v35  }
0x63: {  	v36 =	vsel vm8, $0x77F, v36;
	v37 =	vsel vm8, $0x177F, v37;
	v38 =	vsel vm8, $0x277F, v38  }
0x64: {  	v39 =	vsel vm8, $0x377F, v39;
	v1 =	vsel vm4, $0x380, v2;
	v2 =	vimm.s32 $0x1B80  }
0x65: {  	v3 =	vsel vm4, $0x2380, v3;
	v7 =	vsel vm4, $0x3380, v7;
	v8 =	vsel vm4, $0x7F8, v8  }
0x66: {  	v9 =	vsel vm4, $0x17F8, v9;
	v10 =	vsel vm4, $0x27F8, v10;
	v11 =	vsel vm4, $0x37F8, v11  }
0x67: {  	v12 =	vsel vm4, $0x7F9, v12;
	v13 =	vsel vm4, $0x17F9, v13;
	v14 =	vsel vm4, $0x27F9, v14  }
0x68: {  	v15 =	vsel vm4, $0x37F9, v15;
	v16 =	vsel vm4, $0x7FA, v16;
	v17 =	vsel vm4, $0x17FA, v17  }
0x69: {  	v18 =	vsel vm4, $0x27FA, v18;
	v19 =	vsel vm4, $0x37FA, v19;
	v20 =	vsel vm4, $0x7FB, v20  }
0x6a: {  	v21 =	vsel vm4, $0x17FB, v21;
	v22 =	vsel vm4, $0x27FB, v22;
	v23 =	vsel vm4, $0x37FB, v23  }
0x6b: {  	v24 =	vsel vm4, $0x7FC, v24;
	v25 =	vsel vm4, $0x17FC, v25;
	v26 =	vsel vm4, $0x27FC, v26  }
0x6c: {  	v27 =	vsel vm4, $0x37FC, v27;
	v28 =	vsel vm4, $0x7FD, v28;
	v29 =	vsel vm4, $0x17FD, v29  }
0x6d: {  	v30 =	vsel vm4, $0x27FD, v30;
	v31 =	vsel vm4, $0x37FD, v31;
	v32 =	vsel vm4, $0x7FE, v32  }
0x6e: {  	v33 =	vsel vm4, $0x17FE, v33;
	v34 =	vsel vm4, $0x27FE, v34;
	v35 =	vsel vm4, $0x37FE, v35  }
0x6f: {  	v36 =	vsel vm4, $0x7FF, v36;
	v37 =	vsel vm4, $0x17FF, v37;
	v38 =	vsel vm4, $0x27FF, v38  }
0x70: {  	v39 =	vsel vm4, $0x37FF, v39;
	v2 =	vsel vm14, $0x1000, v2;
	v1 =	vsel vm0, $0x800, v1  }
0x71: {  	v3 =	vsel vm0, $0x2800, v3;
	v6 =	vor.u32 $0x1800, v0;
	v7 =	vsel vm0, $0x3800, v7  }
0x72: {  	v8 =	vsel vm0, $0xC78, v8;
	v9 =	vsel vm0, $0x1C78, v9;
	v10 =	vsel vm0, $0x2C78, v10  }
0x73: {  	v11 =	vsel vm0, $0x3C78, v11;
	v12 =	vsel vm0, $0xC79, v12;
	v13 =	vsel vm0, $0x1C79, v13  }
0x74: {  	v14 =	vsel vm0, $0x2C79, v14;
	v15 =	vsel vm0, $0x3C79, v15;
	v16 =	vsel vm0, $0xC7A, v16  }
0x75: {  	v17 =	vsel vm0, $0x1C7A, v17;
	v18 =	vsel vm0, $0x2C7A, v18;
	v19 =	vsel vm0, $0x3C7A, v19  }
0x76: {  	v20 =	vsel vm0, $0xC7B, v20;
	v21 =	vsel vm0, $0x1C7B, v21;
	v22 =	vsel vm0, $0x2C7B, v22  }
0x77: {  	v23 =	vsel vm0, $0x3C7B, v23;
	v24 =	vsel vm0, $0xC7C, v24;
	v25 =	vsel vm0, $0x1C7C, v25  }
0x78: {  	v26 =	vsel vm0, $0x2C7C, v26;
	v27 =	vsel vm0, $0x3C7C, v27;
	v28 =	vsel vm0, $0xC7D, v28  }
0x79: {  	v29 =	vsel vm0, $0x1C7D, v29;
	v30 =	vsel vm0, $0x2C7D, v30;
	v31 =	vsel vm0, $0x3C7D, v31  }
0x7a: {  	v32 =	vsel vm0, $0xC7E, v32;
	v33 =	vsel vm0, $0x1C7E, v33;
	v34 =	vsel vm0, $0x2C7E, v34  }
0x7b: {  	v35 =	vsel vm0, $0x3C7E, v35;
	v36 =	vsel vm0, $0xC7F, v36;
	v37 =	vsel vm0, $0x1C7F, v37  }
0x7c: {  	v38 =	vsel vm0, $0x2C7F, v38;
	v39 =	vsel vm0, $0x3C7F, v39;
	v2 =	vsel vm13, $0x1080, v2  }
0x7d: {  	v1 =	vsel vm1, $0x880, v1;
	v3 =	vsel vm1, $0x2880, v3;
	v7 =	vsel vm1, $0x3880, v7  }
0x7e: {  	v8 =	vsel vm1, $0xCF8, v8;
	v9 =	vsel vm1, $0x1CF8, v9;
	v10 =	vsel vm1, $0x2CF8, v10  }
0x7f: {  	v11 =	vsel vm1, $0x3CF8, v11;
	v12 =	vsel vm1, $0xCF9, v12;
	v13 =	vsel vm1, $0x1CF9, v13  }
0x80: {  	v14 =	vsel vm1, $0x2CF9, v14;
	v15 =	vsel vm1, $0x3CF9, v15;
	v16 =	vsel vm1, $0xCFA, v16  }
0x81: {  	v17 =	vsel vm1, $0x1CFA, v17;
	v18 =	vsel vm1, $0x2CFA, v18;
	v19 =	vsel vm1, $0x3CFA, v19  }
0x82: {  	v20 =	vsel vm1, $0xCFB, v20;
	v21 =	vsel vm1, $0x1CFB, v21;
	v22 =	vsel vm1, $0x2CFB, v22  }
0x83: {  	v23 =	vsel vm1, $0x3CFB, v23;
	v24 =	vsel vm1, $0xCFC, v24;
	v25 =	vsel vm1, $0x1CFC, v25  }
0x84: {  	v26 =	vsel vm1, $0x2CFC, v26;
	v27 =	vsel vm1, $0x3CFC, v27;
	v28 =	vsel vm1, $0xCFD, v28  }
0x85: {  	v29 =	vsel vm1, $0x1CFD, v29;
	v30 =	vsel vm1, $0x2CFD, v30;
	v31 =	vsel vm1, $0x3CFD, v31  }
0x86: {  	v32 =	vsel vm1, $0xCFE, v32;
	v33 =	vsel vm1, $0x1CFE, v33;
	v34 =	vsel vm1, $0x2CFE, v34  }
0x87: {  	v35 =	vsel vm1, $0x3CFE, v35;
	v36 =	vsel vm1, $0xCFF, v36;
	v37 =	vsel vm1, $0x1CFF, v37  }
0x88: {  	v38 =	vsel vm1, $0x2CFF, v38;
	v39 =	vsel vm1, $0x3CFF, v39;
	v2 =	vsel vm12, $0x1100, v2  }
0x89: {  	v1 =	vsel vm2, $0x900, v1;
	v3 =	vsel vm2, $0x2900, v3;
	v7 =	vsel vm2, $0x3900, v7  }
0x8a: {  	v8 =	vsel vm2, $0xD78, v8;
	v9 =	vsel vm2, $0x1D78, v9;
	v10 =	vsel vm2, $0x2D78, v10  }
0x8b: {  	v11 =	vsel vm2, $0x3D78, v11;
	v12 =	vsel vm2, $0xD79, v12;
	v13 =	vsel vm2, $0x1D79, v13  }
0x8c: {  	v14 =	vsel vm2, $0x2D79, v14;
	v15 =	vsel vm2, $0x3D79, v15;
	v16 =	vsel vm2, $0xD7A, v16  }
0x8d: {  	v17 =	vsel vm2, $0x1D7A, v17;
	v18 =	vsel vm2, $0x2D7A, v18;
	v19 =	vsel vm2, $0x3D7A, v19  }
0x8e: {  	v20 =	vsel vm2, $0xD7B, v20;
	v21 =	vsel vm2, $0x1D7B, v21;
	v22 =	vsel vm2, $0x2D7B, v22  }
0x8f: {  	v23 =	vsel vm2, $0x3D7B, v23;
	v24 =	vsel vm2, $0xD7C, v24;
	v25 =	vsel vm2, $0x1D7C, v25  }
0x90: {  	v26 =	vsel vm2, $0x2D7C, v26;
	v27 =	vsel vm2, $0x3D7C, v27;
	v28 =	vsel vm2, $0xD7D, v28  }
0x91: {  	v29 =	vsel vm2, $0x1D7D, v29;
	v30 =	vsel vm2, $0x2D7D, v30;
	v31 =	vsel vm2, $0x3D7D, v31  }
0x92: {  	v32 =	vsel vm2, $0xD7E, v32;
	v33 =	vsel vm2, $0x1D7E, v33;
	v34 =	vsel vm2, $0x2D7E, v34  }
0x93: {  	v35 =	vsel vm2, $0x3D7E, v35;
	v36 =	vsel vm2, $0xD7F, v36;
	v37 =	vsel vm2, $0x1D7F, v37  }
0x94: {  	v38 =	vsel vm2, $0x2D7F, v38;
	v39 =	vsel vm2, $0x3D7F, v39;
	v2 =	vsel vm11, $0x1180, v2  }
0x95: {  	v1 =	vsel vm3, $0x980, v1;
	v3 =	vsel vm3, $0x2980, v3;
	v7 =	vsel vm3, $0x3980, v7  }
0x96: {  	v8 =	vsel vm3, $0xDF8, v8;
	v9 =	vsel vm3, $0x1DF8, v9;
	v10 =	vsel vm3, $0x2DF8, v10  }
0x97: {  	v11 =	vsel vm3, $0x3DF8, v11;
	v12 =	vsel vm3, $0xDF9, v12;
	v13 =	vsel vm3, $0x1DF9, v13  }
0x98: {  	v14 =	vsel vm3, $0x2DF9, v14;
	v15 =	vsel vm3, $0x3DF9, v15;
	v16 =	vsel vm3, $0xDFA, v16  }
0x99: {  	v17 =	vsel vm3, $0x1DFA, v17;
	v18 =	vsel vm3, $0x2DFA, v18;
	v19 =	vsel vm3, $0x3DFA, v19  }
0x9a: {  	v20 =	vsel vm3, $0xDFB, v20;
	v21 =	vsel vm3, $0x1DFB, v21;
	v22 =	vsel vm3, $0x2DFB, v22  }
0x9b: {  	v23 =	vsel vm3, $0x3DFB, v23;
	v24 =	vsel vm3, $0xDFC, v24;
	v25 =	vsel vm3, $0x1DFC, v25  }
0x9c: {  	v26 =	vsel vm3, $0x2DFC, v26;
	v27 =	vsel vm3, $0x3DFC, v27;
	v28 =	vsel vm3, $0xDFD, v28  }
0x9d: {  	v29 =	vsel vm3, $0x1DFD, v29;
	v30 =	vsel vm3, $0x2DFD, v30;
	v31 =	vsel vm3, $0x3DFD, v31  }
0x9e: {  	v32 =	vsel vm3, $0xDFE, v32;
	v33 =	vsel vm3, $0x1DFE, v33;
	v34 =	vsel vm3, $0x2DFE, v34  }
0x9f: {  	v35 =	vsel vm3, $0x3DFE, v35;
	v36 =	vsel vm3, $0xDFF, v36;
	v37 =	vsel vm3, $0x1DFF, v37  }
0xa0: {  	v38 =	vsel vm3, $0x2DFF, v38;
	v39 =	vsel vm3, $0x3DFF, v39;
	v2 =	vsel vm10, $0x1200, v2  }
0xa1: {  	v1 =	vsel vm5, $0xA00, v1;
	v5 =	vsel vm5, $0x2A00, v3;
	v7 =	vsel vm5, $0x3A00, v7  }
0xa2: {  	v8 =	vsel vm5, $0xE78, v8;
	v9 =	vsel vm5, $0x1E78, v9;
	v10 =	vsel vm5, $0x2E78, v10  }
0xa3: {  	v11 =	vsel vm5, $0x3E78, v11;
	v12 =	vsel vm5, $0xE79, v12;
	v13 =	vsel vm5, $0x1E79, v13  }
0xa4: {  	v14 =	vsel vm5, $0x2E79, v14;
	v15 =	vsel vm5, $0x3E79, v15;
	v16 =	vsel vm5, $0xE7A, v16  }
0xa5: {  	v17 =	vsel vm5, $0x1E7A, v17;
	v18 =	vsel vm5, $0x2E7A, v18;
	v19 =	vsel vm5, $0x3E7A, v19  }
0xa6: {  	v20 =	vsel vm5, $0xE7B, v20;
	v21 =	vsel vm5, $0x1E7B, v21;
	v22 =	vsel vm5, $0x2E7B, v22  }
0xa7: {  	v23 =	vsel vm5, $0x3E7B, v23;
	v24 =	vsel vm5, $0xE7C, v24;
	v25 =	vsel vm5, $0x1E7C, v25  }
0xa8: {  	v26 =	vsel vm5, $0x2E7C, v26;
	v27 =	vsel vm5, $0x3E7C, v27;
	v28 =	vsel vm5, $0xE7D, v28  }
0xa9: {  	v29 =	vsel vm5, $0x1E7D, v29;
	v30 =	vsel vm5, $0x2E7D, v30;
	v31 =	vsel vm5, $0x3E7D, v31  }
0xaa: {  	v32 =	vsel vm5, $0xE7E, v32;
	v33 =	vsel vm5, $0x1E7E, v33;
	v34 =	vsel vm5, $0x2E7E, v34  }
0xab: {  	v35 =	vsel vm5, $0x3E7E, v35;
	v36 =	vsel vm5, $0xE7F, v36;
	v37 =	vsel vm5, $0x1E7F, v37  }
0xac: {  	v38 =	vsel vm5, $0x2E7F, v38;
	v39 =	vsel vm5, $0x3E7F, v39;
	v2 =	vsel vm9, $0x1280, v2  }
0xad: {  	v1 =	vsel vm6, $0xA80, v1;
	v5 =	vsel vm6, $0x2A80, v5;
	v7 =	vsel vm6, $0x3A80, v7  }
0xae: {  	v8 =	vsel vm6, $0xEF8, v8;
	v9 =	vsel vm6, $0x1EF8, v9;
	v10 =	vsel vm6, $0x2EF8, v10  }
0xaf: {  	v11 =	vsel vm6, $0x3EF8, v11;
	v12 =	vsel vm6, $0xEF9, v12;
	v13 =	vsel vm6, $0x1EF9, v13  }
0xb0: {  	v14 =	vsel vm6, $0x2EF9, v14;
	v15 =	vsel vm6, $0x3EF9, v15;
	v16 =	vsel vm6, $0xEFA, v16  }
0xb1: {  	v17 =	vsel vm6, $0x1EFA, v17;
	v18 =	vsel vm6, $0x2EFA, v18;
	v19 =	vsel vm6, $0x3EFA, v19  }
0xb2: {  	v20 =	vsel vm6, $0xEFB, v20;
	v21 =	vsel vm6, $0x1EFB, v21;
	v22 =	vsel vm6, $0x2EFB, v22  }
0xb3: {  	v23 =	vsel vm6, $0x3EFB, v23;
	v24 =	vsel vm6, $0xEFC, v24;
	v25 =	vsel vm6, $0x1EFC, v25  }
0xb4: {  	s1 =	rddreg [dreg:$0x0];
	v26 =	vsel vm6, $0x2EFC, v26;
	v27 =	vsel vm6, $0x3EFC, v27;
	v28 =	vsel vm6, $0xEFD, v28  }
0xb5: {  	s0 =	rddreg [dreg:$0x1];
	v29 =	vsel vm6, $0x1EFD, v29;
	v30 =	vsel vm6, $0x2EFD, v30;
	v31 =	vsel vm6, $0x3EFD, v31  }
0xb6: {  	s2 =	rddreg [dreg:$0x2];
	v32 =	vsel vm6, $0xEFE, v32;
	v33 =	vsel vm6, $0x1EFE, v33;
	v34 =	vsel vm6, $0x2EFE, v34  }
0xb7: {  	s3 =	rddreg [dreg:$0x3];
	s5 =	simm.s32 $0x0;
	s4 =	srdreg.scid;
	v35 =	vsel vm6, $0x3EFE, v35;
	v36 =	vsel vm6, $0xEFF, v36;
	v37 =	vsel vm6, $0x1EFF, v37  }
0xb8: {  	s9 =	simm.s32 $0x4000;
	s12 =	simm.s32 $0x4100;
	s15 =	simm.s32 $0x400;
	v38 =	vsel vm6, $0x2EFF, v38;
	v39 =	vsel vm6, $0x3EFF, v39;
	v2 =	vsel vm8, $0x1300, v2  }
0xb9: {  	s8 =	stileid.u32;
	s16 =	simm.s32 $0x7A1400;
	s17 =	simm.s32 $0x8100;
	v1 =	vsel vm7, $0xB00, v1;
	v5 =	vsel vm7, $0x2B00, v5;
	v7 =	vsel vm7, $0x3B00, v7  }
0xba: {  	s18 =	simm.s32 $0xA100;
	s19 =	simm.s32 $0xC100;
	s20 =	simm.s32 $0xE100;
	v8 =	vsel vm7, $0xF78, v8;
	v9 =	vsel vm7, $0x1F78, v9;
	v10 =	vsel vm7, $0x2F78, v10  }
0xbb: {  	s28 =	simm.s32 $0x2;
	s29 =	simm.s32 $0x3;
	s30 =	simm.s32 $0x4;
	v11 =	vsel vm7, $0x3F78, v11;
	v12 =	vsel vm7, $0xF79, v12;
	v13 =	vsel vm7, $0x1F79, v13  }
0xbc: {  	s31 =	simm.s32 $0x5;
	[smem:$0x7FF] =	sst s5;
	s4 =	sand.u32 $0x1, s4;
	v14 =	vsel vm7, $0x2F79, v14;
	v15 =	vsel vm7, $0x3F79, v15;
	v16 =	vsel vm7, $0xF7A, v16  }
0xbd: {  	s6 =	sshll.u32 s8, $0x1;
	s8 =	sshrl.u32 s8, $0x2;
	_ =	strace $0x80000047;
	v17 =	vsel vm7, $0x1F7A, v17;
	v18 =	vsel vm7, $0x2F7A, v18;
	v19 =	vsel vm7, $0x3F7A, v19  }
0xbe: {  	s21 =	ssub.s32 $0x2, s4;
	s6 =	sand.u32 $0x6, s6;
	s22 =	sshll.u32 s8, $0x4;
	v20 =	vsel vm7, $0xF7B, v20;
	v21 =	vsel vm7, $0x1F7B, v21;
	v22 =	vsel vm7, $0x2F7B, v22  }
0xbf: {  	s24 =	sshll.u32 s8, $0xE;
	s8 =	simm.s32 $0x800;
	s7 =	sshrl.u32 s21, $0x1;
	v23 =	vsel vm7, $0x3F7B, v23;
	v24 =	vsel vm7, $0xF7C, v24;
	v25 =	vsel vm7, $0x1F7C, v25  }
0xc0: {  	s4 =	sor.u32 s4, s6;
	s1 =	sadd.s32 s1, s22;
	s25 =	sadd.s32 s3, s24;
	v26 =	vsel vm7, $0x2F7C, v26;
	v27 =	vsel vm7, $0x3F7C, v27;
	v2 =	vsel vm4, $0x1380, v2  }
0xc1: {  	s22 =	simm.s32 $0x12100;
	s24 =	simm.s32 $0x16100;
	s3 =	simm.s32 $0x7;
	v28 =	vsel vm7, $0xF7D, v28;
	v29 =	vsel vm7, $0x1F7D, v29;
	v2 =	vsel vm0, $0x1800, v2  }
0xc2: {  	s5 =	ssub.s32 s21, s7;
	s23 =	sshll.u32 s4, $0x7;
	s4 =	sshll.u32 s4, $0x8;
	v30 =	vsel vm7, $0x2F7D, v30;
	v31 =	vsel vm7, $0x3F7D, v31;
	v2 =	vsel vm1, $0x1880, v2  }
0xc3: {  	s7 =	simm.s32 $0xA;
	s21 =	simm.s32 $0x10100;
	s1 =	sadd.s32 s23, s1;
	v32 =	vsel vm7, $0xF7E, v32;
	v33 =	vsel vm7, $0x1F7E, v33;
	v2 =	vsel vm2, $0x1900, v2  }
0xc4: {  	s2 =	sadd.s32 s2, s4;
	s26 =	smax.u32 s5, $0x1;
	[dreg:$0x5] =	wrdreg s1;
	v34 =	vsel vm7, $0x2F7E, v34;
	v35 =	vsel vm7, $0x3F7E, v35;
	v2 =	vsel vm3, $0x1980, v2  }
0xc5: {  	s23 =	simm.s32 $0x14100;
	s5 =	simm.s32 $0x0;
	[dreg:$0x6] =	wrdreg s2;
	v36 =	vsel vm7, $0xF7F, v36;
	v37 =	vsel vm7, $0x1F7F, v37;
	v2 =	vsel vm5, $0x1A00, v2  }
0xc6: {  	s1 =	sadd.s32 s4, s25;
	[dreg:$0x8] =	wrdreg s26;
	s26 =	simm.s32 $0x100;
	v38 =	vsel vm7, $0x2F7F, v38;
	v39 =	vsel vm7, $0x3F7F, v39;
	v4 =	vsel vm6, $0x1A80, v2  }
0xc7: {  	s2 =	simm.s32 $0x8;
	[dreg:$0x7] =	wrdreg s1;
	s1 =	simm.s32 $0x6;
	v2 =	vor.u32 $0x800, v0;
	v3 =	vsel vm7, $0x1B00, v4;
	v4 =	vor.u32 $0x1000, v0  }
.LBB2_1:
0xc8: {  	[dreg:$0x9] =	wrdreg s5;
	s4 =	simm.s32 $0x0  }
0xc9: {  	s13 =	rddreg [dreg:$0x5];
	s6 =	simm.s32 $0x200;
	s10 =	simm.s32 $0x80  }
0xca: {  	[tilespmem:s4], [sflag:$0xA] =	stream.strided.gather [hbm4b:s13+s10], $0x100, s6, s10, $0x38;
	[tilespmem:$0x18100] =	vst v63  }
0xcb: {  	_ =	swait.ge [sflag:s7], $0x100  }
0xcc: {  	[sflag:s7] =	ssyncset.done $0x0  }
0xcd: {  	s25 =	simm.s32 $0x9;
	s14 =	rddreg [dreg:$0x6];
	[sflag:s7] =	ssyncadd.s32 $0xFFFFFF00  }
0xce: {  	[tilespmem:s12], [sflag:$0x9] =	stream.strided.gather [hbm4b:s14+s8], $0x4000, s9, s8, $0x38;
	[tilespmem:$0x18100] =	vst v63  }
0xcf: {  	_ =	swait.ge [sflag:s25], $0x4000  }
0xd0: {  	[sflag:s25] =	ssyncset.done $0x0  }
0xd1: {  	v41 =	vimm.s32 $0x0;
	s10 =	simm.s32 $0x7;
	s14 =	simm.s32 $0x0;
	[sflag:s25] =	ssyncadd.s32 $0xFFFFC000  }
.LBB2_2:
0xd2: {  	p0 =	seq.s32 s10, $0x7  }
0xd3: {  	(v2sf) =	vpush @!p0 v41, $0x8;
	_ =	sdelay $0xa  }
0xd4: {  	s4 =	sadd.s32 @!p0 $0xFFFFFFF1, s10  }
0xd5: {  	v42 =	vmov @!p0 s4  }
0xd6: {  	v43 =	vshll.u32 @!p0 v42, $0x3  }
0xd7: {  	v42 =	vand.u32 @!p0 $0x78, v42;
	v43 =	vand.u32 @!p0 $0xFFFFFC00, v43  }
0xd8: {  	v42 =	vor.u32 @!p0 v42, v43;
	s4 =	spop @!p0 (v2sf)  }
0xd9: {  	v43 =	vadd.s32 @!p0 v1, v42;
	s4 =	sand.u32 @!p0 $0x7F, s4  }
0xda: {  	s5 =	simm.s32 @!p0 $0x1;
	v44 =	vor.u32 @!p0 s4, v0  }
0xdb: {  	v40 =	vld [tilespmem:s14+$0x0];
	_ =	swait.ge @!p0 [sflag:s5], $0x2000  }
0xdc: {  	[sflag:s5] =	ssyncset.done @!p0 $0x0  }
0xdd: {  	[sflag:s5] =	ssyncadd.s32 @!p0 $0xFFFFE000  }
0xde: {  	v45 =	vld.idx.msk @!p0 [tilespmem:v43+s12+$0x0], $0xffff  }
0xdf: {  	v44 =	vld.idx.msk @!p0 [tilespmem:v44+s17+$0x0], $0xffff;
	_ =	sdelay $0x2  }
0xe0: {  	v46 =	vor.u32 @!p0 s4, v2  }
0xe1: {  	v47 =	vadd.s32 @!p0 v3, v42  }
0xe2: {  	v44 =	vadd.f32 @!p0 v45, v44;
	_ =	sdelay $0x1  }
0xe3: {  	[tilespmem:v43+s26+$0x0] =	vst.idx.msk @!p0 $0xffff, v44  }
0xe4: {  	(v2sf) =	vpush v40, $0x0;
	v43 =	vld.idx.msk @!p0 [tilespmem:v46+s17+$0x0], $0xffff  }
0xe5: {  	v44 =	vld.idx.msk @!p0 [tilespmem:v47+s12+$0x0], $0xffff;
	_ =	sdelay $0x2  }
0xe6: {  	v45 =	vor.u32 @!p0 s4, v4  }
0xe7: {  	v46 =	vadd.s32 @!p0 v5, v42  }
0xe8: {  	v43 =	vadd.f32 @!p0 v44, v43;
	_ =	sdelay $0x1  }
0xe9: {  	[tilespmem:v47+s26+$0x0] =	vst.idx.msk @!p0 $0xffff, v43  }
0xea: {  	v43 =	vld.idx.msk @!p0 [tilespmem:v45+s17+$0x0], $0xffff  }
0xeb: {  	v44 =	vld.idx.msk @!p0 [tilespmem:v46+s12+$0x0], $0xffff;
	_ =	sdelay $0x2  }
0xec: {  	v45 =	vor.u32 @!p0 s4, v6  }
0xed: {  	v42 =	vadd.s32 @!p0 v7, v42  }
0xee: {  	s4 =	spop (v2sf);
	(v2sf) =	vpush @!p0 v41, $0x9;
	v43 =	vadd.f32 @!p0 v44, v43;
	_ =	sdelay $0x1  }
0xef: {  	[tilespmem:v46+s26+$0x0] =	vst.idx.msk @!p0 $0xffff, v43  }
0xf0: {  	v43 =	vld.idx.msk @!p0 [tilespmem:v45+s17+$0x0], $0xffff  }
0xf1: {  	v44 =	vld.idx.msk @!p0 [tilespmem:v42+s12+$0x0], $0xffff;
	_ =	sdelay $0x4  }
0xf2: {  	v43 =	vadd.f32 @!p0 v44, v43  }
0xf3: {  	s7 =	sand.u32 $0xFFFFF80, s4  }
0xf4: {  	s5 =	sadd.s32 s0, s7;
	[tilespmem:v42+s26+$0x0] =	vst.idx.msk @!p0 $0xffff, v43  }
0xf5: {  	[tilespmem:s17], [sflag:$0x1] =	stream.strided.gather [hbm4b:s5+s15], $0x2000, s16, s15, $0x38;
	[tilespmem:$0x18100] =	vst v63  }
0xf6: {  	s5 =	sadd.s32 @!p0 $0xFFFFFFF2, s10  }
0xf7: {  	v42 =	vmov @!p0 s5  }
0xf8: {  	s5 =	spop @!p0 (v2sf);
	v43 =	vshll.u32 @!p0 v42, $0x3  }
0xf9: {  	s5 =	sand.u32 @!p0 $0x7F, s5;
	v42 =	vand.u32 @!p0 $0x79, v42;
	v43 =	vand.u32 @!p0 $0xFFFFFC00, v43  }
0xfa: {  	v44 =	vor.u32 @!p0 s5, v0;
	v42 =	vor.u32 @!p0 v42, v43  }
0xfb: {  	v43 =	vadd.s32 @!p0 v1, v42  }
0xfc: {  	_ =	swait.ge @!p0 [sflag:s28], $0x2000  }
0xfd: {  	[sflag:s28] =	ssyncset.done @!p0 $0x0  }
0xfe: {  	[sflag:s28] =	ssyncadd.s32 @!p0 $0xFFFFE000  }
0xff: {  	v44 =	vld.idx.msk @!p0 [tilespmem:v44+s18+$0x0], $0xffff  }
0x100: {  	v45 =	vld.idx.msk @!p0 [tilespmem:v43+s12+$0x0], $0xffff;
	_ =	sdelay $0x2  }
0x101: {  	v46 =	vor.u32 @!p0 s5, v2  }
0x102: {  	v47 =	vadd.s32 @!p0 v3, v42  }
0x103: {  	v44 =	vadd.f32 @!p0 v45, v44;
	_ =	sdelay $0x1  }
0x104: {  	[tilespmem:v43+s26+$0x0] =	vst.idx.msk @!p0 $0xffff, v44  }
0x105: {  	(v2sf) =	vpush v40, $0x1;
	v43 =	vld.idx.msk @!p0 [tilespmem:v46+s18+$0x0], $0xffff  }
0x106: {  	v44 =	vld.idx.msk @!p0 [tilespmem:v47+s12+$0x0], $0xffff;
	_ =	sdelay $0x2  }
0x107: {  	v45 =	vor.u32 @!p0 s5, v4  }
0x108: {  	v46 =	vadd.s32 @!p0 v5, v42  }
0x109: {  	v43 =	vadd.f32 @!p0 v44, v43;
	_ =	sdelay $0x1  }
0x10a: {  	[tilespmem:v47+s26+$0x0] =	vst.idx.msk @!p0 $0xffff, v43  }
0x10b: {  	v43 =	vld.idx.msk @!p0 [tilespmem:v45+s18+$0x0], $0xffff  }
0x10c: {  	v44 =	vld.idx.msk @!p0 [tilespmem:v46+s12+$0x0], $0xffff;
	_ =	sdelay $0x2  }
0x10d: {  	v45 =	vor.u32 @!p0 s5, v6  }
0x10e: {  	v42 =	vadd.s32 @!p0 v7, v42  }
0x10f: {  	s11 =	spop (v2sf);
	(v2sf) =	vpush @!p0 v41, $0xA;
	v43 =	vadd.f32 @!p0 v44, v43;
	_ =	sdelay $0x1  }
0x110: {  	[tilespmem:v46+s26+$0x0] =	vst.idx.msk @!p0 $0xffff, v43  }
0x111: {  	v43 =	vld.idx.msk @!p0 [tilespmem:v45+s18+$0x0], $0xffff  }
0x112: {  	v44 =	vld.idx.msk @!p0 [tilespmem:v42+s12+$0x0], $0xffff;
	_ =	sdelay $0x4  }
0x113: {  	v43 =	vadd.f32 @!p0 v44, v43  }
0x114: {  	s8 =	sand.u32 $0xFFFFF80, s11  }
0x115: {  	s5 =	sadd.s32 s0, s8;
	[tilespmem:v42+s26+$0x0] =	vst.idx.msk @!p0 $0xffff, v43  }
0x116: {  	[tilespmem:s18], [sflag:$0x2] =	stream.strided.gather [hbm4b:s5+s15], $0x2000, s16, s15, $0x38;
	[tilespmem:$0x18100] =	vst v63  }
0x117: {  	s5 =	sadd.s32 @!p0 $0xFFFFFFF3, s10  }
0x118: {  	v42 =	vmov @!p0 s5  }
0x119: {  	s5 =	spop @!p0 (v2sf);
	v43 =	vshll.u32 @!p0 v42, $0x3  }
0x11a: {  	s5 =	sand.u32 @!p0 $0x7F, s5;
	v42 =	vand.u32 @!p0 $0x7A, v42;
	v43 =	vand.u32 @!p0 $0xFFFFFC00, v43  }
0x11b: {  	v44 =	vor.u32 @!p0 s5, v0;
	v42 =	vor.u32 @!p0 v42, v43  }
0x11c: {  	v43 =	vadd.s32 @!p0 v1, v42  }
0x11d: {  	_ =	swait.ge @!p0 [sflag:s29], $0x2000  }
0x11e: {  	[sflag:s29] =	ssyncset.done @!p0 $0x0  }
0x11f: {  	[sflag:s29] =	ssyncadd.s32 @!p0 $0xFFFFE000  }
0x120: {  	v44 =	vld.idx.msk @!p0 [tilespmem:v44+s19+$0x0], $0xffff  }
0x121: {  	v45 =	vld.idx.msk @!p0 [tilespmem:v43+s12+$0x0], $0xffff;
	_ =	sdelay $0x2  }
0x122: {  	v46 =	vor.u32 @!p0 s5, v2  }
0x123: {  	v47 =	vadd.s32 @!p0 v3, v42  }
0x124: {  	v44 =	vadd.f32 @!p0 v45, v44;
	_ =	sdelay $0x1  }
0x125: {  	[tilespmem:v43+s26+$0x0] =	vst.idx.msk @!p0 $0xffff, v44  }
0x126: {  	(v2sf) =	vpush v40, $0x2;
	v43 =	vld.idx.msk @!p0 [tilespmem:v46+s19+$0x0], $0xffff  }
0x127: {  	v44 =	vld.idx.msk @!p0 [tilespmem:v47+s12+$0x0], $0xffff;
	_ =	sdelay $0x2  }
0x128: {  	v45 =	vor.u32 @!p0 s5, v4  }
0x129: {  	v46 =	vadd.s32 @!p0 v5, v42  }
0x12a: {  	v43 =	vadd.f32 @!p0 v44, v43;
	_ =	sdelay $0x1  }
0x12b: {  	[tilespmem:v47+s26+$0x0] =	vst.idx.msk @!p0 $0xffff, v43  }
0x12c: {  	v43 =	vld.idx.msk @!p0 [tilespmem:v45+s19+$0x0], $0xffff  }
0x12d: {  	v44 =	vld.idx.msk @!p0 [tilespmem:v46+s12+$0x0], $0xffff;
	_ =	sdelay $0x2  }
0x12e: {  	v45 =	vor.u32 @!p0 s5, v6  }
0x12f: {  	v42 =	vadd.s32 @!p0 v7, v42  }
0x130: {  	s5 =	spop (v2sf);
	(v2sf) =	vpush @!p0 v41, $0xB;
	v43 =	vadd.f32 @!p0 v44, v43;
	_ =	sdelay $0x1  }
0x131: {  	[tilespmem:v46+s26+$0x0] =	vst.idx.msk @!p0 $0xffff, v43  }
0x132: {  	v43 =	vld.idx.msk @!p0 [tilespmem:v45+s19+$0x0], $0xffff  }
0x133: {  	v44 =	vld.idx.msk @!p0 [tilespmem:v42+s12+$0x0], $0xffff;
	_ =	sdelay $0x4  }
0x134: {  	v43 =	vadd.f32 @!p0 v44, v43  }
0x135: {  	s6 =	sand.u32 $0xFFFFF80, s5  }
0x136: {  	s6 =	sadd.s32 s0, s6;
	[tilespmem:v42+s26+$0x0] =	vst.idx.msk @!p0 $0xffff, v43  }
0x137: {  	[tilespmem:s19], [sflag:$0x3] =	stream.strided.gather [hbm4b:s6+s15], $0x2000, s16, s15, $0x38;
	[tilespmem:$0x18100] =	vst v63  }
0x138: {  	s6 =	sadd.s32 @!p0 $0xFFFFFFF4, s10  }
0x139: {  	v42 =	vmov @!p0 s6  }
0x13a: {  	s6 =	spop @!p0 (v2sf);
	v43 =	vshll.u32 @!p0 v42, $0x3  }
0x13b: {  	s6 =	sand.u32 @!p0 $0x7F, s6;
	v42 =	vand.u32 @!p0 $0x7B, v42;
	v43 =	vand.u32 @!p0 $0xFFFFFC00, v43  }
0x13c: {  	v44 =	vor.u32 @!p0 s6, v0;
	v42 =	vor.u32 @!p0 v42, v43  }
0x13d: {  	v43 =	vadd.s32 @!p0 v1, v42  }
0x13e: {  	_ =	swait.ge @!p0 [sflag:s30], $0x2000  }
0x13f: {  	[sflag:s30] =	ssyncset.done @!p0 $0x0  }
0x140: {  	[sflag:s30] =	ssyncadd.s32 @!p0 $0xFFFFE000  }
0x141: {  	v44 =	vld.idx.msk @!p0 [tilespmem:v44+s20+$0x0], $0xffff  }
0x142: {  	v45 =	vld.idx.msk @!p0 [tilespmem:v43+s12+$0x0], $0xffff;
	_ =	sdelay $0x2  }
0x143: {  	v46 =	vor.u32 @!p0 s6, v2  }
0x144: {  	v47 =	vadd.s32 @!p0 v3, v42  }
0x145: {  	v44 =	vadd.f32 @!p0 v45, v44;
	_ =	sdelay $0x1  }
0x146: {  	[tilespmem:v43+s26+$0x0] =	vst.idx.msk @!p0 $0xffff, v44  }
0x147: {  	(v2sf) =	vpush v40, $0x3;
	v43 =	vld.idx.msk @!p0 [tilespmem:v46+s20+$0x0], $0xffff  }
0x148: {  	v44 =	vld.idx.msk @!p0 [tilespmem:v47+s12+$0x0], $0xffff;
	_ =	sdelay $0x2  }
0x149: {  	v45 =	vor.u32 @!p0 s6, v4  }
0x14a: {  	v46 =	vadd.s32 @!p0 v5, v42  }
0x14b: {  	v43 =	vadd.f32 @!p0 v44, v43;
	_ =	sdelay $0x1  }
0x14c: {  	[tilespmem:v47+s26+$0x0] =	vst.idx.msk @!p0 $0xffff, v43  }
0x14d: {  	v43 =	vld.idx.msk @!p0 [tilespmem:v45+s20+$0x0], $0xffff  }
0x14e: {  	v44 =	vld.idx.msk @!p0 [tilespmem:v46+s12+$0x0], $0xffff;
	_ =	sdelay $0x2  }
0x14f: {  	v45 =	vor.u32 @!p0 s6, v6  }
0x150: {  	v42 =	vadd.s32 @!p0 v7, v42  }
0x151: {  	s6 =	spop (v2sf);
	(v2sf) =	vpush @!p0 v41, $0xC;
	v43 =	vadd.f32 @!p0 v44, v43;
	_ =	sdelay $0x1  }
0x152: {  	[tilespmem:v46+s26+$0x0] =	vst.idx.msk @!p0 $0xffff, v43  }
0x153: {  	v43 =	vld.idx.msk @!p0 [tilespmem:v45+s20+$0x0], $0xffff  }
0x154: {  	v44 =	vld.idx.msk @!p0 [tilespmem:v42+s12+$0x0], $0xffff;
	_ =	sdelay $0x4  }
0x155: {  	v43 =	vadd.f32 @!p0 v44, v43  }
0x156: {  	s7 =	sand.u32 $0xFFFFF80, s6  }
0x157: {  	s7 =	sadd.s32 s0, s7;
	[tilespmem:v42+s26+$0x0] =	vst.idx.msk @!p0 $0xffff, v43  }
0x158: {  	[tilespmem:s20], [sflag:$0x4] =	stream.strided.gather [hbm4b:s7+s15], $0x2000, s16, s15, $0x38;
	[tilespmem:$0x18100] =	vst v63  }
0x159: {  	s7 =	sadd.s32 @!p0 $0xFFFFFFF5, s10  }
0x15a: {  	v42 =	vmov @!p0 s7  }
0x15b: {  	s7 =	spop @!p0 (v2sf);
	v43 =	vshll.u32 @!p0 v42, $0x3  }
0x15c: {  	s7 =	sand.u32 @!p0 $0x7F, s7;
	v42 =	vand.u32 @!p0 $0x7C, v42;
	v43 =	vand.u32 @!p0 $0xFFFFFC00, v43  }
0x15d: {  	v44 =	vor.u32 @!p0 s7, v0;
	v42 =	vor.u32 @!p0 v42, v43  }
0x15e: {  	v43 =	vadd.s32 @!p0 v1, v42  }
0x15f: {  	_ =	swait.ge @!p0 [sflag:s31], $0x2000  }
0x160: {  	[sflag:s31] =	ssyncset.done @!p0 $0x0  }
0x161: {  	[sflag:s31] =	ssyncadd.s32 @!p0 $0xFFFFE000  }
0x162: {  	v44 =	vld.idx.msk @!p0 [tilespmem:v44+s21+$0x0], $0xffff  }
0x163: {  	v45 =	vld.idx.msk @!p0 [tilespmem:v43+s12+$0x0], $0xffff;
	_ =	sdelay $0x2  }
0x164: {  	v46 =	vor.u32 @!p0 s7, v2  }
0x165: {  	v47 =	vadd.s32 @!p0 v3, v42  }
0x166: {  	v44 =	vadd.f32 @!p0 v45, v44;
	_ =	sdelay $0x1  }
0x167: {  	[tilespmem:v43+s26+$0x0] =	vst.idx.msk @!p0 $0xffff, v44  }
0x168: {  	(v2sf) =	vpush v40, $0x4;
	v43 =	vld.idx.msk @!p0 [tilespmem:v46+s21+$0x0], $0xffff  }
0x169: {  	v44 =	vld.idx.msk @!p0 [tilespmem:v47+s12+$0x0], $0xffff;
	_ =	sdelay $0x2  }
0x16a: {  	v45 =	vor.u32 @!p0 s7, v4  }
0x16b: {  	v46 =	vadd.s32 @!p0 v5, v42  }
0x16c: {  	v43 =	vadd.f32 @!p0 v44, v43;
	_ =	sdelay $0x1  }
0x16d: {  	[tilespmem:v47+s26+$0x0] =	vst.idx.msk @!p0 $0xffff, v43  }
0x16e: {  	v43 =	vld.idx.msk @!p0 [tilespmem:v45+s21+$0x0], $0xffff  }
0x16f: {  	v44 =	vld.idx.msk @!p0 [tilespmem:v46+s12+$0x0], $0xffff;
	_ =	sdelay $0x2  }
0x170: {  	v45 =	vor.u32 @!p0 s7, v6  }
0x171: {  	v42 =	vadd.s32 @!p0 v7, v42  }
0x172: {  	s7 =	spop (v2sf);
	(v2sf) =	vpush @!p0 v41, $0xD;
	v43 =	vadd.f32 @!p0 v44, v43;
	_ =	sdelay $0x1  }
0x173: {  	[tilespmem:v46+s26+$0x0] =	vst.idx.msk @!p0 $0xffff, v43  }
0x174: {  	v43 =	vld.idx.msk @!p0 [tilespmem:v45+s21+$0x0], $0xffff  }
0x175: {  	v44 =	vld.idx.msk @!p0 [tilespmem:v42+s12+$0x0], $0xffff;
	_ =	sdelay $0x4  }
0x176: {  	v43 =	vadd.f32 @!p0 v44, v43  }
0x177: {  	s8 =	sand.u32 $0xFFFFF80, s7  }
0x178: {  	s8 =	sadd.s32 s0, s8;
	[tilespmem:v42+s26+$0x0] =	vst.idx.msk @!p0 $0xffff, v43  }
0x179: {  	[tilespmem:s21], [sflag:$0x5] =	stream.strided.gather [hbm4b:s8+s15], $0x2000, s16, s15, $0x38;
	[tilespmem:$0x18100] =	vst v63  }
0x17a: {  	s8 =	sadd.s32 @!p0 $0xFFFFFFF6, s10  }
0x17b: {  	v42 =	vmov @!p0 s8  }
0x17c: {  	s8 =	spop @!p0 (v2sf);
	v43 =	vshll.u32 @!p0 v42, $0x3  }
0x17d: {  	s8 =	sand.u32 @!p0 $0x7F, s8;
	v42 =	vand.u32 @!p0 $0x7D, v42;
	v43 =	vand.u32 @!p0 $0xFFFFFC00, v43  }
0x17e: {  	v44 =	vor.u32 @!p0 s8, v0;
	v42 =	vor.u32 @!p0 v42, v43  }
0x17f: {  	v43 =	vadd.s32 @!p0 v1, v42  }
0x180: {  	_ =	swait.ge @!p0 [sflag:s1], $0x2000  }
0x181: {  	[sflag:s1] =	ssyncset.done @!p0 $0x0  }
0x182: {  	[sflag:s1] =	ssyncadd.s32 @!p0 $0xFFFFE000  }
0x183: {  	v44 =	vld.idx.msk @!p0 [tilespmem:v44+s22+$0x0], $0xffff  }
0x184: {  	v45 =	vld.idx.msk @!p0 [tilespmem:v43+s12+$0x0], $0xffff;
	_ =	sdelay $0x2  }
0x185: {  	v46 =	vor.u32 @!p0 s8, v2  }
0x186: {  	v47 =	vadd.s32 @!p0 v3, v42  }
0x187: {  	v44 =	vadd.f32 @!p0 v45, v44;
	_ =	sdelay $0x1  }
0x188: {  	[tilespmem:v43+s26+$0x0] =	vst.idx.msk @!p0 $0xffff, v44  }
0x189: {  	(v2sf) =	vpush v40, $0x5;
	v43 =	vld.idx.msk @!p0 [tilespmem:v46+s22+$0x0], $0xffff  }
0x18a: {  	v44 =	vld.idx.msk @!p0 [tilespmem:v47+s12+$0x0], $0xffff;
	_ =	sdelay $0x2  }
0x18b: {  	v45 =	vor.u32 @!p0 s8, v4  }
0x18c: {  	v46 =	vadd.s32 @!p0 v5, v42  }
0x18d: {  	v43 =	vadd.f32 @!p0 v44, v43;
	_ =	sdelay $0x1  }
0x18e: {  	[tilespmem:v47+s26+$0x0] =	vst.idx.msk @!p0 $0xffff, v43  }
0x18f: {  	v43 =	vld.idx.msk @!p0 [tilespmem:v45+s22+$0x0], $0xffff  }
0x190: {  	v44 =	vld.idx.msk @!p0 [tilespmem:v46+s12+$0x0], $0xffff;
	_ =	sdelay $0x2  }
0x191: {  	v45 =	vor.u32 @!p0 s8, v6  }
0x192: {  	v42 =	vadd.s32 @!p0 v7, v42  }
0x193: {  	s13 =	spop (v2sf);
	(v2sf) =	vpush @!p0 v41, $0xE;
	v43 =	vadd.f32 @!p0 v44, v43;
	_ =	sdelay $0x1  }
0x194: {  	[tilespmem:v46+s26+$0x0] =	vst.idx.msk @!p0 $0xffff, v43  }
0x195: {  	v43 =	vld.idx.msk @!p0 [tilespmem:v45+s22+$0x0], $0xffff  }
0x196: {  	v44 =	vld.idx.msk @!p0 [tilespmem:v42+s12+$0x0], $0xffff;
	_ =	sdelay $0x4  }
0x197: {  	v43 =	vadd.f32 @!p0 v44, v43  }
0x198: {  	s9 =	sand.u32 $0xFFFFF80, s13  }
0x199: {  	s8 =	sadd.s32 s0, s9;
	[tilespmem:v42+s26+$0x0] =	vst.idx.msk @!p0 $0xffff, v43  }
0x19a: {  	[tilespmem:s22], [sflag:$0x6] =	stream.strided.gather [hbm4b:s8+s15], $0x2000, s16, s15, $0x38;
	[tilespmem:$0x18100] =	vst v63  }
0x19b: {  	s8 =	sadd.s32 @!p0 $0xFFFFFFF7, s10  }
0x19c: {  	v42 =	vmov @!p0 s8  }
0x19d: {  	s8 =	spop @!p0 (v2sf);
	v43 =	vshll.u32 @!p0 v42, $0x3  }
0x19e: {  	s8 =	sand.u32 @!p0 $0x7F, s8;
	v42 =	vand.u32 @!p0 $0x7E, v42;
	v43 =	vand.u32 @!p0 $0xFFFFFC00, v43  }
0x19f: {  	v44 =	vor.u32 @!p0 s8, v0;
	v42 =	vor.u32 @!p0 v42, v43  }
0x1a0: {  	v43 =	vadd.s32 @!p0 v1, v42  }
0x1a1: {  	_ =	swait.ge @!p0 [sflag:s3], $0x2000  }
0x1a2: {  	[sflag:s3] =	ssyncset.done @!p0 $0x0  }
0x1a3: {  	[sflag:s3] =	ssyncadd.s32 @!p0 $0xFFFFE000  }
0x1a4: {  	v44 =	vld.idx.msk @!p0 [tilespmem:v44+s23+$0x0], $0xffff  }
0x1a5: {  	v45 =	vld.idx.msk @!p0 [tilespmem:v43+s12+$0x0], $0xffff;
	_ =	sdelay $0x2  }
0x1a6: {  	v46 =	vor.u32 @!p0 s8, v2  }
0x1a7: {  	v47 =	vadd.s32 @!p0 v3, v42  }
0x1a8: {  	v44 =	vadd.f32 @!p0 v45, v44;
	_ =	sdelay $0x1  }
0x1a9: {  	[tilespmem:v43+s26+$0x0] =	vst.idx.msk @!p0 $0xffff, v44  }
0x1aa: {  	(v2sf) =	vpush v40, $0x6;
	v43 =	vld.idx.msk @!p0 [tilespmem:v46+s23+$0x0], $0xffff  }
0x1ab: {  	v44 =	vld.idx.msk @!p0 [tilespmem:v47+s12+$0x0], $0xffff;
	_ =	sdelay $0x2  }
0x1ac: {  	v45 =	vor.u32 @!p0 s8, v4  }
0x1ad: {  	v46 =	vadd.s32 @!p0 v5, v42  }
0x1ae: {  	v43 =	vadd.f32 @!p0 v44, v43;
	_ =	sdelay $0x1  }
0x1af: {  	[tilespmem:v47+s26+$0x0] =	vst.idx.msk @!p0 $0xffff, v43  }
0x1b0: {  	v43 =	vld.idx.msk @!p0 [tilespmem:v45+s23+$0x0], $0xffff  }
0x1b1: {  	v44 =	vld.idx.msk @!p0 [tilespmem:v46+s12+$0x0], $0xffff;
	_ =	sdelay $0x2  }
0x1b2: {  	v45 =	vor.u32 @!p0 s8, v6  }
0x1b3: {  	v42 =	vadd.s32 @!p0 v7, v42  }
0x1b4: {  	s9 =	spop (v2sf);
	(v2sf) =	vpush @!p0 v41, $0xF;
	v43 =	vadd.f32 @!p0 v44, v43;
	_ =	sdelay $0x1  }
0x1b5: {  	[tilespmem:v46+s26+$0x0] =	vst.idx.msk @!p0 $0xffff, v43  }
0x1b6: {  	v43 =	vld.idx.msk @!p0 [tilespmem:v45+s23+$0x0], $0xffff  }
0x1b7: {  	v44 =	vld.idx.msk @!p0 [tilespmem:v42+s12+$0x0], $0xffff;
	_ =	sdelay $0x4  }
0x1b8: {  	v43 =	vadd.f32 @!p0 v44, v43  }
0x1b9: {  	s25 =	sand.u32 $0xFFFFF80, s9  }
0x1ba: {  	s8 =	sadd.s32 s0, s25;
	[tilespmem:v42+s26+$0x0] =	vst.idx.msk @!p0 $0xffff, v43  }
0x1bb: {  	[tilespmem:s23], [sflag:$0x7] =	stream.strided.gather [hbm4b:s8+s15], $0x2000, s16, s15, $0x38;
	[tilespmem:$0x18100] =	vst v63  }
0x1bc: {  	s8 =	sadd.s32 @!p0 $0xFFFFFFF8, s10  }
0x1bd: {  	v41 =	vmov @!p0 s8  }
0x1be: {  	s8 =	spop @!p0 (v2sf);
	v42 =	vshll.u32 @!p0 v41, $0x3  }
0x1bf: {  	s8 =	sand.u32 @!p0 $0x7F, s8;
	v41 =	vand.u32 @!p0 $0x7F, v41;
	v42 =	vand.u32 @!p0 $0xFFFFFC00, v42  }
0x1c0: {  	v43 =	vor.u32 @!p0 s8, v0;
	v41 =	vor.u32 @!p0 v41, v42  }
0x1c1: {  	v42 =	vadd.s32 @!p0 v1, v41  }
0x1c2: {  	_ =	swait.ge @!p0 [sflag:s2], $0x2000  }
0x1c3: {  	[sflag:s2] =	ssyncset.done @!p0 $0x0  }
0x1c4: {  	[sflag:s2] =	ssyncadd.s32 @!p0 $0xFFFFE000  }
0x1c5: {  	v43 =	vld.idx.msk @!p0 [tilespmem:v43+s24+$0x0], $0xffff  }
0x1c6: {  	v44 =	vld.idx.msk @!p0 [tilespmem:v42+s12+$0x0], $0xffff;
	_ =	sdelay $0x2  }
0x1c7: {  	v45 =	vor.u32 @!p0 s8, v2  }
0x1c8: {  	v46 =	vadd.s32 @!p0 v3, v41  }
0x1c9: {  	v43 =	vadd.f32 @!p0 v44, v43;
	_ =	sdelay $0x1  }
0x1ca: {  	[tilespmem:v42+s26+$0x0] =	vst.idx.msk @!p0 $0xffff, v43  }
0x1cb: {  	v42 =	vld.idx.msk @!p0 [tilespmem:v45+s24+$0x0], $0xffff  }
0x1cc: {  	v43 =	vld.idx.msk @!p0 [tilespmem:v46+s12+$0x0], $0xffff;
	_ =	sdelay $0x2  }
0x1cd: {  	v44 =	vor.u32 @!p0 s8, v4  }
0x1ce: {  	v45 =	vadd.s32 @!p0 v5, v41  }
0x1cf: {  	v42 =	vadd.f32 @!p0 v43, v42;
	_ =	sdelay $0x1  }
0x1d0: {  	[tilespmem:v46+s26+$0x0] =	vst.idx.msk @!p0 $0xffff, v42  }
0x1d1: {  	(v2sf) =	vpush v40, $0x7;
	v42 =	vld.idx.msk @!p0 [tilespmem:v44+s24+$0x0], $0xffff  }
0x1d2: {  	v43 =	vld.idx.msk @!p0 [tilespmem:v45+s12+$0x0], $0xffff;
	_ =	sdelay $0x2  }
0x1d3: {  	v44 =	vor.u32 @!p0 s8, v6  }
0x1d4: {  	v41 =	vadd.s32 @!p0 v7, v41  }
0x1d5: {  	v42 =	vadd.f32 @!p0 v43, v42;
	_ =	sdelay $0x1  }
0x1d6: {  	[tilespmem:v45+s26+$0x0] =	vst.idx.msk @!p0 $0xffff, v42  }
0x1d7: {  	v42 =	vld.idx.msk @!p0 [tilespmem:v44+s24+$0x0], $0xffff  }
0x1d8: {  	v43 =	vld.idx.msk @!p0 [tilespmem:v41+s12+$0x0], $0xffff;
	_ =	sdelay $0x3  }
0x1d9: {  	s25 =	sadd.s32 $0xFFFFFFF9, s10  }
0x1da: {  	v49 =	vmov s25;
	s8 =	spop (v2sf);
	v42 =	vadd.f32 @!p0 v43, v42  }
0x1db: {  	v50 =	vshll.u32 v49, $0x3;
	s25 =	sand.u32 $0xFFFFF80, s8  }
0x1dc: {  	s4 =	sand.u32 $0x7F, s4;
	s25 =	sadd.s32 s0, s25;
	[tilespmem:v41+s26+$0x0] =	vst.idx.msk @!p0 $0xffff, v42;
	v41 =	vand.u32 $0x70, v49;
	v42 =	vand.u32 $0x400, v50  }
0x1dd: {  	v51 =	vor.u32 s4, v0;
	v41 =	vor.u32 v41, v42;
	[tilespmem:s24], [sflag:$0x8] =	stream.strided.gather [hbm4b:s25+s15], $0x2000, s16, s15, $0x38;
	[tilespmem:$0x18100] =	vst v63  }
0x1de: {  	s25 =	simm.s32 $0x1;
	v42 =	vor.u32 v1, v41  }
0x1df: {  	_ =	swait.ge [sflag:s25], $0x2000  }
0x1e0: {  	[sflag:s25] =	ssyncset.done $0x0  }
0x1e1: {  	[sflag:s25] =	ssyncadd.s32 $0xFFFFE000  }
0x1e2: {  	v43 =	vld.idx.msk [tilespmem:v51+s17+$0x0], $0xffff  }
0x1e3: {  	v52 =	vld.idx.msk [tilespmem:v42+s12+$0x0], $0xffff;
	_ =	sdelay $0x2  }
0x1e4: {  	v53 =	vor.u32 s4, v2  }
0x1e5: {  	v54 =	vor.u32 v3, v41  }
0x1e6: {  	v43 =	vadd.f32 v52, v43;
	_ =	sdelay $0x1  }
0x1e7: {  	[tilespmem:v42+s26+$0x0] =	vst.idx.msk $0xffff, v43  }
0x1e8: {  	v42 =	vld.idx.msk [tilespmem:v53+s17+$0x0], $0xffff  }
0x1e9: {  	v43 =	vld.idx.msk [tilespmem:v54+s12+$0x0], $0xffff;
	_ =	sdelay $0x2  }
0x1ea: {  	v55 =	vor.u32 s4, v4  }
0x1eb: {  	v56 =	vor.u32 v5, v41  }
0x1ec: {  	v42 =	vadd.f32 v43, v42;
	_ =	sdelay $0x1  }
0x1ed: {  	[tilespmem:v54+s26+$0x0] =	vst.idx.msk $0xffff, v42  }
0x1ee: {  	(v2sf) =	vpush v40, $0x8;
	v42 =	vld.idx.msk [tilespmem:v55+s17+$0x0], $0xffff  }
0x1ef: {  	v57 =	vld.idx.msk [tilespmem:v56+s12+$0x0], $0xffff;
	_ =	sdelay $0x2  }
0x1f0: {  	v58 =	vor.u32 s4, v6  }
0x1f1: {  	v41 =	vor.u32 v7, v41  }
0x1f2: {  	v42 =	vadd.f32 v57, v42;
	_ =	sdelay $0x1  }
0x1f3: {  	[tilespmem:v56+s26+$0x0] =	vst.idx.msk $0xffff, v42  }
0x1f4: {  	v42 =	vld.idx.msk [tilespmem:v58+s17+$0x0], $0xffff  }
0x1f5: {  	v59 =	vld.idx.msk [tilespmem:v41+s12+$0x0], $0xffff;
	_ =	sdelay $0x2  }
0x1f6: {  	s25 =	sadd.s32 $0xFFFFFFFA, s10  }
0x1f7: {  	v60 =	vmov s25  }
0x1f8: {  	v61 =	vshll.u32 v60, $0x3;
	s4 =	spop (v2sf);
	v42 =	vadd.f32 v59, v42  }
0x1f9: {  	s11 =	sand.u32 $0x7F, s11;
	v44 =	vand.u32 $0x71, v60;
	s25 =	sand.u32 $0xFFFFF80, s4;
	v43 =	vand.u32 $0x400, v61  }
0x1fa: {  	v62 =	vor.u32 s11, v0;
	s25 =	sadd.s32 s0, s25;
	v63 =	vor.u32 v44, v43;
	[tilespmem:v41+s26+$0x0] =	vst.idx.msk $0xffff, v42  }
0x1fb: {  	v43 =	vor.u32 v1, v63;
	[tilespmem:s17], [sflag:$0x1] =	stream.strided.gather [hbm4b:s25+s15], $0x2000, s16, s15, $0x38;
	[tilespmem:$0x18100] =	vst v63  }
0x1fc: {  	_ =	swait.ge [sflag:s28], $0x2000  }
0x1fd: {  	[sflag:s28] =	ssyncset.done $0x0  }
0x1fe: {  	[sflag:s28] =	ssyncadd.s32 $0xFFFFE000  }
0x1ff: {  	v41 =	vld.idx.msk [tilespmem:v62+s18+$0x0], $0xffff  }
0x200: {  	v48 =	vld.idx.msk [tilespmem:v43+s12+$0x0], $0xffff;
	_ =	sdelay $0x2  }
0x201: {  	v49 =	vor.u32 s11, v2  }
0x202: {  	v50 =	vor.u32 v3, v63  }
0x203: {  	v41 =	vadd.f32 v48, v41;
	_ =	sdelay $0x1  }
0x204: {  	[tilespmem:v43+s26+$0x0] =	vst.idx.msk $0xffff, v41  }
0x205: {  	v41 =	vld.idx.msk [tilespmem:v49+s18+$0x0], $0xffff  }
0x206: {  	v43 =	vld.idx.msk [tilespmem:v50+s12+$0x0], $0xffff;
	_ =	sdelay $0x2  }
0x207: {  	v51 =	vor.u32 s11, v4  }
0x208: {  	v52 =	vor.u32 v5, v63  }
0x209: {  	v41 =	vadd.f32 v43, v41;
	_ =	sdelay $0x1  }
0x20a: {  	[tilespmem:v50+s26+$0x0] =	vst.idx.msk $0xffff, v41  }
0x20b: {  	(v2sf) =	vpush v40, $0x9;
	v41 =	vld.idx.msk [tilespmem:v51+s18+$0x0], $0xffff  }
0x20c: {  	v53 =	vld.idx.msk [tilespmem:v52+s12+$0x0], $0xffff;
	_ =	sdelay $0x2  }
0x20d: {  	v54 =	vor.u32 s11, v6  }
0x20e: {  	v42 =	vor.u32 v7, v63  }
0x20f: {  	v41 =	vadd.f32 v53, v41;
	_ =	sdelay $0x1  }
0x210: {  	[tilespmem:v52+s26+$0x0] =	vst.idx.msk $0xffff, v41  }
0x211: {  	v41 =	vld.idx.msk [tilespmem:v54+s18+$0x0], $0xffff  }
0x212: {  	v55 =	vld.idx.msk [tilespmem:v42+s12+$0x0], $0xffff;
	_ =	sdelay $0x2  }
0x213: {  	s25 =	sadd.s32 $0xFFFFFFFB, s10  }
0x214: {  	v56 =	vmov s25  }
0x215: {  	v57 =	vshll.u32 v56, $0x3;
	s11 =	spop (v2sf);
	v41 =	vadd.f32 v55, v41  }
0x216: {  	s5 =	sand.u32 $0x7F, s5;
	v44 =	vand.u32 $0x72, v56;
	v43 =	vand.u32 $0x400, v57;
	s25 =	sand.u32 $0xFFFFF80, s11  }
0x217: {  	v58 =	vor.u32 s5, v0;
	v59 =	vor.u32 v44, v43;
	s25 =	sadd.s32 s0, s25;
	[tilespmem:v42+s26+$0x0] =	vst.idx.msk $0xffff, v41  }
0x218: {  	v43 =	vor.u32 v1, v59;
	[tilespmem:s18], [sflag:$0x2] =	stream.strided.gather [hbm4b:s25+s15], $0x2000, s16, s15, $0x38;
	[tilespmem:$0x18100] =	vst v63  }
0x219: {  	_ =	swait.ge [sflag:s29], $0x2000  }
0x21a: {  	[sflag:s29] =	ssyncset.done $0x0  }
0x21b: {  	[sflag:s29] =	ssyncadd.s32 $0xFFFFE000  }
0x21c: {  	v41 =	vld.idx.msk [tilespmem:v58+s19+$0x0], $0xffff  }
0x21d: {  	v60 =	vld.idx.msk [tilespmem:v43+s12+$0x0], $0xffff;
	_ =	sdelay $0x2  }
0x21e: {  	v61 =	vor.u32 s5, v2  }
0x21f: {  	v62 =	vor.u32 v3, v59  }
0x220: {  	v41 =	vadd.f32 v60, v41;
	_ =	sdelay $0x1  }
0x221: {  	[tilespmem:v43+s26+$0x0] =	vst.idx.msk $0xffff, v41  }
0x222: {  	v41 =	vld.idx.msk [tilespmem:v61+s19+$0x0], $0xffff  }
0x223: {  	v43 =	vld.idx.msk [tilespmem:v62+s12+$0x0], $0xffff;
	_ =	sdelay $0x2  }
0x224: {  	v63 =	vor.u32 s5, v4  }
0x225: {  	v48 =	vor.u32 v5, v59  }
0x226: {  	v41 =	vadd.f32 v43, v41;
	_ =	sdelay $0x1  }
0x227: {  	[tilespmem:v62+s26+$0x0] =	vst.idx.msk $0xffff, v41  }
0x228: {  	(v2sf) =	vpush v40, $0xA;
	v41 =	vld.idx.msk [tilespmem:v63+s19+$0x0], $0xffff  }
0x229: {  	v49 =	vld.idx.msk [tilespmem:v48+s12+$0x0], $0xffff;
	_ =	sdelay $0x2  }
0x22a: {  	v50 =	vor.u32 s5, v6  }
0x22b: {  	v42 =	vor.u32 v7, v59  }
0x22c: {  	v41 =	vadd.f32 v49, v41;
	_ =	sdelay $0x1  }
0x22d: {  	[tilespmem:v48+s26+$0x0] =	vst.idx.msk $0xffff, v41  }
0x22e: {  	v41 =	vld.idx.msk [tilespmem:v50+s19+$0x0], $0xffff  }
0x22f: {  	v51 =	vld.idx.msk [tilespmem:v42+s12+$0x0], $0xffff;
	_ =	sdelay $0x2  }
0x230: {  	s25 =	sadd.s32 $0xFFFFFFFC, s10  }
0x231: {  	v52 =	vmov s25  }
0x232: {  	v53 =	vshll.u32 v52, $0x3;
	s5 =	spop (v2sf);
	v41 =	vadd.f32 v51, v41  }
0x233: {  	s6 =	sand.u32 $0x7F, s6;
	v44 =	vand.u32 $0x73, v52;
	v43 =	vand.u32 $0x400, v53;
	s25 =	sand.u32 $0xFFFFF80, s5  }
0x234: {  	v54 =	vor.u32 s6, v0;
	v55 =	vor.u32 v44, v43;
	s25 =	sadd.s32 s0, s25;
	[tilespmem:v42+s26+$0x0] =	vst.idx.msk $0xffff, v41  }
0x235: {  	v43 =	vor.u32 v1, v55;
	[tilespmem:s19], [sflag:$0x3] =	stream.strided.gather [hbm4b:s25+s15], $0x2000, s16, s15, $0x38;
	[tilespmem:$0x18100] =	vst v63  }
0x236: {  	_ =	swait.ge [sflag:s30], $0x2000  }
0x237: {  	[sflag:s30] =	ssyncset.done $0x0  }
0x238: {  	[sflag:s30] =	ssyncadd.s32 $0xFFFFE000  }
0x239: {  	v41 =	vld.idx.msk [tilespmem:v54+s20+$0x0], $0xffff  }
0x23a: {  	v56 =	vld.idx.msk [tilespmem:v43+s12+$0x0], $0xffff;
	_ =	sdelay $0x2  }
0x23b: {  	v57 =	vor.u32 s6, v2  }
0x23c: {  	v58 =	vor.u32 v3, v55  }
0x23d: {  	v41 =	vadd.f32 v56, v41;
	_ =	sdelay $0x1  }
0x23e: {  	[tilespmem:v43+s26+$0x0] =	vst.idx.msk $0xffff, v41  }
0x23f: {  	v41 =	vld.idx.msk [tilespmem:v57+s20+$0x0], $0xffff  }
0x240: {  	v43 =	vld.idx.msk [tilespmem:v58+s12+$0x0], $0xffff;
	_ =	sdelay $0x2  }
0x241: {  	v59 =	vor.u32 s6, v4  }
0x242: {  	v60 =	vor.u32 v5, v55  }
0x243: {  	v41 =	vadd.f32 v43, v41;
	_ =	sdelay $0x1  }
0x244: {  	[tilespmem:v58+s26+$0x0] =	vst.idx.msk $0xffff, v41  }
0x245: {  	(v2sf) =	vpush v40, $0xB;
	v41 =	vld.idx.msk [tilespmem:v59+s20+$0x0], $0xffff  }
0x246: {  	v61 =	vld.idx.msk [tilespmem:v60+s12+$0x0], $0xffff;
	_ =	sdelay $0x2  }
0x247: {  	v62 =	vor.u32 s6, v6  }
0x248: {  	v42 =	vor.u32 v7, v55  }
0x249: {  	v41 =	vadd.f32 v61, v41;
	_ =	sdelay $0x1  }
0x24a: {  	[tilespmem:v60+s26+$0x0] =	vst.idx.msk $0xffff, v41  }
0x24b: {  	v41 =	vld.idx.msk [tilespmem:v62+s20+$0x0], $0xffff  }
0x24c: {  	v63 =	vld.idx.msk [tilespmem:v42+s12+$0x0], $0xffff;
	_ =	sdelay $0x2  }
0x24d: {  	s25 =	sadd.s32 $0xFFFFFFFD, s10  }
0x24e: {  	v48 =	vmov s25  }
0x24f: {  	v49 =	vshll.u32 v48, $0x3;
	s6 =	spop (v2sf);
	v41 =	vadd.f32 v63, v41  }
0x250: {  	s7 =	sand.u32 $0x7F, s7;
	v44 =	vand.u32 $0x74, v48;
	v43 =	vand.u32 $0x400, v49;
	s25 =	sand.u32 $0xFFFFF80, s6  }
0x251: {  	v50 =	vor.u32 s7, v0;
	v51 =	vor.u32 v44, v43;
	s25 =	sadd.s32 s0, s25;
	[tilespmem:v42+s26+$0x0] =	vst.idx.msk $0xffff, v41  }
0x252: {  	v43 =	vor.u32 v1, v51;
	[tilespmem:s20], [sflag:$0x4] =	stream.strided.gather [hbm4b:s25+s15], $0x2000, s16, s15, $0x38;
	[tilespmem:$0x18100] =	vst v63  }
0x253: {  	_ =	swait.ge [sflag:s31], $0x2000  }
0x254: {  	[sflag:s31] =	ssyncset.done $0x0  }
0x255: {  	[sflag:s31] =	ssyncadd.s32 $0xFFFFE000  }
0x256: {  	v41 =	vld.idx.msk [tilespmem:v50+s21+$0x0], $0xffff  }
0x257: {  	v52 =	vld.idx.msk [tilespmem:v43+s12+$0x0], $0xffff;
	_ =	sdelay $0x2  }
0x258: {  	v53 =	vor.u32 s7, v2  }
0x259: {  	v54 =	vor.u32 v3, v51  }
0x25a: {  	v41 =	vadd.f32 v52, v41;
	_ =	sdelay $0x1  }
0x25b: {  	[tilespmem:v43+s26+$0x0] =	vst.idx.msk $0xffff, v41  }
0x25c: {  	v41 =	vld.idx.msk [tilespmem:v53+s21+$0x0], $0xffff  }
0x25d: {  	v43 =	vld.idx.msk [tilespmem:v54+s12+$0x0], $0xffff;
	_ =	sdelay $0x2  }
0x25e: {  	v55 =	vor.u32 s7, v4  }
0x25f: {  	v56 =	vor.u32 v5, v51  }
0x260: {  	v41 =	vadd.f32 v43, v41;
	_ =	sdelay $0x1  }
0x261: {  	[tilespmem:v54+s26+$0x0] =	vst.idx.msk $0xffff, v41  }
0x262: {  	(v2sf) =	vpush v40, $0xC;
	v41 =	vld.idx.msk [tilespmem:v55+s21+$0x0], $0xffff  }
0x263: {  	v57 =	vld.idx.msk [tilespmem:v56+s12+$0x0], $0xffff;
	_ =	sdelay $0x2  }
0x264: {  	v58 =	vor.u32 s7, v6  }
0x265: {  	v42 =	vor.u32 v7, v51  }
0x266: {  	v41 =	vadd.f32 v57, v41;
	_ =	sdelay $0x1  }
0x267: {  	[tilespmem:v56+s26+$0x0] =	vst.idx.msk $0xffff, v41  }
0x268: {  	v41 =	vld.idx.msk [tilespmem:v58+s21+$0x0], $0xffff  }
0x269: {  	v59 =	vld.idx.msk [tilespmem:v42+s12+$0x0], $0xffff;
	_ =	sdelay $0x2  }
0x26a: {  	s25 =	sadd.s32 $0xFFFFFFFE, s10  }
0x26b: {  	v60 =	vmov s25  }
0x26c: {  	v61 =	vshll.u32 v60, $0x3;
	s7 =	spop (v2sf);
	v41 =	vadd.f32 v59, v41  }
0x26d: {  	s13 =	sand.u32 $0x7F, s13;
	v44 =	vand.u32 $0x75, v60;
	v43 =	vand.u32 $0x400, v61;
	s25 =	sand.u32 $0xFFFFF80, s7  }
0x26e: {  	v62 =	vor.u32 s13, v0;
	v63 =	vor.u32 v44, v43;
	s25 =	sadd.s32 s0, s25;
	[tilespmem:v42+s26+$0x0] =	vst.idx.msk $0xffff, v41  }
0x26f: {  	v43 =	vor.u32 v1, v63;
	[tilespmem:s21], [sflag:$0x5] =	stream.strided.gather [hbm4b:s25+s15], $0x2000, s16, s15, $0x38;
	[tilespmem:$0x18100] =	vst v63  }
0x270: {  	_ =	swait.ge [sflag:s1], $0x2000  }
0x271: {  	[sflag:s1] =	ssyncset.done $0x0  }
0x272: {  	[sflag:s1] =	ssyncadd.s32 $0xFFFFE000  }
0x273: {  	v41 =	vld.idx.msk [tilespmem:v62+s22+$0x0], $0xffff  }
0x274: {  	v48 =	vld.idx.msk [tilespmem:v43+s12+$0x0], $0xffff;
	_ =	sdelay $0x2  }
0x275: {  	v49 =	vor.u32 s13, v2  }
0x276: {  	v50 =	vor.u32 v3, v63  }
0x277: {  	v41 =	vadd.f32 v48, v41;
	_ =	sdelay $0x1  }
0x278: {  	[tilespmem:v43+s26+$0x0] =	vst.idx.msk $0xffff, v41  }
0x279: {  	v41 =	vld.idx.msk [tilespmem:v49+s22+$0x0], $0xffff  }
0x27a: {  	v43 =	vld.idx.msk [tilespmem:v50+s12+$0x0], $0xffff;
	_ =	sdelay $0x2  }
0x27b: {  	v51 =	vor.u32 s13, v4  }
0x27c: {  	v52 =	vor.u32 v5, v63  }
0x27d: {  	v41 =	vadd.f32 v43, v41;
	_ =	sdelay $0x1  }
0x27e: {  	[tilespmem:v50+s26+$0x0] =	vst.idx.msk $0xffff, v41  }
0x27f: {  	(v2sf) =	vpush v40, $0xD;
	v41 =	vld.idx.msk [tilespmem:v51+s22+$0x0], $0xffff  }
0x280: {  	v53 =	vld.idx.msk [tilespmem:v52+s12+$0x0], $0xffff;
	_ =	sdelay $0x2  }
0x281: {  	v54 =	vor.u32 s13, v6  }
0x282: {  	v42 =	vor.u32 v7, v63  }
0x283: {  	v41 =	vadd.f32 v53, v41;
	_ =	sdelay $0x1  }
0x284: {  	[tilespmem:v52+s26+$0x0] =	vst.idx.msk $0xffff, v41  }
0x285: {  	v41 =	vld.idx.msk [tilespmem:v54+s22+$0x0], $0xffff  }
0x286: {  	v55 =	vld.idx.msk [tilespmem:v42+s12+$0x0], $0xffff;
	_ =	sdelay $0x2  }
0x287: {  	s25 =	sadd.s32 $0xFFFFFFFF, s10  }
0x288: {  	v56 =	vmov s25  }
0x289: {  	v57 =	vshll.u32 v56, $0x3;
	s13 =	spop (v2sf);
	v41 =	vadd.f32 v55, v41  }
0x28a: {  	s9 =	sand.u32 $0x7F, s9;
	v44 =	vand.u32 $0x76, v56;
	v43 =	vand.u32 $0x400, v57;
	s25 =	sand.u32 $0xFFFFF80, s13  }
0x28b: {  	v58 =	vor.u32 s9, v0;
	v59 =	vor.u32 v44, v43;
	s25 =	sadd.s32 s0, s25;
	[tilespmem:v42+s26+$0x0] =	vst.idx.msk $0xffff, v41  }
0x28c: {  	v43 =	vor.u32 v1, v59;
	[tilespmem:s22], [sflag:$0x6] =	stream.strided.gather [hbm4b:s25+s15], $0x2000, s16, s15, $0x38;
	[tilespmem:$0x18100] =	vst v63  }
0x28d: {  	_ =	swait.ge [sflag:s3], $0x2000  }
0x28e: {  	[sflag:s3] =	ssyncset.done $0x0  }
0x28f: {  	[sflag:s3] =	ssyncadd.s32 $0xFFFFE000  }
0x290: {  	v41 =	vld.idx.msk [tilespmem:v58+s23+$0x0], $0xffff  }
0x291: {  	v60 =	vld.idx.msk [tilespmem:v43+s12+$0x0], $0xffff;
	_ =	sdelay $0x2  }
0x292: {  	v61 =	vor.u32 s9, v2  }
0x293: {  	v62 =	vor.u32 v3, v59  }
0x294: {  	v41 =	vadd.f32 v60, v41;
	_ =	sdelay $0x1  }
0x295: {  	[tilespmem:v43+s26+$0x0] =	vst.idx.msk $0xffff, v41  }
0x296: {  	v41 =	vld.idx.msk [tilespmem:v61+s23+$0x0], $0xffff  }
0x297: {  	v43 =	vld.idx.msk [tilespmem:v62+s12+$0x0], $0xffff;
	_ =	sdelay $0x2  }
0x298: {  	v63 =	vor.u32 s9, v4  }
0x299: {  	v48 =	vor.u32 v5, v59  }
0x29a: {  	v41 =	vadd.f32 v43, v41;
	_ =	sdelay $0x1  }
0x29b: {  	[tilespmem:v62+s26+$0x0] =	vst.idx.msk $0xffff, v41  }
0x29c: {  	(v2sf) =	vpush v40, $0xE;
	v41 =	vld.idx.msk [tilespmem:v63+s23+$0x0], $0xffff  }
0x29d: {  	v49 =	vld.idx.msk [tilespmem:v48+s12+$0x0], $0xffff;
	_ =	sdelay $0x2  }
0x29e: {  	v50 =	vor.u32 s9, v6  }
0x29f: {  	v42 =	vor.u32 v7, v59  }
0x2a0: {  	v41 =	vadd.f32 v49, v41;
	_ =	sdelay $0x1  }
0x2a1: {  	[tilespmem:v48+s26+$0x0] =	vst.idx.msk $0xffff, v41  }
0x2a2: {  	v41 =	vld.idx.msk [tilespmem:v50+s23+$0x0], $0xffff  }
0x2a3: {  	v51 =	vld.idx.msk [tilespmem:v42+s12+$0x0], $0xffff;
	_ =	sdelay $0x3  }
0x2a4: {  	v52 =	vmov s10  }
0x2a5: {  	v53 =	vshll.u32 v52, $0x3;
	s9 =	spop (v2sf);
	v41 =	vadd.f32 v51, v41  }
0x2a6: {  	s8 =	sand.u32 $0x7F, s8;
	v44 =	vand.u32 $0x77, v52;
	v43 =	vand.u32 $0x400, v53;
	s25 =	sand.u32 $0xFFFFF80, s9  }
0x2a7: {  	v54 =	vor.u32 s8, v0;
	v55 =	vor.u32 v44, v43;
	s25 =	sadd.s32 s0, s25;
	[tilespmem:v42+s26+$0x0] =	vst.idx.msk $0xffff, v41  }
0x2a8: {  	v43 =	vor.u32 v1, v55;
	[tilespmem:s23], [sflag:$0x7] =	stream.strided.gather [hbm4b:s25+s15], $0x2000, s16, s15, $0x38;
	[tilespmem:$0x18100] =	vst v63  }
0x2a9: {  	_ =	swait.ge [sflag:s2], $0x2000  }
0x2aa: {  	[sflag:s2] =	ssyncset.done $0x0  }
0x2ab: {  	[sflag:s2] =	ssyncadd.s32 $0xFFFFE000  }
0x2ac: {  	v41 =	vld.idx.msk [tilespmem:v54+s24+$0x0], $0xffff  }
0x2ad: {  	v56 =	vld.idx.msk [tilespmem:v43+s12+$0x0], $0xffff;
	_ =	sdelay $0x2  }
0x2ae: {  	v57 =	vor.u32 s8, v2  }
0x2af: {  	v58 =	vor.u32 v3, v55  }
0x2b0: {  	v41 =	vadd.f32 v56, v41;
	_ =	sdelay $0x1  }
0x2b1: {  	[tilespmem:v43+s26+$0x0] =	vst.idx.msk $0xffff, v41  }
0x2b2: {  	v41 =	vld.idx.msk [tilespmem:v57+s24+$0x0], $0xffff  }
0x2b3: {  	v43 =	vld.idx.msk [tilespmem:v58+s12+$0x0], $0xffff;
	_ =	sdelay $0x2  }
0x2b4: {  	v59 =	vor.u32 s8, v4  }
0x2b5: {  	v60 =	vor.u32 v5, v55  }
0x2b6: {  	v41 =	vadd.f32 v43, v41;
	_ =	sdelay $0x1  }
0x2b7: {  	[tilespmem:v58+s26+$0x0] =	vst.idx.msk $0xffff, v41  }
0x2b8: {  	v41 =	vld.idx.msk [tilespmem:v59+s24+$0x0], $0xffff  }
0x2b9: {  	(v2sf) =	vpush v40, $0xF;
	v61 =	vld.idx.msk [tilespmem:v60+s12+$0x0], $0xffff;
	_ =	sdelay $0x2  }
0x2ba: {  	v62 =	vor.u32 s8, v6  }
0x2bb: {  	v42 =	vor.u32 v7, v55  }
0x2bc: {  	v41 =	vadd.f32 v61, v41;
	_ =	sdelay $0x1  }
0x2bd: {  	[tilespmem:v60+s26+$0x0] =	vst.idx.msk $0xffff, v41  }
0x2be: {  	v41 =	vld.idx.msk [tilespmem:v62+s24+$0x0], $0xffff  }
0x2bf: {  	v63 =	vld.idx.msk [tilespmem:v42+s12+$0x0], $0xffff;
	_ =	sdelay $0x2  }
0x2c0: {  	s10 =	sadd.s32 $0x10, s10  }
0x2c1: {  	p0 =	sne.s32 s10, $0x107  }
.Ltmp0:
0x2c2: {  	v41 =	vadd.f32 v63, v41;
	(pc) =	sbr.rel @p0 .LBB2_2-.Ltmp0, $4  }
0x2c3: {  	s8 =	spop (v2sf)  }
0x2c4: {  	s25 =	sand.u32 $0xFFFFF80, s8  }
0x2c5: {  	s14 =	sadd.s32 $0x10, s14;
	s25 =	sadd.s32 s0, s25;
	[tilespmem:v42+s26+$0x0] =	vst.idx.msk $0xffff, v41  }
0x2c6: {  	[tilespmem:s24], [sflag:$0x8] =	stream.strided.gather [hbm4b:s25+s15], $0x2000, s16, s15, $0x38;
	v41 =	vmov v40;
	[tilespmem:$0x18100] =	vst v63  }
0x2c7: {  	s4 =	sand.u32 $0x7F, s4  }
0x2c8: {  	s10 =	simm.s32 $0x1;
	v40 =	vor.u32 s4, v0  }
0x2c9: {  	_ =	swait.ge [sflag:s10], $0x2000  }
0x2ca: {  	[sflag:s10] =	ssyncset.done $0x0  }
0x2cb: {  	[sflag:s10] =	ssyncadd.s32 $0xFFFFE000  }
0x2cc: {  	v41 =	vld.idx.msk [tilespmem:v8+s12+$0x0], $0xffff  }
0x2cd: {  	v40 =	vld.idx.msk [tilespmem:v40+s17+$0x0], $0xffff;
	_ =	sdelay $0x2  }
0x2ce: {  	v42 =	vor.u32 s4, v2;
	_ =	sdelay $0x1  }
0x2cf: {  	v40 =	vadd.f32 v41, v40;
	_ =	sdelay $0x1  }
0x2d0: {  	[tilespmem:v8+s26+$0x0] =	vst.idx.msk $0xffff, v40  }
0x2d1: {  	v40 =	vld.idx.msk [tilespmem:v42+s17+$0x0], $0xffff  }
0x2d2: {  	v53 =	vld.idx.msk [tilespmem:v9+s12+$0x0], $0xffff;
	_ =	sdelay $0x2  }
0x2d3: {  	v54 =	vor.u32 s4, v4;
	_ =	sdelay $0x1  }
0x2d4: {  	v40 =	vadd.f32 v53, v40;
	_ =	sdelay $0x1  }
0x2d5: {  	[tilespmem:v9+s26+$0x0] =	vst.idx.msk $0xffff, v40  }
0x2d6: {  	v40 =	vld.idx.msk [tilespmem:v54+s17+$0x0], $0xffff  }
0x2d7: {  	v55 =	vld.idx.msk [tilespmem:v10+s12+$0x0], $0xffff;
	_ =	sdelay $0x2  }
0x2d8: {  	v56 =	vor.u32 s4, v6;
	_ =	sdelay $0x1  }
0x2d9: {  	v40 =	vadd.f32 v55, v40;
	_ =	sdelay $0x1  }
0x2da: {  	[tilespmem:v10+s26+$0x0] =	vst.idx.msk $0xffff, v40  }
0x2db: {  	v40 =	vld.idx.msk [tilespmem:v56+s17+$0x0], $0xffff  }
0x2dc: {  	v57 =	vld.idx.msk [tilespmem:v11+s12+$0x0], $0xffff;
	_ =	sdelay $0x4  }
0x2dd: {  	s14 =	sand.u32 $0x7F, s11;
	v40 =	vadd.f32 v57, v40  }
0x2de: {  	v58 =	vor.u32 s14, v0  }
0x2df: {  	[tilespmem:v11+s26+$0x0] =	vst.idx.msk $0xffff, v40  }
0x2e0: {  	_ =	swait.ge [sflag:s28], $0x2000  }
0x2e1: {  	[sflag:s28] =	ssyncset.done $0x0  }
0x2e2: {  	[sflag:s28] =	ssyncadd.s32 $0xFFFFE000  }
0x2e3: {  	v59 =	vld.idx.msk [tilespmem:v58+s18+$0x0], $0xffff  }
0x2e4: {  	v60 =	vld.idx.msk [tilespmem:v12+s12+$0x0], $0xffff;
	_ =	sdelay $0x2  }
0x2e5: {  	v61 =	vor.u32 s14, v2;
	_ =	sdelay $0x1  }
0x2e6: {  	v40 =	vadd.f32 v60, v59;
	_ =	sdelay $0x1  }
0x2e7: {  	[tilespmem:v12+s26+$0x0] =	vst.idx.msk $0xffff, v40  }
0x2e8: {  	v40 =	vld.idx.msk [tilespmem:v61+s18+$0x0], $0xffff  }
0x2e9: {  	v62 =	vld.idx.msk [tilespmem:v13+s12+$0x0], $0xffff;
	_ =	sdelay $0x2  }
0x2ea: {  	v63 =	vor.u32 s14, v4;
	_ =	sdelay $0x1  }
0x2eb: {  	v40 =	vadd.f32 v62, v40;
	_ =	sdelay $0x1  }
0x2ec: {  	[tilespmem:v13+s26+$0x0] =	vst.idx.msk $0xffff, v40  }
0x2ed: {  	v40 =	vld.idx.msk [tilespmem:v63+s18+$0x0], $0xffff  }
0x2ee: {  	v45 =	vld.idx.msk [tilespmem:v14+s12+$0x0], $0xffff;
	_ =	sdelay $0x2  }
0x2ef: {  	v46 =	vor.u32 s14, v6;
	_ =	sdelay $0x1  }
0x2f0: {  	v40 =	vadd.f32 v45, v40;
	_ =	sdelay $0x1  }
0x2f1: {  	[tilespmem:v14+s26+$0x0] =	vst.idx.msk $0xffff, v40  }
0x2f2: {  	v40 =	vld.idx.msk [tilespmem:v46+s18+$0x0], $0xffff  }
0x2f3: {  	v47 =	vld.idx.msk [tilespmem:v15+s12+$0x0], $0xffff;
	_ =	sdelay $0x4  }
0x2f4: {  	s25 =	sand.u32 $0x7F, s5;
	v40 =	vadd.f32 v47, v40  }
0x2f5: {  	v48 =	vor.u32 s25, v0  }
0x2f6: {  	[tilespmem:v15+s26+$0x0] =	vst.idx.msk $0xffff, v40  }
0x2f7: {  	_ =	swait.ge [sflag:s29], $0x2000  }
0x2f8: {  	[sflag:s29] =	ssyncset.done $0x0  }
0x2f9: {  	[sflag:s29] =	ssyncadd.s32 $0xFFFFE000  }
0x2fa: {  	v49 =	vld.idx.msk [tilespmem:v48+s19+$0x0], $0xffff  }
0x2fb: {  	v50 =	vld.idx.msk [tilespmem:v16+s12+$0x0], $0xffff;
	_ =	sdelay $0x2  }
0x2fc: {  	v51 =	vor.u32 s25, v2;
	_ =	sdelay $0x1  }
0x2fd: {  	v40 =	vadd.f32 v50, v49;
	_ =	sdelay $0x1  }
0x2fe: {  	[tilespmem:v16+s26+$0x0] =	vst.idx.msk $0xffff, v40  }
0x2ff: {  	v40 =	vld.idx.msk [tilespmem:v51+s19+$0x0], $0xffff  }
0x300: {  	v52 =	vld.idx.msk [tilespmem:v17+s12+$0x0], $0xffff;
	_ =	sdelay $0x2  }
0x301: {  	v53 =	vor.u32 s25, v4;
	_ =	sdelay $0x1  }
0x302: {  	v40 =	vadd.f32 v52, v40;
	_ =	sdelay $0x1  }
0x303: {  	[tilespmem:v17+s26+$0x0] =	vst.idx.msk $0xffff, v40  }
0x304: {  	v40 =	vld.idx.msk [tilespmem:v53+s19+$0x0], $0xffff  }
0x305: {  	v54 =	vld.idx.msk [tilespmem:v18+s12+$0x0], $0xffff;
	_ =	sdelay $0x2  }
0x306: {  	v55 =	vor.u32 s25, v6;
	_ =	sdelay $0x1  }
0x307: {  	v40 =	vadd.f32 v54, v40;
	_ =	sdelay $0x1  }
0x308: {  	[tilespmem:v18+s26+$0x0] =	vst.idx.msk $0xffff, v40  }
0x309: {  	v40 =	vld.idx.msk [tilespmem:v55+s19+$0x0], $0xffff  }
0x30a: {  	v56 =	vld.idx.msk [tilespmem:v19+s12+$0x0], $0xffff;
	_ =	sdelay $0x4  }
0x30b: {  	s5 =	sand.u32 $0x7F, s6;
	v40 =	vadd.f32 v56, v40  }
0x30c: {  	v57 =	vor.u32 s5, v0  }
0x30d: {  	[tilespmem:v19+s26+$0x0] =	vst.idx.msk $0xffff, v40  }
0x30e: {  	_ =	swait.ge [sflag:s30], $0x2000  }
0x30f: {  	[sflag:s30] =	ssyncset.done $0x0  }
0x310: {  	[sflag:s30] =	ssyncadd.s32 $0xFFFFE000  }
0x311: {  	v58 =	vld.idx.msk [tilespmem:v57+s20+$0x0], $0xffff  }
0x312: {  	v59 =	vld.idx.msk [tilespmem:v20+s12+$0x0], $0xffff;
	_ =	sdelay $0x2  }
0x313: {  	v60 =	vor.u32 s5, v2;
	_ =	sdelay $0x1  }
0x314: {  	v40 =	vadd.f32 v59, v58;
	_ =	sdelay $0x1  }
0x315: {  	[tilespmem:v20+s26+$0x0] =	vst.idx.msk $0xffff, v40  }
0x316: {  	v40 =	vld.idx.msk [tilespmem:v60+s20+$0x0], $0xffff  }
0x317: {  	v61 =	vld.idx.msk [tilespmem:v21+s12+$0x0], $0xffff;
	_ =	sdelay $0x2  }
0x318: {  	v62 =	vor.u32 s5, v4;
	_ =	sdelay $0x1  }
0x319: {  	v40 =	vadd.f32 v61, v40;
	_ =	sdelay $0x1  }
0x31a: {  	[tilespmem:v21+s26+$0x0] =	vst.idx.msk $0xffff, v40  }
0x31b: {  	v40 =	vld.idx.msk [tilespmem:v62+s20+$0x0], $0xffff  }
0x31c: {  	v63 =	vld.idx.msk [tilespmem:v22+s12+$0x0], $0xffff;
	_ =	sdelay $0x2  }
0x31d: {  	v45 =	vor.u32 s5, v6;
	_ =	sdelay $0x1  }
0x31e: {  	v40 =	vadd.f32 v63, v40;
	_ =	sdelay $0x1  }
0x31f: {  	[tilespmem:v22+s26+$0x0] =	vst.idx.msk $0xffff, v40  }
0x320: {  	v40 =	vld.idx.msk [tilespmem:v45+s20+$0x0], $0xffff  }
0x321: {  	v46 =	vld.idx.msk [tilespmem:v23+s12+$0x0], $0xffff;
	_ =	sdelay $0x4  }
0x322: {  	s6 =	sand.u32 $0x7F, s7;
	v40 =	vadd.f32 v46, v40  }
0x323: {  	v47 =	vor.u32 s6, v0  }
0x324: {  	[tilespmem:v23+s26+$0x0] =	vst.idx.msk $0xffff, v40  }
0x325: {  	_ =	swait.ge [sflag:s31], $0x2000  }
0x326: {  	[sflag:s31] =	ssyncset.done $0x0  }
0x327: {  	[sflag:s31] =	ssyncadd.s32 $0xFFFFE000  }
0x328: {  	v48 =	vld.idx.msk [tilespmem:v47+s21+$0x0], $0xffff  }
0x329: {  	v49 =	vld.idx.msk [tilespmem:v24+s12+$0x0], $0xffff;
	_ =	sdelay $0x2  }
0x32a: {  	v50 =	vor.u32 s6, v2;
	_ =	sdelay $0x1  }
0x32b: {  	v40 =	vadd.f32 v49, v48;
	_ =	sdelay $0x1  }
0x32c: {  	[tilespmem:v24+s26+$0x0] =	vst.idx.msk $0xffff, v40  }
0x32d: {  	v40 =	vld.idx.msk [tilespmem:v50+s21+$0x0], $0xffff  }
0x32e: {  	v51 =	vld.idx.msk [tilespmem:v25+s12+$0x0], $0xffff;
	_ =	sdelay $0x2  }
0x32f: {  	v52 =	vor.u32 s6, v4;
	_ =	sdelay $0x1  }
0x330: {  	v40 =	vadd.f32 v51, v40;
	_ =	sdelay $0x1  }
0x331: {  	[tilespmem:v25+s26+$0x0] =	vst.idx.msk $0xffff, v40  }
0x332: {  	v40 =	vld.idx.msk [tilespmem:v52+s21+$0x0], $0xffff  }
0x333: {  	v53 =	vld.idx.msk [tilespmem:v26+s12+$0x0], $0xffff;
	_ =	sdelay $0x2  }
0x334: {  	v54 =	vor.u32 s6, v6;
	_ =	sdelay $0x1  }
0x335: {  	v40 =	vadd.f32 v53, v40;
	_ =	sdelay $0x1  }
0x336: {  	[tilespmem:v26+s26+$0x0] =	vst.idx.msk $0xffff, v40  }
0x337: {  	v40 =	vld.idx.msk [tilespmem:v54+s21+$0x0], $0xffff  }
0x338: {  	v55 =	vld.idx.msk [tilespmem:v27+s12+$0x0], $0xffff;
	_ =	sdelay $0x4  }
0x339: {  	s7 =	sand.u32 $0x7F, s13;
	v40 =	vadd.f32 v55, v40  }
0x33a: {  	v56 =	vor.u32 s7, v0  }
0x33b: {  	[tilespmem:v27+s26+$0x0] =	vst.idx.msk $0xffff, v40  }
0x33c: {  	_ =	swait.ge [sflag:s1], $0x2000  }
0x33d: {  	[sflag:s1] =	ssyncset.done $0x0  }
0x33e: {  	[sflag:s1] =	ssyncadd.s32 $0xFFFFE000  }
0x33f: {  	v57 =	vld.idx.msk [tilespmem:v56+s22+$0x0], $0xffff  }
0x340: {  	v58 =	vld.idx.msk [tilespmem:v28+s12+$0x0], $0xffff;
	_ =	sdelay $0x2  }
0x341: {  	v59 =	vor.u32 s7, v2;
	_ =	sdelay $0x1  }
0x342: {  	v40 =	vadd.f32 v58, v57;
	_ =	sdelay $0x1  }
0x343: {  	[tilespmem:v28+s26+$0x0] =	vst.idx.msk $0xffff, v40  }
0x344: {  	v40 =	vld.idx.msk [tilespmem:v59+s22+$0x0], $0xffff  }
0x345: {  	v60 =	vld.idx.msk [tilespmem:v29+s12+$0x0], $0xffff;
	_ =	sdelay $0x2  }
0x346: {  	v61 =	vor.u32 s7, v4;
	_ =	sdelay $0x1  }
0x347: {  	v40 =	vadd.f32 v60, v40;
	_ =	sdelay $0x1  }
0x348: {  	[tilespmem:v29+s26+$0x0] =	vst.idx.msk $0xffff, v40  }
0x349: {  	v40 =	vld.idx.msk [tilespmem:v61+s22+$0x0], $0xffff  }
0x34a: {  	v62 =	vld.idx.msk [tilespmem:v30+s12+$0x0], $0xffff;
	_ =	sdelay $0x2  }
0x34b: {  	v63 =	vor.u32 s7, v6;
	_ =	sdelay $0x1  }
0x34c: {  	v40 =	vadd.f32 v62, v40;
	_ =	sdelay $0x1  }
0x34d: {  	[tilespmem:v30+s26+$0x0] =	vst.idx.msk $0xffff, v40  }
0x34e: {  	v40 =	vld.idx.msk [tilespmem:v63+s22+$0x0], $0xffff  }
0x34f: {  	v45 =	vld.idx.msk [tilespmem:v31+s12+$0x0], $0xffff;
	_ =	sdelay $0x4  }
0x350: {  	s10 =	sand.u32 $0x7F, s9;
	v40 =	vadd.f32 v45, v40  }
0x351: {  	v46 =	vor.u32 s10, v0  }
0x352: {  	[tilespmem:v31+s26+$0x0] =	vst.idx.msk $0xffff, v40  }
0x353: {  	_ =	swait.ge [sflag:s3], $0x2000  }
0x354: {  	[sflag:s3] =	ssyncset.done $0x0  }
0x355: {  	[sflag:s3] =	ssyncadd.s32 $0xFFFFE000  }
0x356: {  	v47 =	vld.idx.msk [tilespmem:v46+s23+$0x0], $0xffff  }
0x357: {  	v48 =	vld.idx.msk [tilespmem:v32+s12+$0x0], $0xffff;
	_ =	sdelay $0x2  }
0x358: {  	v49 =	vor.u32 s10, v2;
	_ =	sdelay $0x1  }
0x359: {  	v40 =	vadd.f32 v48, v47;
	_ =	sdelay $0x1  }
0x35a: {  	[tilespmem:v32+s26+$0x0] =	vst.idx.msk $0xffff, v40  }
0x35b: {  	v40 =	vld.idx.msk [tilespmem:v49+s23+$0x0], $0xffff  }
0x35c: {  	v50 =	vld.idx.msk [tilespmem:v33+s12+$0x0], $0xffff;
	_ =	sdelay $0x2  }
0x35d: {  	v51 =	vor.u32 s10, v4;
	_ =	sdelay $0x1  }
0x35e: {  	v40 =	vadd.f32 v50, v40;
	_ =	sdelay $0x1  }
0x35f: {  	[tilespmem:v33+s26+$0x0] =	vst.idx.msk $0xffff, v40  }
0x360: {  	v40 =	vld.idx.msk [tilespmem:v51+s23+$0x0], $0xffff  }
0x361: {  	v52 =	vld.idx.msk [tilespmem:v34+s12+$0x0], $0xffff;
	_ =	sdelay $0x2  }
0x362: {  	v53 =	vor.u32 s10, v6;
	_ =	sdelay $0x1  }
0x363: {  	v40 =	vadd.f32 v52, v40;
	_ =	sdelay $0x1  }
0x364: {  	[tilespmem:v34+s26+$0x0] =	vst.idx.msk $0xffff, v40  }
0x365: {  	v40 =	vld.idx.msk [tilespmem:v53+s23+$0x0], $0xffff  }
0x366: {  	v54 =	vld.idx.msk [tilespmem:v35+s12+$0x0], $0xffff;
	_ =	sdelay $0x4  }
0x367: {  	s11 =	sand.u32 $0x7F, s8;
	v40 =	vadd.f32 v54, v40  }
0x368: {  	v55 =	vor.u32 s11, v0  }
0x369: {  	[tilespmem:v35+s26+$0x0] =	vst.idx.msk $0xffff, v40  }
0x36a: {  	_ =	swait.ge [sflag:s2], $0x2000  }
0x36b: {  	[sflag:s2] =	ssyncset.done $0x0  }
0x36c: {  	[sflag:s2] =	ssyncadd.s32 $0xFFFFE000  }
0x36d: {  	v56 =	vld.idx.msk [tilespmem:v55+s24+$0x0], $0xffff  }
0x36e: {  	v57 =	vld.idx.msk [tilespmem:v36+s12+$0x0], $0xffff;
	_ =	sdelay $0x2  }
0x36f: {  	v58 =	vor.u32 s11, v2;
	_ =	sdelay $0x1  }
0x370: {  	v40 =	vadd.f32 v57, v56;
	_ =	sdelay $0x1  }
0x371: {  	[tilespmem:v36+s26+$0x0] =	vst.idx.msk $0xffff, v40  }
0x372: {  	v40 =	vld.idx.msk [tilespmem:v58+s24+$0x0], $0xffff  }
0x373: {  	v59 =	vld.idx.msk [tilespmem:v37+s12+$0x0], $0xffff;
	_ =	sdelay $0x2  }
0x374: {  	v60 =	vor.u32 s11, v4;
	_ =	sdelay $0x1  }
0x375: {  	v40 =	vadd.f32 v59, v40;
	_ =	sdelay $0x1  }
0x376: {  	[tilespmem:v37+s26+$0x0] =	vst.idx.msk $0xffff, v40  }
0x377: {  	v40 =	vld.idx.msk [tilespmem:v60+s24+$0x0], $0xffff  }
0x378: {  	v61 =	vld.idx.msk [tilespmem:v38+s12+$0x0], $0xffff;
	_ =	sdelay $0x2  }
0x379: {  	v62 =	vor.u32 s11, v6;
	_ =	sdelay $0x1  }
0x37a: {  	v40 =	vadd.f32 v61, v40;
	_ =	sdelay $0x1  }
0x37b: {  	[tilespmem:v38+s26+$0x0] =	vst.idx.msk $0xffff, v40  }
0x37c: {  	v40 =	vld.idx.msk [tilespmem:v62+s24+$0x0], $0xffff  }
0x37d: {  	v63 =	vld.idx.msk [tilespmem:v39+s12+$0x0], $0xffff;
	_ =	sdelay $0x4  }
0x37e: {  	v40 =	vadd.f32 v63, v40  }
0x37f: {  	s8 =	simm.s32 $0x800  }
0x380: {  	s9 =	simm.s32 $0x4000;
	s7 =	simm.s32 $0xA;
	s13 =	rddreg [dreg:$0x7];
	[tilespmem:v39+s26+$0x0] =	vst.idx.msk $0xffff, v40  }
0x381: {  	[hbm4b:s13+s8] =	stream.strided.scatter [tilespmem:s26], [sflag:$0xA], $0x4000, s9, s8, $0x38;
	[tilespmem:$0x18100] =	vst v63  }
0x382: {  	_ =	swait.ge [sflag:s7], $0x4000  }
0x383: {  	s14 =	rddreg [dreg:$0x9]  }
0x384: {  	s25 =	rddreg [dreg:$0x8];
	s5 =	sadd.s32 $0x1, s14  }
0x385: {  	p0 =	sne.s32 s5, s25  }
.Ltmp1:
0x386: {  	_ = 	snop;
	(pc) =	sbr.rel @p0 .LBB2_1-.Ltmp1, $3  }
0x387: {  	_ =	sdelay $0x1  }
0x388: {  	[sflag:s7] =	ssyncset.done $0x0  }
0x389: {  	[sflag:s7] =	ssyncadd.s32 $0xFFFFC000  }
0x38a: {  	_ =	sfence.sel $0x180000  }
0x38b: {  	[bflag:$0x0] =	sbarrier.arrive $0xFFFF  }
0x38c: {  	_ =	strace $0x90000047  }
0x38d: {  	s0 =	stileid.u32;
	[bflag:$0x2] =	sbarrier.arrive $0xFFFF  }
0x38e: {  	p0 =	sne.s32 s0, $0x0;
	s0 =	rddreg [dreg:$0x4]  }
0x38f: {  	s0 =	sadd.s32 @!p0 $0x100000, s0  }
0x390: {  	[sflag:s0] =	ssyncadd.tile.s32 @!p0 $0x1;
	_ =	shalt  }
.Lfunc_end2:
_tile_overlayer_lowered:
.L_overlay_start_2:
0x391: {  	(tag) =	ssettag $0x2  }
0x392: {  	s0 =	rddreg [dreg:$0x0];
	s2 =	stileid.u32  }
0x393: {  	s1 =	rddreg [dreg:$0x1];
	p0 =	sne.s32 s2, $0x0  }
0x394: {  	s3 =	rddreg [dreg:$0x2];
	[bflag:$0x3] =	sbarrier.arrive $0xFFFF;
	s2 =	simm.s32 @!p0 $0x1C0A  }
0x395: {  	[timem:s3], [sflag:s2] =	dma.local @!p0 [hbm:s0], s1  }
0x396: {  	s0 =	simm.s32 @!p0 $0xA  }
0x397: {  	_ =	swait.ge @!p0 [sflag:s0], s1  }
0x398: {  	s1 =	ssub.s32 @!p0 $0x0, s1;
	[sflag:s0] =	ssyncset.done @!p0 $0x0  }
0x399: {  	[sflag:s0] =	ssyncadd.s32 @!p0 s1  }
0x39a: {  	[bflag:$0x3] =	sbarrier.arrive $0xFFFF  }
0x39b: {  	_ =	shalt  }

</sc_bundles>
